<compile_context>
chip_gen: v7x
topology: tpu7x:2x2x1
jax: 0.10.2.dev20260603
libtpu: 0.0.44.dev20260713+nightly
codegen_flags: <defaults>
</compile_context>

<pallas_src>
import jax
import jax.numpy as jnp
from jax import lax
from jax.experimental import pallas as pl
from jax.experimental.pallas import tpu as pltpu
from jax.experimental.pallas import tpu_sc as plsc

_NUM_CARD = 4096
_BATCH = 4096
_HAND_LEN = 256
_C3 = _NUM_CARD * 3

_NC = 2
_NS = 16
_NW = _NC * _NS
_ROWS_PER_W = _BATCH // _NW
_NBUF = 2
_L = 16


def _tec_body(hands_hbm, out_hbm, hands_v, rowbuf, *sems):
    wid = lax.axis_index("s") * _NC + lax.axis_index("c")
    row0 = wid * _ROWS_PER_W

    hands_cp = pltpu.make_async_copy(
        hands_hbm.at[pl.ds(row0, _ROWS_PER_W), :], hands_v, sems[0]
    )
    hands_cp.start()

    minus100 = jnp.full((_L,), -100.0, jnp.float32)
    zero = jnp.zeros((_L,), jnp.float32)

    def fill(i, c):
        for j in range(8):
            rowbuf[pl.ds((i * 8 + j) * _L, _L)] = minus100
        return c

    lax.fori_loop(0, (_NBUF * _C3) // (8 * _L), fill, 0)
    hands_cp.wait()

    def scatter_row(rl, p, value):
        poff = p * _C3
        for c in range(_HAND_LEN // _L):
            h = hands_v[rl, pl.ds(c * _L, _L)]
            valid = h >= 1
            b0 = h * 3 + (poff - 3)
            plsc.store_scatter(rowbuf, [b0], value, mask=valid)
            plsc.store_scatter(rowbuf, [b0 + 1], value, mask=valid)
            plsc.store_scatter(rowbuf, [b0 + 2], value, mask=valid)

    def out_copy(rl, p):
        return pltpu.make_async_copy(
            rowbuf.at[pl.ds(p * _C3, _C3)],
            out_hbm.at[row0 + rl],
            sems[p],
        )

    for p in range(_NBUF):
        scatter_row(p, p, zero)
        out_copy(p, p).start()

    def body(g, c):
        for p in range(_NBUF):
            rl = g * _NBUF + p
            out_copy(rl - _NBUF, p).wait()
            scatter_row(rl - _NBUF, p, minus100)
            scatter_row(rl, p, zero)
            out_copy(rl, p).start()
        return c

    lax.fori_loop(1, _ROWS_PER_W // _NBUF, body, 0)

    for p in range(_NBUF):
        out_copy(_ROWS_PER_W - _NBUF + p, p).wait()


def kernel(hands, updates):
    del updates
    mesh = plsc.VectorSubcoreMesh(core_axis_name="c", subcore_axis_name="s")
    k = pl.kernel(
        _tec_body,
        mesh=mesh,
        out_type=jax.ShapeDtypeStruct((_BATCH, _C3), jnp.float32),
        compiler_params=pltpu.CompilerParams(
            needs_layout_passes=False, use_tc_tiling_on_sc=True
        ),
        scratch_types=[
            pltpu.VMEM((_ROWS_PER_W, _HAND_LEN), jnp.int32),
            pltpu.VMEM((_NBUF * _C3,), jnp.float32),
        ] + [pltpu.SemaphoreType.DMA] * _NBUF,
    )
    return k(hands)

# --- scband reference (transcript-rebuilt; emitter-appended) ---
"""Pipeline reference for scband-hands-to-mask-36876589204231 (READ-ONLY COPY).

The authoritative reference and input builder live on the scoring server;
editing this copy changes nothing except your own understanding.
"""

import jax, jax.numpy as jnp
import numpy as np

NUM_CARD = 4096
BATCH = 4096
HAND_LEN = 256


def setup_inputs(seed: int = 0):
    key = jax.random.key(seed)
    hands = jax.random.randint(jax.random.fold_in(key, 0), (BATCH, HAND_LEN), 0, NUM_CARD + 1, dtype=jnp.int32)
    updates = jnp.ones((BATCH, HAND_LEN * 3), dtype=jnp.float32)
    return {"hands": hands, "updates": updates}


def _forward(hands, updates):
    batch, H = hands.shape
    h = (hands - 1) * 3
    # concatenate [hands+0, hands+1, hands+2] along axis 1, as in the TF layer
    h3 = jnp.concatenate([h, h + 1, h + 2], axis=1)  # [batch, 3H]
    C3 = NUM_CARD * 3
    # entries coming from padding (original value 0) become negative -> drop them,
    # mirroring tf.boolean_mask(indices, indices[:, 1] >= 0)
    valid = h3 >= 0
    pos = jnp.where(valid, h3, C3)  # C3 is out-of-bounds sentinel, dropped by mode='drop'
    batch_idx = jnp.broadcast_to(jnp.arange(batch, dtype=jnp.int32)[:, None], pos.shape)
    # tf code deduplicates indices then scatter_nd's ones; .at[].set(1.0) is
    # idempotent under duplicates, so UniqueV2 is not needed for equivalence.
    scatter = jnp.zeros((batch, C3), dtype=jnp.float32).at[
        batch_idx.reshape(-1), pos.reshape(-1)
    ].set(updates.reshape(-1), mode='drop')
    mask = (scatter - 1.0) * 100.0
    return mask


def reference(hands, updates):
    return _forward(hands, updates)

if __name__ == "__main__":
    import jax
    _d = setup_inputs()
    print(jax.jit(kernel)(*tuple(_d.values())))

</pallas_src>

<mosaic_0001>
#map = affine_map<(d0, d1) -> (0, 0)>
module attributes {stable_mosaic.version = 14 : i64} {
  func.func @_tec_body(%arg0: i32, %arg1: i32, %arg2: memref<4096x256xi32, #tpu.memory_space<hbm>>, %arg3: memref<4096x12288xf32, #tpu.memory_space<hbm>>, %arg4: memref<128x256xi32, #tpu.memory_space<vmem>>, %arg5: memref<24576xf32, #tpu.memory_space<vmem>>, %arg6: memref<!tpu.dma_semaphore, #tpu.memory_space<semaphore_mem>>, %arg7: memref<!tpu.dma_semaphore, #tpu.memory_space<semaphore_mem>>) attributes {dimension_semantics = [#tpu.dimension_semantics<core_parallel>, #tpu.dimension_semantics<subcore_parallel>], iteration_bounds = array<i64: 2, 16>, scalar_prefetch = 0 : i64, scratch_operands = 4 : i64, tpu.core_type = #tpu.core_type<sc_vector_subcore>, window_params = [{transform_indices = #map}, {transform_indices = #map}]} {
    %mul3A = arith.constant 2 : i32
    %mul3A_0 = arith.muli %arg1, %mul3A : i32
    %add3A = arith.addi %mul3A_0, %arg0 : i32
    %mul3A_1 = arith.constant 128 : i32
    %mul3A_2 = arith.muli %add3A, %mul3A_1 : i32
    %dma_start3A = arith.constant 0 : i32
    %dma_start3A_3 = tpu.memref_slice %arg2[%mul3A_2, %dma_start3A] : memref<4096x256xi32, #tpu.memory_space<hbm>> -> memref<128x256xi32, #tpu.memory_space<hbm>>
    %dma_start3A_4 = arith.constant 0 : i32
    %dma_start3A_5 = tpu.memref_slice %arg2[%mul3A_2, %dma_start3A_4] : memref<4096x256xi32, #tpu.memory_space<hbm>> -> memref<128x256xi32, #tpu.memory_space<hbm>>
    tpu.enqueue_dma source(%dma_start3A_5 : memref<128x256xi32, #tpu.memory_space<hbm>>) target(%arg4 : memref<128x256xi32, #tpu.memory_space<vmem>>) target_semaphore(%arg6 : memref<!tpu.dma_semaphore, #tpu.memory_space<semaphore_mem>>)
    %broadcast_in_dim3A = arith.constant -1.000000e+02 : f32
    %broadcast_in_dim3A_6 = vector.broadcast %broadcast_in_dim3A : f32 to vector<16xf32>
    %broadcast_in_dim3A_7 = arith.constant 0.000000e+00 : f32
    %broadcast_in_dim3A_8 = vector.broadcast %broadcast_in_dim3A_7 : f32 to vector<16xf32>
    %scan3A = arith.constant 0 : i32
    %scan3A_9 = arith.constant 0 : i32
    %scan3A_10 = arith.constant 192 : i32
    %scan3A_11 = arith.addi %scan3A_9, %scan3A_10 : i32
    %scan3A_12 = arith.constant 1 : i32
    scf.for %scan3A_677 = %scan3A_9 to %scan3A_11 step %scan3A_12  : i32 {
      %mul3A_678 = arith.constant 8 : i32
      %mul3A_679 = arith.muli %scan3A_677, %mul3A_678 : i32
      %add3A_680 = arith.constant 0 : i32
      %add3A_681 = arith.addi %mul3A_679, %add3A_680 : i32
      %mul3A_682 = arith.constant 16 : i32
      %mul3A_683 = arith.muli %add3A_681, %mul3A_682 : i32
      %swap3A = arith.index_cast %mul3A_683 : i32 to index
      %swap3A_684 = tpu.vector_load %arg5[%swap3A] {strides = array<i32>} : memref<24576xf32, #tpu.memory_space<vmem>>, vector<16xf32>,
      tpu.vector_store %arg5[%swap3A], %broadcast_in_dim3A_6 {strides = array<i32>} : memref<24576xf32, #tpu.memory_space<vmem>>, vector<16xf32>,
      %mul3A_685 = arith.constant 8 : i32
      %mul3A_686 = arith.muli %scan3A_677, %mul3A_685 : i32
      %add3A_687 = arith.constant 1 : i32
      %add3A_688 = arith.addi %mul3A_686, %add3A_687 : i32
      %mul3A_689 = arith.constant 16 : i32
      %mul3A_690 = arith.muli %add3A_688, %mul3A_689 : i32
      %swap3A_691 = arith.index_cast %mul3A_690 : i32 to index
      %swap3A_692 = tpu.vector_load %arg5[%swap3A_691] {strides = array<i32>} : memref<24576xf32, #tpu.memory_space<vmem>>, vector<16xf32>,
      tpu.vector_store %arg5[%swap3A_691], %broadcast_in_dim3A_6 {strides = array<i32>} : memref<24576xf32, #tpu.memory_space<vmem>>, vector<16xf32>,
      %mul3A_693 = arith.constant 8 : i32
      %mul3A_694 = arith.muli %scan3A_677, %mul3A_693 : i32
      %add3A_695 = arith.constant 2 : i32
      %add3A_696 = arith.addi %mul3A_694, %add3A_695 : i32
      %mul3A_697 = arith.constant 16 : i32
      %mul3A_698 = arith.muli %add3A_696, %mul3A_697 : i32
      %swap3A_699 = arith.index_cast %mul3A_698 : i32 to index
      %swap3A_700 = tpu.vector_load %arg5[%swap3A_699] {strides = array<i32>} : memref<24576xf32, #tpu.memory_space<vmem>>, vector<16xf32>,
      tpu.vector_store %arg5[%swap3A_699], %broadcast_in_dim3A_6 {strides = array<i32>} : memref<24576xf32, #tpu.memory_space<vmem>>, vector<16xf32>,
      %mul3A_701 = arith.constant 8 : i32
      %mul3A_702 = arith.muli %scan3A_677, %mul3A_701 : i32
      %add3A_703 = arith.constant 3 : i32
      %add3A_704 = arith.addi %mul3A_702, %add3A_703 : i32
      %mul3A_705 = arith.constant 16 : i32
      %mul3A_706 = arith.muli %add3A_704, %mul3A_705 : i32
      %swap3A_707 = arith.index_cast %mul3A_706 : i32 to index
      %swap3A_708 = tpu.vector_load %arg5[%swap3A_707] {strides = array<i32>} : memref<24576xf32, #tpu.memory_space<vmem>>, vector<16xf32>,
      tpu.vector_store %arg5[%swap3A_707], %broadcast_in_dim3A_6 {strides = array<i32>} : memref<24576xf32, #tpu.memory_space<vmem>>, vector<16xf32>,
      %mul3A_709 = arith.constant 8 : i32
      %mul3A_710 = arith.muli %scan3A_677, %mul3A_709 : i32
      %add3A_711 = arith.constant 4 : i32
      %add3A_712 = arith.addi %mul3A_710, %add3A_711 : i32
      %mul3A_713 = arith.constant 16 : i32
      %mul3A_714 = arith.muli %add3A_712, %mul3A_713 : i32
      %swap3A_715 = arith.index_cast %mul3A_714 : i32 to index
      %swap3A_716 = tpu.vector_load %arg5[%swap3A_715] {strides = array<i32>} : memref<24576xf32, #tpu.memory_space<vmem>>, vector<16xf32>,
      tpu.vector_store %arg5[%swap3A_715], %broadcast_in_dim3A_6 {strides = array<i32>} : memref<24576xf32, #tpu.memory_space<vmem>>, vector<16xf32>,
      %mul3A_717 = arith.constant 8 : i32
      %mul3A_718 = arith.muli %scan3A_677, %mul3A_717 : i32
      %add3A_719 = arith.constant 5 : i32
      %add3A_720 = arith.addi %mul3A_718, %add3A_719 : i32
      %mul3A_721 = arith.constant 16 : i32
      %mul3A_722 = arith.muli %add3A_720, %mul3A_721 : i32
      %swap3A_723 = arith.index_cast %mul3A_722 : i32 to index
      %swap3A_724 = tpu.vector_load %arg5[%swap3A_723] {strides = array<i32>} : memref<24576xf32, #tpu.memory_space<vmem>>, vector<16xf32>,
      tpu.vector_store %arg5[%swap3A_723], %broadcast_in_dim3A_6 {strides = array<i32>} : memref<24576xf32, #tpu.memory_space<vmem>>, vector<16xf32>,
      %mul3A_725 = arith.constant 8 : i32
      %mul3A_726 = arith.muli %scan3A_677, %mul3A_725 : i32
      %add3A_727 = arith.constant 6 : i32
      %add3A_728 = arith.addi %mul3A_726, %add3A_727 : i32
      %mul3A_729 = arith.constant 16 : i32
      %mul3A_730 = arith.muli %add3A_728, %mul3A_729 : i32
      %swap3A_731 = arith.index_cast %mul3A_730 : i32 to index
      %swap3A_732 = tpu.vector_load %arg5[%swap3A_731] {strides = array<i32>} : memref<24576xf32, #tpu.memory_space<vmem>>, vector<16xf32>,
      tpu.vector_store %arg5[%swap3A_731], %broadcast_in_dim3A_6 {strides = array<i32>} : memref<24576xf32, #tpu.memory_space<vmem>>, vector<16xf32>,
      %mul3A_733 = arith.constant 8 : i32
      %mul3A_734 = arith.muli %scan3A_677, %mul3A_733 : i32
      %add3A_735 = arith.constant 7 : i32
      %add3A_736 = arith.addi %mul3A_734, %add3A_735 : i32
      %mul3A_737 = arith.constant 16 : i32
      %mul3A_738 = arith.muli %add3A_736, %mul3A_737 : i32
      %swap3A_739 = arith.index_cast %mul3A_738 : i32 to index
      %swap3A_740 = tpu.vector_load %arg5[%swap3A_739] {strides = array<i32>} : memref<24576xf32, #tpu.memory_space<vmem>>, vector<16xf32>,
      tpu.vector_store %arg5[%swap3A_739], %broadcast_in_dim3A_6 {strides = array<i32>} : memref<24576xf32, #tpu.memory_space<vmem>>, vector<16xf32>,
    }
    %scan3A_13 = arith.constant 192 : i32
    %dma_wait3A = arith.constant 0 : i32
    %dma_wait3A_14 = tpu.memref_slice %arg2[%mul3A_2, %dma_wait3A] : memref<4096x256xi32, #tpu.memory_space<hbm>> -> memref<128x256xi32, #tpu.memory_space<hbm>>
    %dma_wait3A_15 = arith.constant 0 : i32
    %dma_wait3A_16 = tpu.memref_slice %arg2[%mul3A_2, %dma_wait3A_15] : memref<4096x256xi32, #tpu.memory_space<hbm>> -> memref<128x256xi32, #tpu.memory_space<hbm>>
    tpu.wait_dma2 semaphore(%arg6 : memref<!tpu.dma_semaphore, #tpu.memory_space<semaphore_mem>>) src(%dma_wait3A_16 : memref<128x256xi32, #tpu.memory_space<hbm>>) dst(%arg4 : memref<128x256xi32, #tpu.memory_space<vmem>>)
    %get3A = arith.constant 0 : i32
    %get3A_17 = arith.index_cast %get3A : i32 to index
    %get3A_18 = arith.constant 0 : index
    %get3A_19 = tpu.vector_load %arg4[%get3A_17, %get3A_18] {strides = array<i32>} : memref<128x256xi32, #tpu.memory_space<vmem>>, vector<16xi32>,
    %ge3A = arith.constant 1 : i32
    %ge3A_20 = vector.broadcast %ge3A : i32 to vector<16xi32>
    %ge3A_21 = arith.cmpi sge, %get3A_19, %ge3A_20 : vector<16xi32>
    %mul3A_22 = arith.constant 3 : i32
    %mul3A_23 = vector.broadcast %mul3A_22 : i32 to vector<16xi32>
    %mul3A_24 = arith.muli %get3A_19, %mul3A_23 : vector<16xi32>
    %add3A_25 = arith.constant -3 : i32
    %add3A_26 = vector.broadcast %add3A_25 : i32 to vector<16xi32>
    %add3A_27 = arith.addi %mul3A_24, %add3A_26 : vector<16xi32>
    tpu.vector_store_idx %arg5[%add3A_27], %broadcast_in_dim3A_8 masked %ge3A_21 : memref<24576xf32, #tpu.memory_space<vmem>>[vector<16xi32>], vector<16xf32>, vector<16xi1>
    %add3A_28 = arith.constant 1 : i32
    %add3A_29 = vector.broadcast %add3A_28 : i32 to vector<16xi32>
    %add3A_30 = arith.addi %add3A_27, %add3A_29 : vector<16xi32>
    tpu.vector_store_idx %arg5[%add3A_30], %broadcast_in_dim3A_8 masked %ge3A_21 : memref<24576xf32, #tpu.memory_space<vmem>>[vector<16xi32>], vector<16xf32>, vector<16xi1>
    %add3A_31 = arith.constant 2 : i32
    %add3A_32 = vector.broadcast %add3A_31 : i32 to vector<16xi32>
    %add3A_33 = arith.addi %add3A_27, %add3A_32 : vector<16xi32>
    tpu.vector_store_idx %arg5[%add3A_33], %broadcast_in_dim3A_8 masked %ge3A_21 : memref<24576xf32, #tpu.memory_space<vmem>>[vector<16xi32>], vector<16xf32>, vector<16xi1>
    %get3A_34 = arith.constant 0 : i32
    %get3A_35 = arith.index_cast %get3A_34 : i32 to index
    %get3A_36 = arith.constant 16 : index
    %get3A_37 = tpu.vector_load %arg4[%get3A_35, %get3A_36] {strides = array<i32>} : memref<128x256xi32, #tpu.memory_space<vmem>>, vector<16xi32>,
    %ge3A_38 = arith.constant 1 : i32
    %ge3A_39 = vector.broadcast %ge3A_38 : i32 to vector<16xi32>
    %ge3A_40 = arith.cmpi sge, %get3A_37, %ge3A_39 : vector<16xi32>
    %mul3A_41 = arith.constant 3 : i32
    %mul3A_42 = vector.broadcast %mul3A_41 : i32 to vector<16xi32>
    %mul3A_43 = arith.muli %get3A_37, %mul3A_42 : vector<16xi32>
    %add3A_44 = arith.constant -3 : i32
    %add3A_45 = vector.broadcast %add3A_44 : i32 to vector<16xi32>
    %add3A_46 = arith.addi %mul3A_43, %add3A_45 : vector<16xi32>
    tpu.vector_store_idx %arg5[%add3A_46], %broadcast_in_dim3A_8 masked %ge3A_40 : memref<24576xf32, #tpu.memory_space<vmem>>[vector<16xi32>], vector<16xf32>, vector<16xi1>
    %add3A_47 = arith.constant 1 : i32
    %add3A_48 = vector.broadcast %add3A_47 : i32 to vector<16xi32>
    %add3A_49 = arith.addi %add3A_46, %add3A_48 : vector<16xi32>
    tpu.vector_store_idx %arg5[%add3A_49], %broadcast_in_dim3A_8 masked %ge3A_40 : memref<24576xf32, #tpu.memory_space<vmem>>[vector<16xi32>], vector<16xf32>, vector<16xi1>
    %add3A_50 = arith.constant 2 : i32
    %add3A_51 = vector.broadcast %add3A_50 : i32 to vector<16xi32>
    %add3A_52 = arith.addi %add3A_46, %add3A_51 : vector<16xi32>
    tpu.vector_store_idx %arg5[%add3A_52], %broadcast_in_dim3A_8 masked %ge3A_40 : memref<24576xf32, #tpu.memory_space<vmem>>[vector<16xi32>], vector<16xf32>, vector<16xi1>
    %get3A_53 = arith.constant 0 : i32
    %get3A_54 = arith.index_cast %get3A_53 : i32 to index
    %get3A_55 = arith.constant 32 : index
    %get3A_56 = tpu.vector_load %arg4[%get3A_54, %get3A_55] {strides = array<i32>} : memref<128x256xi32, #tpu.memory_space<vmem>>, vector<16xi32>,
    %ge3A_57 = arith.constant 1 : i32
    %ge3A_58 = vector.broadcast %ge3A_57 : i32 to vector<16xi32>
    %ge3A_59 = arith.cmpi sge, %get3A_56, %ge3A_58 : vector<16xi32>
    %mul3A_60 = arith.constant 3 : i32
    %mul3A_61 = vector.broadcast %mul3A_60 : i32 to vector<16xi32>
    %mul3A_62 = arith.muli %get3A_56, %mul3A_61 : vector<16xi32>
    %add3A_63 = arith.constant -3 : i32
    %add3A_64 = vector.broadcast %add3A_63 : i32 to vector<16xi32>
    %add3A_65 = arith.addi %mul3A_62, %add3A_64 : vector<16xi32>
    tpu.vector_store_idx %arg5[%add3A_65], %broadcast_in_dim3A_8 masked %ge3A_59 : memref<24576xf32, #tpu.memory_space<vmem>>[vector<16xi32>], vector<16xf32>, vector<16xi1>
    %add3A_66 = arith.constant 1 : i32
    %add3A_67 = vector.broadcast %add3A_66 : i32 to vector<16xi32>
    %add3A_68 = arith.addi %add3A_65, %add3A_67 : vector<16xi32>
    tpu.vector_store_idx %arg5[%add3A_68], %broadcast_in_dim3A_8 masked %ge3A_59 : memref<24576xf32, #tpu.memory_space<vmem>>[vector<16xi32>], vector<16xf32>, vector<16xi1>
    %add3A_69 = arith.constant 2 : i32
    %add3A_70 = vector.broadcast %add3A_69 : i32 to vector<16xi32>
    %add3A_71 = arith.addi %add3A_65, %add3A_70 : vector<16xi32>
    tpu.vector_store_idx %arg5[%add3A_71], %broadcast_in_dim3A_8 masked %ge3A_59 : memref<24576xf32, #tpu.memory_space<vmem>>[vector<16xi32>], vector<16xf32>, vector<16xi1>
    %get3A_72 = arith.constant 0 : i32
    %get3A_73 = arith.index_cast %get3A_72 : i32 to index
    %get3A_74 = arith.constant 48 : index
    %get3A_75 = tpu.vector_load %arg4[%get3A_73, %get3A_74] {strides = array<i32>} : memref<128x256xi32, #tpu.memory_space<vmem>>, vector<16xi32>,
    %ge3A_76 = arith.constant 1 : i32
    %ge3A_77 = vector.broadcast %ge3A_76 : i32 to vector<16xi32>
    %ge3A_78 = arith.cmpi sge, %get3A_75, %ge3A_77 : vector<16xi32>
    %mul3A_79 = arith.constant 3 : i32
    %mul3A_80 = vector.broadcast %mul3A_79 : i32 to vector<16xi32>
    %mul3A_81 = arith.muli %get3A_75, %mul3A_80 : vector<16xi32>
    %add3A_82 = arith.constant -3 : i32
    %add3A_83 = vector.broadcast %add3A_82 : i32 to vector<16xi32>
    %add3A_84 = arith.addi %mul3A_81, %add3A_83 : vector<16xi32>
    tpu.vector_store_idx %arg5[%add3A_84], %broadcast_in_dim3A_8 masked %ge3A_78 : memref<24576xf32, #tpu.memory_space<vmem>>[vector<16xi32>], vector<16xf32>, vector<16xi1>
    %add3A_85 = arith.constant 1 : i32
    %add3A_86 = vector.broadcast %add3A_85 : i32 to vector<16xi32>
    %add3A_87 = arith.addi %add3A_84, %add3A_86 : vector<16xi32>
    tpu.vector_store_idx %arg5[%add3A_87], %broadcast_in_dim3A_8 masked %ge3A_78 : memref<24576xf32, #tpu.memory_space<vmem>>[vector<16xi32>], vector<16xf32>, vector<16xi1>
    %add3A_88 = arith.constant 2 : i32
    %add3A_89 = vector.broadcast %add3A_88 : i32 to vector<16xi32>
    %add3A_90 = arith.addi %add3A_84, %add3A_89 : vector<16xi32>
    tpu.vector_store_idx %arg5[%add3A_90], %broadcast_in_dim3A_8 masked %ge3A_78 : memref<24576xf32, #tpu.memory_space<vmem>>[vector<16xi32>], vector<16xf32>, vector<16xi1>
    %get3A_91 = arith.constant 0 : i32
    %get3A_92 = arith.index_cast %get3A_91 : i32 to index
    %get3A_93 = arith.constant 64 : index
    %get3A_94 = tpu.vector_load %arg4[%get3A_92, %get3A_93] {strides = array<i32>} : memref<128x256xi32, #tpu.memory_space<vmem>>, vector<16xi32>,
    %ge3A_95 = arith.constant 1 : i32
    %ge3A_96 = vector.broadcast %ge3A_95 : i32 to vector<16xi32>
    %ge3A_97 = arith.cmpi sge, %get3A_94, %ge3A_96 : vector<16xi32>
    %mul3A_98 = arith.constant 3 : i32
    %mul3A_99 = vector.broadcast %mul3A_98 : i32 to vector<16xi32>
    %mul3A_100 = arith.muli %get3A_94, %mul3A_99 : vector<16xi32>
    %add3A_101 = arith.constant -3 : i32
    %add3A_102 = vector.broadcast %add3A_101 : i32 to vector<16xi32>
    %add3A_103 = arith.addi %mul3A_100, %add3A_102 : vector<16xi32>
    tpu.vector_store_idx %arg5[%add3A_103], %broadcast_in_dim3A_8 masked %ge3A_97 : memref<24576xf32, #tpu.memory_space<vmem>>[vector<16xi32>], vector<16xf32>, vector<16xi1>
    %add3A_104 = arith.constant 1 : i32
    %add3A_105 = vector.broadcast %add3A_104 : i32 to vector<16xi32>
    %add3A_106 = arith.addi %add3A_103, %add3A_105 : vector<16xi32>
    tpu.vector_store_idx %arg5[%add3A_106], %broadcast_in_dim3A_8 masked %ge3A_97 : memref<24576xf32, #tpu.memory_space<vmem>>[vector<16xi32>], vector<16xf32>, vector<16xi1>
    %add3A_107 = arith.constant 2 : i32
    %add3A_108 = vector.broadcast %add3A_107 : i32 to vector<16xi32>
    %add3A_109 = arith.addi %add3A_103, %add3A_108 : vector<16xi32>
    tpu.vector_store_idx %arg5[%add3A_109], %broadcast_in_dim3A_8 masked %ge3A_97 : memref<24576xf32, #tpu.memory_space<vmem>>[vector<16xi32>], vector<16xf32>, vector<16xi1>
    %get3A_110 = arith.constant 0 : i32
    %get3A_111 = arith.index_cast %get3A_110 : i32 to index
    %get3A_112 = arith.constant 80 : index
    %get3A_113 = tpu.vector_load %arg4[%get3A_111, %get3A_112] {strides = array<i32>} : memref<128x256xi32, #tpu.memory_space<vmem>>, vector<16xi32>,
    %ge3A_114 = arith.constant 1 : i32
    %ge3A_115 = vector.broadcast %ge3A_114 : i32 to vector<16xi32>
    %ge3A_116 = arith.cmpi sge, %get3A_113, %ge3A_115 : vector<16xi32>
    %mul3A_117 = arith.constant 3 : i32
    %mul3A_118 = vector.broadcast %mul3A_117 : i32 to vector<16xi32>
    %mul3A_119 = arith.muli %get3A_113, %mul3A_118 : vector<16xi32>
    %add3A_120 = arith.constant -3 : i32
    %add3A_121 = vector.broadcast %add3A_120 : i32 to vector<16xi32>
    %add3A_122 = arith.addi %mul3A_119, %add3A_121 : vector<16xi32>
    tpu.vector_store_idx %arg5[%add3A_122], %broadcast_in_dim3A_8 masked %ge3A_116 : memref<24576xf32, #tpu.memory_space<vmem>>[vector<16xi32>], vector<16xf32>, vector<16xi1>
    %add3A_123 = arith.constant 1 : i32
    %add3A_124 = vector.broadcast %add3A_123 : i32 to vector<16xi32>
    %add3A_125 = arith.addi %add3A_122, %add3A_124 : vector<16xi32>
    tpu.vector_store_idx %arg5[%add3A_125], %broadcast_in_dim3A_8 masked %ge3A_116 : memref<24576xf32, #tpu.memory_space<vmem>>[vector<16xi32>], vector<16xf32>, vector<16xi1>
    %add3A_126 = arith.constant 2 : i32
    %add3A_127 = vector.broadcast %add3A_126 : i32 to vector<16xi32>
    %add3A_128 = arith.addi %add3A_122, %add3A_127 : vector<16xi32>
    tpu.vector_store_idx %arg5[%add3A_128], %broadcast_in_dim3A_8 masked %ge3A_116 : memref<24576xf32, #tpu.memory_space<vmem>>[vector<16xi32>], vector<16xf32>, vector<16xi1>
    %get3A_129 = arith.constant 0 : i32
    %get3A_130 = arith.index_cast %get3A_129 : i32 to index
    %get3A_131 = arith.constant 96 : index
    %get3A_132 = tpu.vector_load %arg4[%get3A_130, %get3A_131] {strides = array<i32>} : memref<128x256xi32, #tpu.memory_space<vmem>>, vector<16xi32>,
    %ge3A_133 = arith.constant 1 : i32
    %ge3A_134 = vector.broadcast %ge3A_133 : i32 to vector<16xi32>
    %ge3A_135 = arith.cmpi sge, %get3A_132, %ge3A_134 : vector<16xi32>
    %mul3A_136 = arith.constant 3 : i32
    %mul3A_137 = vector.broadcast %mul3A_136 : i32 to vector<16xi32>
    %mul3A_138 = arith.muli %get3A_132, %mul3A_137 : vector<16xi32>
    %add3A_139 = arith.constant -3 : i32
    %add3A_140 = vector.broadcast %add3A_139 : i32 to vector<16xi32>
    %add3A_141 = arith.addi %mul3A_138, %add3A_140 : vector<16xi32>
    tpu.vector_store_idx %arg5[%add3A_141], %broadcast_in_dim3A_8 masked %ge3A_135 : memref<24576xf32, #tpu.memory_space<vmem>>[vector<16xi32>], vector<16xf32>, vector<16xi1>
    %add3A_142 = arith.constant 1 : i32
    %add3A_143 = vector.broadcast %add3A_142 : i32 to vector<16xi32>
    %add3A_144 = arith.addi %add3A_141, %add3A_143 : vector<16xi32>
    tpu.vector_store_idx %arg5[%add3A_144], %broadcast_in_dim3A_8 masked %ge3A_135 : memref<24576xf32, #tpu.memory_space<vmem>>[vector<16xi32>], vector<16xf32>, vector<16xi1>
    %add3A_145 = arith.constant 2 : i32
    %add3A_146 = vector.broadcast %add3A_145 : i32 to vector<16xi32>
    %add3A_147 = arith.addi %add3A_141, %add3A_146 : vector<16xi32>
    tpu.vector_store_idx %arg5[%add3A_147], %broadcast_in_dim3A_8 masked %ge3A_135 : memref<24576xf32, #tpu.memory_space<vmem>>[vector<16xi32>], vector<16xf32>, vector<16xi1>
    %get3A_148 = arith.constant 0 : i32
    %get3A_149 = arith.index_cast %get3A_148 : i32 to index
    %get3A_150 = arith.constant 112 : index
    %get3A_151 = tpu.vector_load %arg4[%get3A_149, %get3A_150] {strides = array<i32>} : memref<128x256xi32, #tpu.memory_space<vmem>>, vector<16xi32>,
    %ge3A_152 = arith.constant 1 : i32
    %ge3A_153 = vector.broadcast %ge3A_152 : i32 to vector<16xi32>
    %ge3A_154 = arith.cmpi sge, %get3A_151, %ge3A_153 : vector<16xi32>
    %mul3A_155 = arith.constant 3 : i32
    %mul3A_156 = vector.broadcast %mul3A_155 : i32 to vector<16xi32>
    %mul3A_157 = arith.muli %get3A_151, %mul3A_156 : vector<16xi32>
    %add3A_158 = arith.constant -3 : i32
    %add3A_159 = vector.broadcast %add3A_158 : i32 to vector<16xi32>
    %add3A_160 = arith.addi %mul3A_157, %add3A_159 : vector<16xi32>
    tpu.vector_store_idx %arg5[%add3A_160], %broadcast_in_dim3A_8 masked %ge3A_154 : memref<24576xf32, #tpu.memory_space<vmem>>[vector<16xi32>], vector<16xf32>, vector<16xi1>
    %add3A_161 = arith.constant 1 : i32
    %add3A_162 = vector.broadcast %add3A_161 : i32 to vector<16xi32>
    %add3A_163 = arith.addi %add3A_160, %add3A_162 : vector<16xi32>
    tpu.vector_store_idx %arg5[%add3A_163], %broadcast_in_dim3A_8 masked %ge3A_154 : memref<24576xf32, #tpu.memory_space<vmem>>[vector<16xi32>], vector<16xf32>, vector<16xi1>
    %add3A_164 = arith.constant 2 : i32
    %add3A_165 = vector.broadcast %add3A_164 : i32 to vector<16xi32>
    %add3A_166 = arith.addi %add3A_160, %add3A_165 : vector<16xi32>
    tpu.vector_store_idx %arg5[%add3A_166], %broadcast_in_dim3A_8 masked %ge3A_154 : memref<24576xf32, #tpu.memory_space<vmem>>[vector<16xi32>], vector<16xf32>, vector<16xi1>
    %get3A_167 = arith.constant 0 : i32
    %get3A_168 = arith.index_cast %get3A_167 : i32 to index
    %get3A_169 = arith.constant 128 : index
    %get3A_170 = tpu.vector_load %arg4[%get3A_168, %get3A_169] {strides = array<i32>} : memref<128x256xi32, #tpu.memory_space<vmem>>, vector<16xi32>,
    %ge3A_171 = arith.constant 1 : i32
    %ge3A_172 = vector.broadcast %ge3A_171 : i32 to vector<16xi32>
    %ge3A_173 = arith.cmpi sge, %get3A_170, %ge3A_172 : vector<16xi32>
    %mul3A_174 = arith.constant 3 : i32
    %mul3A_175 = vector.broadcast %mul3A_174 : i32 to vector<16xi32>
    %mul3A_176 = arith.muli %get3A_170, %mul3A_175 : vector<16xi32>
    %add3A_177 = arith.constant -3 : i32
    %add3A_178 = vector.broadcast %add3A_177 : i32 to vector<16xi32>
    %add3A_179 = arith.addi %mul3A_176, %add3A_178 : vector<16xi32>
    tpu.vector_store_idx %arg5[%add3A_179], %broadcast_in_dim3A_8 masked %ge3A_173 : memref<24576xf32, #tpu.memory_space<vmem>>[vector<16xi32>], vector<16xf32>, vector<16xi1>
    %add3A_180 = arith.constant 1 : i32
    %add3A_181 = vector.broadcast %add3A_180 : i32 to vector<16xi32>
    %add3A_182 = arith.addi %add3A_179, %add3A_181 : vector<16xi32>
    tpu.vector_store_idx %arg5[%add3A_182], %broadcast_in_dim3A_8 masked %ge3A_173 : memref<24576xf32, #tpu.memory_space<vmem>>[vector<16xi32>], vector<16xf32>, vector<16xi1>
    %add3A_183 = arith.constant 2 : i32
    %add3A_184 = vector.broadcast %add3A_183 : i32 to vector<16xi32>
    %add3A_185 = arith.addi %add3A_179, %add3A_184 : vector<16xi32>
    tpu.vector_store_idx %arg5[%add3A_185], %broadcast_in_dim3A_8 masked %ge3A_173 : memref<24576xf32, #tpu.memory_space<vmem>>[vector<16xi32>], vector<16xf32>, vector<16xi1>
    %get3A_186 = arith.constant 0 : i32
    %get3A_187 = arith.index_cast %get3A_186 : i32 to index
    %get3A_188 = arith.constant 144 : index
    %get3A_189 = tpu.vector_load %arg4[%get3A_187, %get3A_188] {strides = array<i32>} : memref<128x256xi32, #tpu.memory_space<vmem>>, vector<16xi32>,
    %ge3A_190 = arith.constant 1 : i32
    %ge3A_191 = vector.broadcast %ge3A_190 : i32 to vector<16xi32>
    %ge3A_192 = arith.cmpi sge, %get3A_189, %ge3A_191 : vector<16xi32>
    %mul3A_193 = arith.constant 3 : i32
    %mul3A_194 = vector.broadcast %mul3A_193 : i32 to vector<16xi32>
    %mul3A_195 = arith.muli %get3A_189, %mul3A_194 : vector<16xi32>
    %add3A_196 = arith.constant -3 : i32
    %add3A_197 = vector.broadcast %add3A_196 : i32 to vector<16xi32>
    %add3A_198 = arith.addi %mul3A_195, %add3A_197 : vector<16xi32>
    tpu.vector_store_idx %arg5[%add3A_198], %broadcast_in_dim3A_8 masked %ge3A_192 : memref<24576xf32, #tpu.memory_space<vmem>>[vector<16xi32>], vector<16xf32>, vector<16xi1>
    %add3A_199 = arith.constant 1 : i32
    %add3A_200 = vector.broadcast %add3A_199 : i32 to vector<16xi32>
    %add3A_201 = arith.addi %add3A_198, %add3A_200 : vector<16xi32>
    tpu.vector_store_idx %arg5[%add3A_201], %broadcast_in_dim3A_8 masked %ge3A_192 : memref<24576xf32, #tpu.memory_space<vmem>>[vector<16xi32>], vector<16xf32>, vector<16xi1>
    %add3A_202 = arith.constant 2 : i32
    %add3A_203 = vector.broadcast %add3A_202 : i32 to vector<16xi32>
    %add3A_204 = arith.addi %add3A_198, %add3A_203 : vector<16xi32>
    tpu.vector_store_idx %arg5[%add3A_204], %broadcast_in_dim3A_8 masked %ge3A_192 : memref<24576xf32, #tpu.memory_space<vmem>>[vector<16xi32>], vector<16xf32>, vector<16xi1>
    %get3A_205 = arith.constant 0 : i32
    %get3A_206 = arith.index_cast %get3A_205 : i32 to index
    %get3A_207 = arith.constant 160 : index
    %get3A_208 = tpu.vector_load %arg4[%get3A_206, %get3A_207] {strides = array<i32>} : memref<128x256xi32, #tpu.memory_space<vmem>>, vector<16xi32>,
    %ge3A_209 = arith.constant 1 : i32
    %ge3A_210 = vector.broadcast %ge3A_209 : i32 to vector<16xi32>
    %ge3A_211 = arith.cmpi sge, %get3A_208, %ge3A_210 : vector<16xi32>
    %mul3A_212 = arith.constant 3 : i32
    %mul3A_213 = vector.broadcast %mul3A_212 : i32 to vector<16xi32>
    %mul3A_214 = arith.muli %get3A_208, %mul3A_213 : vector<16xi32>
    %add3A_215 = arith.constant -3 : i32
    %add3A_216 = vector.broadcast %add3A_215 : i32 to vector<16xi32>
    %add3A_217 = arith.addi %mul3A_214, %add3A_216 : vector<16xi32>
    tpu.vector_store_idx %arg5[%add3A_217], %broadcast_in_dim3A_8 masked %ge3A_211 : memref<24576xf32, #tpu.memory_space<vmem>>[vector<16xi32>], vector<16xf32>, vector<16xi1>
    %add3A_218 = arith.constant 1 : i32
    %add3A_219 = vector.broadcast %add3A_218 : i32 to vector<16xi32>
    %add3A_220 = arith.addi %add3A_217, %add3A_219 : vector<16xi32>
    tpu.vector_store_idx %arg5[%add3A_220], %broadcast_in_dim3A_8 masked %ge3A_211 : memref<24576xf32, #tpu.memory_space<vmem>>[vector<16xi32>], vector<16xf32>, vector<16xi1>
    %add3A_221 = arith.constant 2 : i32
    %add3A_222 = vector.broadcast %add3A_221 : i32 to vector<16xi32>
    %add3A_223 = arith.addi %add3A_217, %add3A_222 : vector<16xi32>
    tpu.vector_store_idx %arg5[%add3A_223], %broadcast_in_dim3A_8 masked %ge3A_211 : memref<24576xf32, #tpu.memory_space<vmem>>[vector<16xi32>], vector<16xf32>, vector<16xi1>
    %get3A_224 = arith.constant 0 : i32
    %get3A_225 = arith.index_cast %get3A_224 : i32 to index
    %get3A_226 = arith.constant 176 : index
    %get3A_227 = tpu.vector_load %arg4[%get3A_225, %get3A_226] {strides = array<i32>} : memref<128x256xi32, #tpu.memory_space<vmem>>, vector<16xi32>,
    %ge3A_228 = arith.constant 1 : i32
    %ge3A_229 = vector.broadcast %ge3A_228 : i32 to vector<16xi32>
    %ge3A_230 = arith.cmpi sge, %get3A_227, %ge3A_229 : vector<16xi32>
    %mul3A_231 = arith.constant 3 : i32
    %mul3A_232 = vector.broadcast %mul3A_231 : i32 to vector<16xi32>
    %mul3A_233 = arith.muli %get3A_227, %mul3A_232 : vector<16xi32>
    %add3A_234 = arith.constant -3 : i32
    %add3A_235 = vector.broadcast %add3A_234 : i32 to vector<16xi32>
    %add3A_236 = arith.addi %mul3A_233, %add3A_235 : vector<16xi32>
    tpu.vector_store_idx %arg5[%add3A_236], %broadcast_in_dim3A_8 masked %ge3A_230 : memref<24576xf32, #tpu.memory_space<vmem>>[vector<16xi32>], vector<16xf32>, vector<16xi1>
    %add3A_237 = arith.constant 1 : i32
    %add3A_238 = vector.broadcast %add3A_237 : i32 to vector<16xi32>
    %add3A_239 = arith.addi %add3A_236, %add3A_238 : vector<16xi32>
    tpu.vector_store_idx %arg5[%add3A_239], %broadcast_in_dim3A_8 masked %ge3A_230 : memref<24576xf32, #tpu.memory_space<vmem>>[vector<16xi32>], vector<16xf32>, vector<16xi1>
    %add3A_240 = arith.constant 2 : i32
    %add3A_241 = vector.broadcast %add3A_240 : i32 to vector<16xi32>
    %add3A_242 = arith.addi %add3A_236, %add3A_241 : vector<16xi32>
    tpu.vector_store_idx %arg5[%add3A_242], %broadcast_in_dim3A_8 masked %ge3A_230 : memref<24576xf32, #tpu.memory_space<vmem>>[vector<16xi32>], vector<16xf32>, vector<16xi1>
    %get3A_243 = arith.constant 0 : i32
    %get3A_244 = arith.index_cast %get3A_243 : i32 to index
    %get3A_245 = arith.constant 192 : index
    %get3A_246 = tpu.vector_load %arg4[%get3A_244, %get3A_245] {strides = array<i32>} : memref<128x256xi32, #tpu.memory_space<vmem>>, vector<16xi32>,
    %ge3A_247 = arith.constant 1 : i32
    %ge3A_248 = vector.broadcast %ge3A_247 : i32 to vector<16xi32>
    %ge3A_249 = arith.cmpi sge, %get3A_246, %ge3A_248 : vector<16xi32>
    %mul3A_250 = arith.constant 3 : i32
    %mul3A_251 = vector.broadcast %mul3A_250 : i32 to vector<16xi32>
    %mul3A_252 = arith.muli %get3A_246, %mul3A_251 : vector<16xi32>
    %add3A_253 = arith.constant -3 : i32
    %add3A_254 = vector.broadcast %add3A_253 : i32 to vector<16xi32>
    %add3A_255 = arith.addi %mul3A_252, %add3A_254 : vector<16xi32>
    tpu.vector_store_idx %arg5[%add3A_255], %broadcast_in_dim3A_8 masked %ge3A_249 : memref<24576xf32, #tpu.memory_space<vmem>>[vector<16xi32>], vector<16xf32>, vector<16xi1>
    %add3A_256 = arith.constant 1 : i32
    %add3A_257 = vector.broadcast %add3A_256 : i32 to vector<16xi32>
    %add3A_258 = arith.addi %add3A_255, %add3A_257 : vector<16xi32>
    tpu.vector_store_idx %arg5[%add3A_258], %broadcast_in_dim3A_8 masked %ge3A_249 : memref<24576xf32, #tpu.memory_space<vmem>>[vector<16xi32>], vector<16xf32>, vector<16xi1>
    %add3A_259 = arith.constant 2 : i32
    %add3A_260 = vector.broadcast %add3A_259 : i32 to vector<16xi32>
    %add3A_261 = arith.addi %add3A_255, %add3A_260 : vector<16xi32>
    tpu.vector_store_idx %arg5[%add3A_261], %broadcast_in_dim3A_8 masked %ge3A_249 : memref<24576xf32, #tpu.memory_space<vmem>>[vector<16xi32>], vector<16xf32>, vector<16xi1>
    %get3A_262 = arith.constant 0 : i32
    %get3A_263 = arith.index_cast %get3A_262 : i32 to index
    %get3A_264 = arith.constant 208 : index
    %get3A_265 = tpu.vector_load %arg4[%get3A_263, %get3A_264] {strides = array<i32>} : memref<128x256xi32, #tpu.memory_space<vmem>>, vector<16xi32>,
    %ge3A_266 = arith.constant 1 : i32
    %ge3A_267 = vector.broadcast %ge3A_266 : i32 to vector<16xi32>
    %ge3A_268 = arith.cmpi sge, %get3A_265, %ge3A_267 : vector<16xi32>
    %mul3A_269 = arith.constant 3 : i32
    %mul3A_270 = vector.broadcast %mul3A_269 : i32 to vector<16xi32>
    %mul3A_271 = arith.muli %get3A_265, %mul3A_270 : vector<16xi32>
    %add3A_272 = arith.constant -3 : i32
    %add3A_273 = vector.broadcast %add3A_272 : i32 to vector<16xi32>
    %add3A_274 = arith.addi %mul3A_271, %add3A_273 : vector<16xi32>
    tpu.vector_store_idx %arg5[%add3A_274], %broadcast_in_dim3A_8 masked %ge3A_268 : memref<24576xf32, #tpu.memory_space<vmem>>[vector<16xi32>], vector<16xf32>, vector<16xi1>
    %add3A_275 = arith.constant 1 : i32
    %add3A_276 = vector.broadcast %add3A_275 : i32 to vector<16xi32>
    %add3A_277 = arith.addi %add3A_274, %add3A_276 : vector<16xi32>
    tpu.vector_store_idx %arg5[%add3A_277], %broadcast_in_dim3A_8 masked %ge3A_268 : memref<24576xf32, #tpu.memory_space<vmem>>[vector<16xi32>], vector<16xf32>, vector<16xi1>
    %add3A_278 = arith.constant 2 : i32
    %add3A_279 = vector.broadcast %add3A_278 : i32 to vector<16xi32>
    %add3A_280 = arith.addi %add3A_274, %add3A_279 : vector<16xi32>
    tpu.vector_store_idx %arg5[%add3A_280], %broadcast_in_dim3A_8 masked %ge3A_268 : memref<24576xf32, #tpu.memory_space<vmem>>[vector<16xi32>], vector<16xf32>, vector<16xi1>
    %get3A_281 = arith.constant 0 : i32
    %get3A_282 = arith.index_cast %get3A_281 : i32 to index
    %get3A_283 = arith.constant 224 : index
    %get3A_284 = tpu.vector_load %arg4[%get3A_282, %get3A_283] {strides = array<i32>} : memref<128x256xi32, #tpu.memory_space<vmem>>, vector<16xi32>,
    %ge3A_285 = arith.constant 1 : i32
    %ge3A_286 = vector.broadcast %ge3A_285 : i32 to vector<16xi32>
    %ge3A_287 = arith.cmpi sge, %get3A_284, %ge3A_286 : vector<16xi32>
    %mul3A_288 = arith.constant 3 : i32
    %mul3A_289 = vector.broadcast %mul3A_288 : i32 to vector<16xi32>
    %mul3A_290 = arith.muli %get3A_284, %mul3A_289 : vector<16xi32>
    %add3A_291 = arith.constant -3 : i32
    %add3A_292 = vector.broadcast %add3A_291 : i32 to vector<16xi32>
    %add3A_293 = arith.addi %mul3A_290, %add3A_292 : vector<16xi32>
    tpu.vector_store_idx %arg5[%add3A_293], %broadcast_in_dim3A_8 masked %ge3A_287 : memref<24576xf32, #tpu.memory_space<vmem>>[vector<16xi32>], vector<16xf32>, vector<16xi1>
    %add3A_294 = arith.constant 1 : i32
    %add3A_295 = vector.broadcast %add3A_294 : i32 to vector<16xi32>
    %add3A_296 = arith.addi %add3A_293, %add3A_295 : vector<16xi32>
    tpu.vector_store_idx %arg5[%add3A_296], %broadcast_in_dim3A_8 masked %ge3A_287 : memref<24576xf32, #tpu.memory_space<vmem>>[vector<16xi32>], vector<16xf32>, vector<16xi1>
    %add3A_297 = arith.constant 2 : i32
    %add3A_298 = vector.broadcast %add3A_297 : i32 to vector<16xi32>
    %add3A_299 = arith.addi %add3A_293, %add3A_298 : vector<16xi32>
    tpu.vector_store_idx %arg5[%add3A_299], %broadcast_in_dim3A_8 masked %ge3A_287 : memref<24576xf32, #tpu.memory_space<vmem>>[vector<16xi32>], vector<16xf32>, vector<16xi1>
    %get3A_300 = arith.constant 0 : i32
    %get3A_301 = arith.index_cast %get3A_300 : i32 to index
    %get3A_302 = arith.constant 240 : index
    %get3A_303 = tpu.vector_load %arg4[%get3A_301, %get3A_302] {strides = array<i32>} : memref<128x256xi32, #tpu.memory_space<vmem>>, vector<16xi32>,
    %ge3A_304 = arith.constant 1 : i32
    %ge3A_305 = vector.broadcast %ge3A_304 : i32 to vector<16xi32>
    %ge3A_306 = arith.cmpi sge, %get3A_303, %ge3A_305 : vector<16xi32>
    %mul3A_307 = arith.constant 3 : i32
    %mul3A_308 = vector.broadcast %mul3A_307 : i32 to vector<16xi32>
    %mul3A_309 = arith.muli %get3A_303, %mul3A_308 : vector<16xi32>
    %add3A_310 = arith.constant -3 : i32
    %add3A_311 = vector.broadcast %add3A_310 : i32 to vector<16xi32>
    %add3A_312 = arith.addi %mul3A_309, %add3A_311 : vector<16xi32>
    tpu.vector_store_idx %arg5[%add3A_312], %broadcast_in_dim3A_8 masked %ge3A_306 : memref<24576xf32, #tpu.memory_space<vmem>>[vector<16xi32>], vector<16xf32>, vector<16xi1>
    %add3A_313 = arith.constant 1 : i32
    %add3A_314 = vector.broadcast %add3A_313 : i32 to vector<16xi32>
    %add3A_315 = arith.addi %add3A_312, %add3A_314 : vector<16xi32>
    tpu.vector_store_idx %arg5[%add3A_315], %broadcast_in_dim3A_8 masked %ge3A_306 : memref<24576xf32, #tpu.memory_space<vmem>>[vector<16xi32>], vector<16xf32>, vector<16xi1>
    %add3A_316 = arith.constant 2 : i32
    %add3A_317 = vector.broadcast %add3A_316 : i32 to vector<16xi32>
    %add3A_318 = arith.addi %add3A_312, %add3A_317 : vector<16xi32>
    tpu.vector_store_idx %arg5[%add3A_318], %broadcast_in_dim3A_8 masked %ge3A_306 : memref<24576xf32, #tpu.memory_space<vmem>>[vector<16xi32>], vector<16xf32>, vector<16xi1>
    %add3A_319 = arith.constant 0 : i32
    %add3A_320 = arith.addi %mul3A_2, %add3A_319 : i32
    %dma_start3A_321 = arith.constant 0 : i32
    %dma_start3A_322 = tpu.memref_slice %arg5[%dma_start3A_321] : memref<24576xf32, #tpu.memory_space<vmem>> -> memref<12288xf32, #tpu.memory_space<vmem>>
    %dma_start3A_323 = arith.constant 0 : i32
    %dma_start3A_324 = tpu.memref_slice %arg3[%add3A_320, %dma_start3A_323] : memref<4096x12288xf32, #tpu.memory_space<hbm>> -> memref<1x12288xf32, #tpu.memory_space<hbm>>
    %dma_start3A_325 = tpu.memref_squeeze %dma_start3A_324 : memref<1x12288xf32, #tpu.memory_space<hbm>> -> memref<12288xf32, #tpu.memory_space<hbm>>
    %dma_start3A_326 = arith.constant 0 : i32
    %dma_start3A_327 = tpu.memref_slice %arg3[%add3A_320, %dma_start3A_326] : memref<4096x12288xf32, #tpu.memory_space<hbm>> -> memref<1x12288xf32, #tpu.memory_space<hbm>>
    %dma_start3A_328 = tpu.memref_squeeze %dma_start3A_327 : memref<1x12288xf32, #tpu.memory_space<hbm>> -> memref<12288xf32, #tpu.memory_space<hbm>>
    %dma_start3A_329 = arith.constant 0 : i32
    %dma_start3A_330 = tpu.memref_slice %arg5[%dma_start3A_329] : memref<24576xf32, #tpu.memory_space<vmem>> -> memref<12288xf32, #tpu.memory_space<vmem>>
    tpu.enqueue_dma source(%dma_start3A_330 : memref<12288xf32, #tpu.memory_space<vmem>>) target(%dma_start3A_328 : memref<12288xf32, #tpu.memory_space<hbm>>) target_semaphore(%arg6 : memref<!tpu.dma_semaphore, #tpu.memory_space<semaphore_mem>>)
    %get3A_331 = arith.constant 1 : i32
    %get3A_332 = arith.index_cast %get3A_331 : i32 to index
    %get3A_333 = arith.constant 0 : index
    %get3A_334 = tpu.vector_load %arg4[%get3A_332, %get3A_333] {strides = array<i32>} : memref<128x256xi32, #tpu.memory_space<vmem>>, vector<16xi32>,
    %ge3A_335 = arith.constant 1 : i32
    %ge3A_336 = vector.broadcast %ge3A_335 : i32 to vector<16xi32>
    %ge3A_337 = arith.cmpi sge, %get3A_334, %ge3A_336 : vector<16xi32>
    %mul3A_338 = arith.constant 3 : i32
    %mul3A_339 = vector.broadcast %mul3A_338 : i32 to vector<16xi32>
    %mul3A_340 = arith.muli %get3A_334, %mul3A_339 : vector<16xi32>
    %add3A_341 = arith.constant 12285 : i32
    %add3A_342 = vector.broadcast %add3A_341 : i32 to vector<16xi32>
    %add3A_343 = arith.addi %mul3A_340, %add3A_342 : vector<16xi32>
    tpu.vector_store_idx %arg5[%add3A_343], %broadcast_in_dim3A_8 masked %ge3A_337 : memref<24576xf32, #tpu.memory_space<vmem>>[vector<16xi32>], vector<16xf32>, vector<16xi1>
    %add3A_344 = arith.constant 1 : i32
    %add3A_345 = vector.broadcast %add3A_344 : i32 to vector<16xi32>
    %add3A_346 = arith.addi %add3A_343, %add3A_345 : vector<16xi32>
    tpu.vector_store_idx %arg5[%add3A_346], %broadcast_in_dim3A_8 masked %ge3A_337 : memref<24576xf32, #tpu.memory_space<vmem>>[vector<16xi32>], vector<16xf32>, vector<16xi1>
    %add3A_347 = arith.constant 2 : i32
    %add3A_348 = vector.broadcast %add3A_347 : i32 to vector<16xi32>
    %add3A_349 = arith.addi %add3A_343, %add3A_348 : vector<16xi32>
    tpu.vector_store_idx %arg5[%add3A_349], %broadcast_in_dim3A_8 masked %ge3A_337 : memref<24576xf32, #tpu.memory_space<vmem>>[vector<16xi32>], vector<16xf32>, vector<16xi1>
    %get3A_350 = arith.constant 1 : i32
    %get3A_351 = arith.index_cast %get3A_350 : i32 to index
    %get3A_352 = arith.constant 16 : index
    %get3A_353 = tpu.vector_load %arg4[%get3A_351, %get3A_352] {strides = array<i32>} : memref<128x256xi32, #tpu.memory_space<vmem>>, vector<16xi32>,
    %ge3A_354 = arith.constant 1 : i32
    %ge3A_355 = vector.broadcast %ge3A_354 : i32 to vector<16xi32>
    %ge3A_356 = arith.cmpi sge, %get3A_353, %ge3A_355 : vector<16xi32>
    %mul3A_357 = arith.constant 3 : i32
    %mul3A_358 = vector.broadcast %mul3A_357 : i32 to vector<16xi32>
    %mul3A_359 = arith.muli %get3A_353, %mul3A_358 : vector<16xi32>
    %add3A_360 = arith.constant 12285 : i32
    %add3A_361 = vector.broadcast %add3A_360 : i32 to vector<16xi32>
    %add3A_362 = arith.addi %mul3A_359, %add3A_361 : vector<16xi32>
    tpu.vector_store_idx %arg5[%add3A_362], %broadcast_in_dim3A_8 masked %ge3A_356 : memref<24576xf32, #tpu.memory_space<vmem>>[vector<16xi32>], vector<16xf32>, vector<16xi1>
    %add3A_363 = arith.constant 1 : i32
    %add3A_364 = vector.broadcast %add3A_363 : i32 to vector<16xi32>
    %add3A_365 = arith.addi %add3A_362, %add3A_364 : vector<16xi32>
    tpu.vector_store_idx %arg5[%add3A_365], %broadcast_in_dim3A_8 masked %ge3A_356 : memref<24576xf32, #tpu.memory_space<vmem>>[vector<16xi32>], vector<16xf32>, vector<16xi1>
    %add3A_366 = arith.constant 2 : i32
    %add3A_367 = vector.broadcast %add3A_366 : i32 to vector<16xi32>
    %add3A_368 = arith.addi %add3A_362, %add3A_367 : vector<16xi32>
    tpu.vector_store_idx %arg5[%add3A_368], %broadcast_in_dim3A_8 masked %ge3A_356 : memref<24576xf32, #tpu.memory_space<vmem>>[vector<16xi32>], vector<16xf32>, vector<16xi1>
    %get3A_369 = arith.constant 1 : i32
    %get3A_370 = arith.index_cast %get3A_369 : i32 to index
    %get3A_371 = arith.constant 32 : index
    %get3A_372 = tpu.vector_load %arg4[%get3A_370, %get3A_371] {strides = array<i32>} : memref<128x256xi32, #tpu.memory_space<vmem>>, vector<16xi32>,
    %ge3A_373 = arith.constant 1 : i32
    %ge3A_374 = vector.broadcast %ge3A_373 : i32 to vector<16xi32>
    %ge3A_375 = arith.cmpi sge, %get3A_372, %ge3A_374 : vector<16xi32>
    %mul3A_376 = arith.constant 3 : i32
    %mul3A_377 = vector.broadcast %mul3A_376 : i32 to vector<16xi32>
    %mul3A_378 = arith.muli %get3A_372, %mul3A_377 : vector<16xi32>
    %add3A_379 = arith.constant 12285 : i32
    %add3A_380 = vector.broadcast %add3A_379 : i32 to vector<16xi32>
    %add3A_381 = arith.addi %mul3A_378, %add3A_380 : vector<16xi32>
    tpu.vector_store_idx %arg5[%add3A_381], %broadcast_in_dim3A_8 masked %ge3A_375 : memref<24576xf32, #tpu.memory_space<vmem>>[vector<16xi32>], vector<16xf32>, vector<16xi1>
    %add3A_382 = arith.constant 1 : i32
    %add3A_383 = vector.broadcast %add3A_382 : i32 to vector<16xi32>
    %add3A_384 = arith.addi %add3A_381, %add3A_383 : vector<16xi32>
    tpu.vector_store_idx %arg5[%add3A_384], %broadcast_in_dim3A_8 masked %ge3A_375 : memref<24576xf32, #tpu.memory_space<vmem>>[vector<16xi32>], vector<16xf32>, vector<16xi1>
    %add3A_385 = arith.constant 2 : i32
    %add3A_386 = vector.broadcast %add3A_385 : i32 to vector<16xi32>
    %add3A_387 = arith.addi %add3A_381, %add3A_386 : vector<16xi32>
    tpu.vector_store_idx %arg5[%add3A_387], %broadcast_in_dim3A_8 masked %ge3A_375 : memref<24576xf32, #tpu.memory_space<vmem>>[vector<16xi32>], vector<16xf32>, vector<16xi1>
    %get3A_388 = arith.constant 1 : i32
    %get3A_389 = arith.index_cast %get3A_388 : i32 to index
    %get3A_390 = arith.constant 48 : index
    %get3A_391 = tpu.vector_load %arg4[%get3A_389, %get3A_390] {strides = array<i32>} : memref<128x256xi32, #tpu.memory_space<vmem>>, vector<16xi32>,
    %ge3A_392 = arith.constant 1 : i32
    %ge3A_393 = vector.broadcast %ge3A_392 : i32 to vector<16xi32>
    %ge3A_394 = arith.cmpi sge, %get3A_391, %ge3A_393 : vector<16xi32>
    %mul3A_395 = arith.constant 3 : i32
    %mul3A_396 = vector.broadcast %mul3A_395 : i32 to vector<16xi32>
    %mul3A_397 = arith.muli %get3A_391, %mul3A_396 : vector<16xi32>
    %add3A_398 = arith.constant 12285 : i32
    %add3A_399 = vector.broadcast %add3A_398 : i32 to vector<16xi32>
    %add3A_400 = arith.addi %mul3A_397, %add3A_399 : vector<16xi32>
    tpu.vector_store_idx %arg5[%add3A_400], %broadcast_in_dim3A_8 masked %ge3A_394 : memref<24576xf32, #tpu.memory_space<vmem>>[vector<16xi32>], vector<16xf32>, vector<16xi1>
    %add3A_401 = arith.constant 1 : i32
    %add3A_402 = vector.broadcast %add3A_401 : i32 to vector<16xi32>
    %add3A_403 = arith.addi %add3A_400, %add3A_402 : vector<16xi32>
    tpu.vector_store_idx %arg5[%add3A_403], %broadcast_in_dim3A_8 masked %ge3A_394 : memref<24576xf32, #tpu.memory_space<vmem>>[vector<16xi32>], vector<16xf32>, vector<16xi1>
    %add3A_404 = arith.constant 2 : i32
    %add3A_405 = vector.broadcast %add3A_404 : i32 to vector<16xi32>
    %add3A_406 = arith.addi %add3A_400, %add3A_405 : vector<16xi32>
    tpu.vector_store_idx %arg5[%add3A_406], %broadcast_in_dim3A_8 masked %ge3A_394 : memref<24576xf32, #tpu.memory_space<vmem>>[vector<16xi32>], vector<16xf32>, vector<16xi1>
    %get3A_407 = arith.constant 1 : i32
    %get3A_408 = arith.index_cast %get3A_407 : i32 to index
    %get3A_409 = arith.constant 64 : index
    %get3A_410 = tpu.vector_load %arg4[%get3A_408, %get3A_409] {strides = array<i32>} : memref<128x256xi32, #tpu.memory_space<vmem>>, vector<16xi32>,
    %ge3A_411 = arith.constant 1 : i32
    %ge3A_412 = vector.broadcast %ge3A_411 : i32 to vector<16xi32>
    %ge3A_413 = arith.cmpi sge, %get3A_410, %ge3A_412 : vector<16xi32>
    %mul3A_414 = arith.constant 3 : i32
    %mul3A_415 = vector.broadcast %mul3A_414 : i32 to vector<16xi32>
    %mul3A_416 = arith.muli %get3A_410, %mul3A_415 : vector<16xi32>
    %add3A_417 = arith.constant 12285 : i32
    %add3A_418 = vector.broadcast %add3A_417 : i32 to vector<16xi32>
    %add3A_419 = arith.addi %mul3A_416, %add3A_418 : vector<16xi32>
    tpu.vector_store_idx %arg5[%add3A_419], %broadcast_in_dim3A_8 masked %ge3A_413 : memref<24576xf32, #tpu.memory_space<vmem>>[vector<16xi32>], vector<16xf32>, vector<16xi1>
    %add3A_420 = arith.constant 1 : i32
    %add3A_421 = vector.broadcast %add3A_420 : i32 to vector<16xi32>
    %add3A_422 = arith.addi %add3A_419, %add3A_421 : vector<16xi32>
    tpu.vector_store_idx %arg5[%add3A_422], %broadcast_in_dim3A_8 masked %ge3A_413 : memref<24576xf32, #tpu.memory_space<vmem>>[vector<16xi32>], vector<16xf32>, vector<16xi1>
    %add3A_423 = arith.constant 2 : i32
    %add3A_424 = vector.broadcast %add3A_423 : i32 to vector<16xi32>
    %add3A_425 = arith.addi %add3A_419, %add3A_424 : vector<16xi32>
    tpu.vector_store_idx %arg5[%add3A_425], %broadcast_in_dim3A_8 masked %ge3A_413 : memref<24576xf32, #tpu.memory_space<vmem>>[vector<16xi32>], vector<16xf32>, vector<16xi1>
    %get3A_426 = arith.constant 1 : i32
    %get3A_427 = arith.index_cast %get3A_426 : i32 to index
    %get3A_428 = arith.constant 80 : index
    %get3A_429 = tpu.vector_load %arg4[%get3A_427, %get3A_428] {strides = array<i32>} : memref<128x256xi32, #tpu.memory_space<vmem>>, vector<16xi32>,
    %ge3A_430 = arith.constant 1 : i32
    %ge3A_431 = vector.broadcast %ge3A_430 : i32 to vector<16xi32>
    %ge3A_432 = arith.cmpi sge, %get3A_429, %ge3A_431 : vector<16xi32>
    %mul3A_433 = arith.constant 3 : i32
    %mul3A_434 = vector.broadcast %mul3A_433 : i32 to vector<16xi32>
    %mul3A_435 = arith.muli %get3A_429, %mul3A_434 : vector<16xi32>
    %add3A_436 = arith.constant 12285 : i32
    %add3A_437 = vector.broadcast %add3A_436 : i32 to vector<16xi32>
    %add3A_438 = arith.addi %mul3A_435, %add3A_437 : vector<16xi32>
    tpu.vector_store_idx %arg5[%add3A_438], %broadcast_in_dim3A_8 masked %ge3A_432 : memref<24576xf32, #tpu.memory_space<vmem>>[vector<16xi32>], vector<16xf32>, vector<16xi1>
    %add3A_439 = arith.constant 1 : i32
    %add3A_440 = vector.broadcast %add3A_439 : i32 to vector<16xi32>
    %add3A_441 = arith.addi %add3A_438, %add3A_440 : vector<16xi32>
    tpu.vector_store_idx %arg5[%add3A_441], %broadcast_in_dim3A_8 masked %ge3A_432 : memref<24576xf32, #tpu.memory_space<vmem>>[vector<16xi32>], vector<16xf32>, vector<16xi1>
    %add3A_442 = arith.constant 2 : i32
    %add3A_443 = vector.broadcast %add3A_442 : i32 to vector<16xi32>
    %add3A_444 = arith.addi %add3A_438, %add3A_443 : vector<16xi32>
    tpu.vector_store_idx %arg5[%add3A_444], %broadcast_in_dim3A_8 masked %ge3A_432 : memref<24576xf32, #tpu.memory_space<vmem>>[vector<16xi32>], vector<16xf32>, vector<16xi1>
    %get3A_445 = arith.constant 1 : i32
    %get3A_446 = arith.index_cast %get3A_445 : i32 to index
    %get3A_447 = arith.constant 96 : index
    %get3A_448 = tpu.vector_load %arg4[%get3A_446, %get3A_447] {strides = array<i32>} : memref<128x256xi32, #tpu.memory_space<vmem>>, vector<16xi32>,
    %ge3A_449 = arith.constant 1 : i32
    %ge3A_450 = vector.broadcast %ge3A_449 : i32 to vector<16xi32>
    %ge3A_451 = arith.cmpi sge, %get3A_448, %ge3A_450 : vector<16xi32>
    %mul3A_452 = arith.constant 3 : i32
    %mul3A_453 = vector.broadcast %mul3A_452 : i32 to vector<16xi32>
    %mul3A_454 = arith.muli %get3A_448, %mul3A_453 : vector<16xi32>
    %add3A_455 = arith.constant 12285 : i32
    %add3A_456 = vector.broadcast %add3A_455 : i32 to vector<16xi32>
    %add3A_457 = arith.addi %mul3A_454, %add3A_456 : vector<16xi32>
    tpu.vector_store_idx %arg5[%add3A_457], %broadcast_in_dim3A_8 masked %ge3A_451 : memref<24576xf32, #tpu.memory_space<vmem>>[vector<16xi32>], vector<16xf32>, vector<16xi1>
    %add3A_458 = arith.constant 1 : i32
    %add3A_459 = vector.broadcast %add3A_458 : i32 to vector<16xi32>
    %add3A_460 = arith.addi %add3A_457, %add3A_459 : vector<16xi32>
    tpu.vector_store_idx %arg5[%add3A_460], %broadcast_in_dim3A_8 masked %ge3A_451 : memref<24576xf32, #tpu.memory_space<vmem>>[vector<16xi32>], vector<16xf32>, vector<16xi1>
    %add3A_461 = arith.constant 2 : i32
    %add3A_462 = vector.broadcast %add3A_461 : i32 to vector<16xi32>
    %add3A_463 = arith.addi %add3A_457, %add3A_462 : vector<16xi32>
    tpu.vector_store_idx %arg5[%add3A_463], %broadcast_in_dim3A_8 masked %ge3A_451 : memref<24576xf32, #tpu.memory_space<vmem>>[vector<16xi32>], vector<16xf32>, vector<16xi1>
    %get3A_464 = arith.constant 1 : i32
    %get3A_465 = arith.index_cast %get3A_464 : i32 to index
    %get3A_466 = arith.constant 112 : index
    %get3A_467 = tpu.vector_load %arg4[%get3A_465, %get3A_466] {strides = array<i32>} : memref<128x256xi32, #tpu.memory_space<vmem>>, vector<16xi32>,
    %ge3A_468 = arith.constant 1 : i32
    %ge3A_469 = vector.broadcast %ge3A_468 : i32 to vector<16xi32>
    %ge3A_470 = arith.cmpi sge, %get3A_467, %ge3A_469 : vector<16xi32>
    %mul3A_471 = arith.constant 3 : i32
    %mul3A_472 = vector.broadcast %mul3A_471 : i32 to vector<16xi32>
    %mul3A_473 = arith.muli %get3A_467, %mul3A_472 : vector<16xi32>
    %add3A_474 = arith.constant 12285 : i32
    %add3A_475 = vector.broadcast %add3A_474 : i32 to vector<16xi32>
    %add3A_476 = arith.addi %mul3A_473, %add3A_475 : vector<16xi32>
    tpu.vector_store_idx %arg5[%add3A_476], %broadcast_in_dim3A_8 masked %ge3A_470 : memref<24576xf32, #tpu.memory_space<vmem>>[vector<16xi32>], vector<16xf32>, vector<16xi1>
    %add3A_477 = arith.constant 1 : i32
    %add3A_478 = vector.broadcast %add3A_477 : i32 to vector<16xi32>
    %add3A_479 = arith.addi %add3A_476, %add3A_478 : vector<16xi32>
    tpu.vector_store_idx %arg5[%add3A_479], %broadcast_in_dim3A_8 masked %ge3A_470 : memref<24576xf32, #tpu.memory_space<vmem>>[vector<16xi32>], vector<16xf32>, vector<16xi1>
    %add3A_480 = arith.constant 2 : i32
    %add3A_481 = vector.broadcast %add3A_480 : i32 to vector<16xi32>
    %add3A_482 = arith.addi %add3A_476, %add3A_481 : vector<16xi32>
    tpu.vector_store_idx %arg5[%add3A_482], %broadcast_in_dim3A_8 masked %ge3A_470 : memref<24576xf32, #tpu.memory_space<vmem>>[vector<16xi32>], vector<16xf32>, vector<16xi1>
    %get3A_483 = arith.constant 1 : i32
    %get3A_484 = arith.index_cast %get3A_483 : i32 to index
    %get3A_485 = arith.constant 128 : index
    %get3A_486 = tpu.vector_load %arg4[%get3A_484, %get3A_485] {strides = array<i32>} : memref<128x256xi32, #tpu.memory_space<vmem>>, vector<16xi32>,
    %ge3A_487 = arith.constant 1 : i32
    %ge3A_488 = vector.broadcast %ge3A_487 : i32 to vector<16xi32>
    %ge3A_489 = arith.cmpi sge, %get3A_486, %ge3A_488 : vector<16xi32>
    %mul3A_490 = arith.constant 3 : i32
    %mul3A_491 = vector.broadcast %mul3A_490 : i32 to vector<16xi32>
    %mul3A_492 = arith.muli %get3A_486, %mul3A_491 : vector<16xi32>
    %add3A_493 = arith.constant 12285 : i32
    %add3A_494 = vector.broadcast %add3A_493 : i32 to vector<16xi32>
    %add3A_495 = arith.addi %mul3A_492, %add3A_494 : vector<16xi32>
    tpu.vector_store_idx %arg5[%add3A_495], %broadcast_in_dim3A_8 masked %ge3A_489 : memref<24576xf32, #tpu.memory_space<vmem>>[vector<16xi32>], vector<16xf32>, vector<16xi1>
    %add3A_496 = arith.constant 1 : i32
    %add3A_497 = vector.broadcast %add3A_496 : i32 to vector<16xi32>
    %add3A_498 = arith.addi %add3A_495, %add3A_497 : vector<16xi32>
    tpu.vector_store_idx %arg5[%add3A_498], %broadcast_in_dim3A_8 masked %ge3A_489 : memref<24576xf32, #tpu.memory_space<vmem>>[vector<16xi32>], vector<16xf32>, vector<16xi1>
    %add3A_499 = arith.constant 2 : i32
    %add3A_500 = vector.broadcast %add3A_499 : i32 to vector<16xi32>
    %add3A_501 = arith.addi %add3A_495, %add3A_500 : vector<16xi32>
    tpu.vector_store_idx %arg5[%add3A_501], %broadcast_in_dim3A_8 masked %ge3A_489 : memref<24576xf32, #tpu.memory_space<vmem>>[vector<16xi32>], vector<16xf32>, vector<16xi1>
    %get3A_502 = arith.constant 1 : i32
    %get3A_503 = arith.index_cast %get3A_502 : i32 to index
    %get3A_504 = arith.constant 144 : index
    %get3A_505 = tpu.vector_load %arg4[%get3A_503, %get3A_504] {strides = array<i32>} : memref<128x256xi32, #tpu.memory_space<vmem>>, vector<16xi32>,
    %ge3A_506 = arith.constant 1 : i32
    %ge3A_507 = vector.broadcast %ge3A_506 : i32 to vector<16xi32>
    %ge3A_508 = arith.cmpi sge, %get3A_505, %ge3A_507 : vector<16xi32>
    %mul3A_509 = arith.constant 3 : i32
    %mul3A_510 = vector.broadcast %mul3A_509 : i32 to vector<16xi32>
    %mul3A_511 = arith.muli %get3A_505, %mul3A_510 : vector<16xi32>
    %add3A_512 = arith.constant 12285 : i32
    %add3A_513 = vector.broadcast %add3A_512 : i32 to vector<16xi32>
    %add3A_514 = arith.addi %mul3A_511, %add3A_513 : vector<16xi32>
    tpu.vector_store_idx %arg5[%add3A_514], %broadcast_in_dim3A_8 masked %ge3A_508 : memref<24576xf32, #tpu.memory_space<vmem>>[vector<16xi32>], vector<16xf32>, vector<16xi1>
    %add3A_515 = arith.constant 1 : i32
    %add3A_516 = vector.broadcast %add3A_515 : i32 to vector<16xi32>
    %add3A_517 = arith.addi %add3A_514, %add3A_516 : vector<16xi32>
    tpu.vector_store_idx %arg5[%add3A_517], %broadcast_in_dim3A_8 masked %ge3A_508 : memref<24576xf32, #tpu.memory_space<vmem>>[vector<16xi32>], vector<16xf32>, vector<16xi1>
    %add3A_518 = arith.constant 2 : i32
    %add3A_519 = vector.broadcast %add3A_518 : i32 to vector<16xi32>
    %add3A_520 = arith.addi %add3A_514, %add3A_519 : vector<16xi32>
    tpu.vector_store_idx %arg5[%add3A_520], %broadcast_in_dim3A_8 masked %ge3A_508 : memref<24576xf32, #tpu.memory_space<vmem>>[vector<16xi32>], vector<16xf32>, vector<16xi1>
    %get3A_521 = arith.constant 1 : i32
    %get3A_522 = arith.index_cast %get3A_521 : i32 to index
    %get3A_523 = arith.constant 160 : index
    %get3A_524 = tpu.vector_load %arg4[%get3A_522, %get3A_523] {strides = array<i32>} : memref<128x256xi32, #tpu.memory_space<vmem>>, vector<16xi32>,
    %ge3A_525 = arith.constant 1 : i32
    %ge3A_526 = vector.broadcast %ge3A_525 : i32 to vector<16xi32>
    %ge3A_527 = arith.cmpi sge, %get3A_524, %ge3A_526 : vector<16xi32>
    %mul3A_528 = arith.constant 3 : i32
    %mul3A_529 = vector.broadcast %mul3A_528 : i32 to vector<16xi32>
    %mul3A_530 = arith.muli %get3A_524, %mul3A_529 : vector<16xi32>
    %add3A_531 = arith.constant 12285 : i32
    %add3A_532 = vector.broadcast %add3A_531 : i32 to vector<16xi32>
    %add3A_533 = arith.addi %mul3A_530, %add3A_532 : vector<16xi32>
    tpu.vector_store_idx %arg5[%add3A_533], %broadcast_in_dim3A_8 masked %ge3A_527 : memref<24576xf32, #tpu.memory_space<vmem>>[vector<16xi32>], vector<16xf32>, vector<16xi1>
    %add3A_534 = arith.constant 1 : i32
    %add3A_535 = vector.broadcast %add3A_534 : i32 to vector<16xi32>
    %add3A_536 = arith.addi %add3A_533, %add3A_535 : vector<16xi32>
    tpu.vector_store_idx %arg5[%add3A_536], %broadcast_in_dim3A_8 masked %ge3A_527 : memref<24576xf32, #tpu.memory_space<vmem>>[vector<16xi32>], vector<16xf32>, vector<16xi1>
    %add3A_537 = arith.constant 2 : i32
    %add3A_538 = vector.broadcast %add3A_537 : i32 to vector<16xi32>
    %add3A_539 = arith.addi %add3A_533, %add3A_538 : vector<16xi32>
    tpu.vector_store_idx %arg5[%add3A_539], %broadcast_in_dim3A_8 masked %ge3A_527 : memref<24576xf32, #tpu.memory_space<vmem>>[vector<16xi32>], vector<16xf32>, vector<16xi1>
    %get3A_540 = arith.constant 1 : i32
    %get3A_541 = arith.index_cast %get3A_540 : i32 to index
    %get3A_542 = arith.constant 176 : index
    %get3A_543 = tpu.vector_load %arg4[%get3A_541, %get3A_542] {strides = array<i32>} : memref<128x256xi32, #tpu.memory_space<vmem>>, vector<16xi32>,
    %ge3A_544 = arith.constant 1 : i32
    %ge3A_545 = vector.broadcast %ge3A_544 : i32 to vector<16xi32>
    %ge3A_546 = arith.cmpi sge, %get3A_543, %ge3A_545 : vector<16xi32>
    %mul3A_547 = arith.constant 3 : i32
    %mul3A_548 = vector.broadcast %mul3A_547 : i32 to vector<16xi32>
    %mul3A_549 = arith.muli %get3A_543, %mul3A_548 : vector<16xi32>
    %add3A_550 = arith.constant 12285 : i32
    %add3A_551 = vector.broadcast %add3A_550 : i32 to vector<16xi32>
    %add3A_552 = arith.addi %mul3A_549, %add3A_551 : vector<16xi32>
    tpu.vector_store_idx %arg5[%add3A_552], %broadcast_in_dim3A_8 masked %ge3A_546 : memref<24576xf32, #tpu.memory_space<vmem>>[vector<16xi32>], vector<16xf32>, vector<16xi1>
    %add3A_553 = arith.constant 1 : i32
    %add3A_554 = vector.broadcast %add3A_553 : i32 to vector<16xi32>
    %add3A_555 = arith.addi %add3A_552, %add3A_554 : vector<16xi32>
    tpu.vector_store_idx %arg5[%add3A_555], %broadcast_in_dim3A_8 masked %ge3A_546 : memref<24576xf32, #tpu.memory_space<vmem>>[vector<16xi32>], vector<16xf32>, vector<16xi1>
    %add3A_556 = arith.constant 2 : i32
    %add3A_557 = vector.broadcast %add3A_556 : i32 to vector<16xi32>
    %add3A_558 = arith.addi %add3A_552, %add3A_557 : vector<16xi32>
    tpu.vector_store_idx %arg5[%add3A_558], %broadcast_in_dim3A_8 masked %ge3A_546 : memref<24576xf32, #tpu.memory_space<vmem>>[vector<16xi32>], vector<16xf32>, vector<16xi1>
    %get3A_559 = arith.constant 1 : i32
    %get3A_560 = arith.index_cast %get3A_559 : i32 to index
    %get3A_561 = arith.constant 192 : index
    %get3A_562 = tpu.vector_load %arg4[%get3A_560, %get3A_561] {strides = array<i32>} : memref<128x256xi32, #tpu.memory_space<vmem>>, vector<16xi32>,
    %ge3A_563 = arith.constant 1 : i32
    %ge3A_564 = vector.broadcast %ge3A_563 : i32 to vector<16xi32>
    %ge3A_565 = arith.cmpi sge, %get3A_562, %ge3A_564 : vector<16xi32>
    %mul3A_566 = arith.constant 3 : i32
    %mul3A_567 = vector.broadcast %mul3A_566 : i32 to vector<16xi32>
    %mul3A_568 = arith.muli %get3A_562, %mul3A_567 : vector<16xi32>
    %add3A_569 = arith.constant 12285 : i32
    %add3A_570 = vector.broadcast %add3A_569 : i32 to vector<16xi32>
    %add3A_571 = arith.addi %mul3A_568, %add3A_570 : vector<16xi32>
    tpu.vector_store_idx %arg5[%add3A_571], %broadcast_in_dim3A_8 masked %ge3A_565 : memref<24576xf32, #tpu.memory_space<vmem>>[vector<16xi32>], vector<16xf32>, vector<16xi1>
    %add3A_572 = arith.constant 1 : i32
    %add3A_573 = vector.broadcast %add3A_572 : i32 to vector<16xi32>
    %add3A_574 = arith.addi %add3A_571, %add3A_573 : vector<16xi32>
    tpu.vector_store_idx %arg5[%add3A_574], %broadcast_in_dim3A_8 masked %ge3A_565 : memref<24576xf32, #tpu.memory_space<vmem>>[vector<16xi32>], vector<16xf32>, vector<16xi1>
    %add3A_575 = arith.constant 2 : i32
    %add3A_576 = vector.broadcast %add3A_575 : i32 to vector<16xi32>
    %add3A_577 = arith.addi %add3A_571, %add3A_576 : vector<16xi32>
    tpu.vector_store_idx %arg5[%add3A_577], %broadcast_in_dim3A_8 masked %ge3A_565 : memref<24576xf32, #tpu.memory_space<vmem>>[vector<16xi32>], vector<16xf32>, vector<16xi1>
    %get3A_578 = arith.constant 1 : i32
    %get3A_579 = arith.index_cast %get3A_578 : i32 to index
    %get3A_580 = arith.constant 208 : index
    %get3A_581 = tpu.vector_load %arg4[%get3A_579, %get3A_580] {strides = array<i32>} : memref<128x256xi32, #tpu.memory_space<vmem>>, vector<16xi32>,
    %ge3A_582 = arith.constant 1 : i32
    %ge3A_583 = vector.broadcast %ge3A_582 : i32 to vector<16xi32>
    %ge3A_584 = arith.cmpi sge, %get3A_581, %ge3A_583 : vector<16xi32>
    %mul3A_585 = arith.constant 3 : i32
    %mul3A_586 = vector.broadcast %mul3A_585 : i32 to vector<16xi32>
    %mul3A_587 = arith.muli %get3A_581, %mul3A_586 : vector<16xi32>
    %add3A_588 = arith.constant 12285 : i32
    %add3A_589 = vector.broadcast %add3A_588 : i32 to vector<16xi32>
    %add3A_590 = arith.addi %mul3A_587, %add3A_589 : vector<16xi32>
    tpu.vector_store_idx %arg5[%add3A_590], %broadcast_in_dim3A_8 masked %ge3A_584 : memref<24576xf32, #tpu.memory_space<vmem>>[vector<16xi32>], vector<16xf32>, vector<16xi1>
    %add3A_591 = arith.constant 1 : i32
    %add3A_592 = vector.broadcast %add3A_591 : i32 to vector<16xi32>
    %add3A_593 = arith.addi %add3A_590, %add3A_592 : vector<16xi32>
    tpu.vector_store_idx %arg5[%add3A_593], %broadcast_in_dim3A_8 masked %ge3A_584 : memref<24576xf32, #tpu.memory_space<vmem>>[vector<16xi32>], vector<16xf32>, vector<16xi1>
    %add3A_594 = arith.constant 2 : i32
    %add3A_595 = vector.broadcast %add3A_594 : i32 to vector<16xi32>
    %add3A_596 = arith.addi %add3A_590, %add3A_595 : vector<16xi32>
    tpu.vector_store_idx %arg5[%add3A_596], %broadcast_in_dim3A_8 masked %ge3A_584 : memref<24576xf32, #tpu.memory_space<vmem>>[vector<16xi32>], vector<16xf32>, vector<16xi1>
    %get3A_597 = arith.constant 1 : i32
    %get3A_598 = arith.index_cast %get3A_597 : i32 to index
    %get3A_599 = arith.constant 224 : index
    %get3A_600 = tpu.vector_load %arg4[%get3A_598, %get3A_599] {strides = array<i32>} : memref<128x256xi32, #tpu.memory_space<vmem>>, vector<16xi32>,
    %ge3A_601 = arith.constant 1 : i32
    %ge3A_602 = vector.broadcast %ge3A_601 : i32 to vector<16xi32>
    %ge3A_603 = arith.cmpi sge, %get3A_600, %ge3A_602 : vector<16xi32>
    %mul3A_604 = arith.constant 3 : i32
    %mul3A_605 = vector.broadcast %mul3A_604 : i32 to vector<16xi32>
    %mul3A_606 = arith.muli %get3A_600, %mul3A_605 : vector<16xi32>
    %add3A_607 = arith.constant 12285 : i32
    %add3A_608 = vector.broadcast %add3A_607 : i32 to vector<16xi32>
    %add3A_609 = arith.addi %mul3A_606, %add3A_608 : vector<16xi32>
    tpu.vector_store_idx %arg5[%add3A_609], %broadcast_in_dim3A_8 masked %ge3A_603 : memref<24576xf32, #tpu.memory_space<vmem>>[vector<16xi32>], vector<16xf32>, vector<16xi1>
    %add3A_610 = arith.constant 1 : i32
    %add3A_611 = vector.broadcast %add3A_610 : i32 to vector<16xi32>
    %add3A_612 = arith.addi %add3A_609, %add3A_611 : vector<16xi32>
    tpu.vector_store_idx %arg5[%add3A_612], %broadcast_in_dim3A_8 masked %ge3A_603 : memref<24576xf32, #tpu.memory_space<vmem>>[vector<16xi32>], vector<16xf32>, vector<16xi1>
    %add3A_613 = arith.constant 2 : i32
    %add3A_614 = vector.broadcast %add3A_613 : i32 to vector<16xi32>
    %add3A_615 = arith.addi %add3A_609, %add3A_614 : vector<16xi32>
    tpu.vector_store_idx %arg5[%add3A_615], %broadcast_in_dim3A_8 masked %ge3A_603 : memref<24576xf32, #tpu.memory_space<vmem>>[vector<16xi32>], vector<16xf32>, vector<16xi1>
    %get3A_616 = arith.constant 1 : i32
    %get3A_617 = arith.index_cast %get3A_616 : i32 to index
    %get3A_618 = arith.constant 240 : index
    %get3A_619 = tpu.vector_load %arg4[%get3A_617, %get3A_618] {strides = array<i32>} : memref<128x256xi32, #tpu.memory_space<vmem>>, vector<16xi32>,
    %ge3A_620 = arith.constant 1 : i32
    %ge3A_621 = vector.broadcast %ge3A_620 : i32 to vector<16xi32>
    %ge3A_622 = arith.cmpi sge, %get3A_619, %ge3A_621 : vector<16xi32>
    %mul3A_623 = arith.constant 3 : i32
    %mul3A_624 = vector.broadcast %mul3A_623 : i32 to vector<16xi32>
    %mul3A_625 = arith.muli %get3A_619, %mul3A_624 : vector<16xi32>
    %add3A_626 = arith.constant 12285 : i32
    %add3A_627 = vector.broadcast %add3A_626 : i32 to vector<16xi32>
    %add3A_628 = arith.addi %mul3A_625, %add3A_627 : vector<16xi32>
    tpu.vector_store_idx %arg5[%add3A_628], %broadcast_in_dim3A_8 masked %ge3A_622 : memref<24576xf32, #tpu.memory_space<vmem>>[vector<16xi32>], vector<16xf32>, vector<16xi1>
    %add3A_629 = arith.constant 1 : i32
    %add3A_630 = vector.broadcast %add3A_629 : i32 to vector<16xi32>
    %add3A_631 = arith.addi %add3A_628, %add3A_630 : vector<16xi32>
    tpu.vector_store_idx %arg5[%add3A_631], %broadcast_in_dim3A_8 masked %ge3A_622 : memref<24576xf32, #tpu.memory_space<vmem>>[vector<16xi32>], vector<16xf32>, vector<16xi1>
    %add3A_632 = arith.constant 2 : i32
    %add3A_633 = vector.broadcast %add3A_632 : i32 to vector<16xi32>
    %add3A_634 = arith.addi %add3A_628, %add3A_633 : vector<16xi32>
    tpu.vector_store_idx %arg5[%add3A_634], %broadcast_in_dim3A_8 masked %ge3A_622 : memref<24576xf32, #tpu.memory_space<vmem>>[vector<16xi32>], vector<16xf32>, vector<16xi1>
    %add3A_635 = arith.constant 1 : i32
    %add3A_636 = arith.addi %mul3A_2, %add3A_635 : i32
    %dma_start3A_637 = arith.constant 12288 : i32
    %dma_start3A_638 = tpu.memref_slice %arg5[%dma_start3A_637] : memref<24576xf32, #tpu.memory_space<vmem>> -> memref<12288xf32, #tpu.memory_space<vmem>>
    %dma_start3A_639 = arith.constant 0 : i32
    %dma_start3A_640 = tpu.memref_slice %arg3[%add3A_636, %dma_start3A_639] : memref<4096x12288xf32, #tpu.memory_space<hbm>> -> memref<1x12288xf32, #tpu.memory_space<hbm>>
    %dma_start3A_641 = tpu.memref_squeeze %dma_start3A_640 : memref<1x12288xf32, #tpu.memory_space<hbm>> -> memref<12288xf32, #tpu.memory_space<hbm>>
    %dma_start3A_642 = arith.constant 0 : i32
    %dma_start3A_643 = tpu.memref_slice %arg3[%add3A_636, %dma_start3A_642] : memref<4096x12288xf32, #tpu.memory_space<hbm>> -> memref<1x12288xf32, #tpu.memory_space<hbm>>
    %dma_start3A_644 = tpu.memref_squeeze %dma_start3A_643 : memref<1x12288xf32, #tpu.memory_space<hbm>> -> memref<12288xf32, #tpu.memory_space<hbm>>
    %dma_start3A_645 = arith.constant 12288 : i32
    %dma_start3A_646 = tpu.memref_slice %arg5[%dma_start3A_645] : memref<24576xf32, #tpu.memory_space<vmem>> -> memref<12288xf32, #tpu.memory_space<vmem>>
    tpu.enqueue_dma source(%dma_start3A_646 : memref<12288xf32, #tpu.memory_space<vmem>>) target(%dma_start3A_644 : memref<12288xf32, #tpu.memory_space<hbm>>) target_semaphore(%arg7 : memref<!tpu.dma_semaphore, #tpu.memory_space<semaphore_mem>>)
    %scan3A_647 = arith.constant 0 : i32
    %scan3A_648 = arith.constant 1 : i32
    %scan3A_649 = arith.constant 63 : i32
    %scan3A_650 = arith.addi %scan3A_648, %scan3A_649 : i32
    %scan3A_651 = arith.constant 1 : i32
    scf.for %scan3A_677 = %scan3A_648 to %scan3A_650 step %scan3A_651  : i32 {
      %mul3A_678 = arith.constant 2 : i32
      %mul3A_679 = arith.muli %scan3A_677, %mul3A_678 : i32
      %add3A_680 = arith.constant 0 : i32
      %add3A_681 = arith.addi %mul3A_679, %add3A_680 : i32
      %sub3A = arith.constant 2 : i32
      %sub3A_682 = arith.subi %add3A_681, %sub3A : i32
      %add3A_683 = arith.addi %mul3A_2, %sub3A_682 : i32
      %dma_wait3A_684 = arith.constant 0 : i32
      %dma_wait3A_685 = tpu.memref_slice %arg5[%dma_wait3A_684] : memref<24576xf32, #tpu.memory_space<vmem>> -> memref<12288xf32, #tpu.memory_space<vmem>>
      %dma_wait3A_686 = arith.constant 0 : i32
      %dma_wait3A_687 = tpu.memref_slice %arg3[%add3A_683, %dma_wait3A_686] : memref<4096x12288xf32, #tpu.memory_space<hbm>> -> memref<1x12288xf32, #tpu.memory_space<hbm>>
      %dma_wait3A_688 = tpu.memref_squeeze %dma_wait3A_687 : memref<1x12288xf32, #tpu.memory_space<hbm>> -> memref<12288xf32, #tpu.memory_space<hbm>>
      %dma_wait3A_689 = arith.constant 0 : i32
      %dma_wait3A_690 = tpu.memref_slice %arg3[%add3A_683, %dma_wait3A_689] : memref<4096x12288xf32, #tpu.memory_space<hbm>> -> memref<1x12288xf32, #tpu.memory_space<hbm>>
      %dma_wait3A_691 = tpu.memref_squeeze %dma_wait3A_690 : memref<1x12288xf32, #tpu.memory_space<hbm>> -> memref<12288xf32, #tpu.memory_space<hbm>>
      %dma_wait3A_692 = arith.constant 0 : i32
      %dma_wait3A_693 = tpu.memref_slice %arg5[%dma_wait3A_692] : memref<24576xf32, #tpu.memory_space<vmem>> -> memref<12288xf32, #tpu.memory_space<vmem>>
      tpu.wait_dma2 semaphore(%arg6 : memref<!tpu.dma_semaphore, #tpu.memory_space<semaphore_mem>>) src(%dma_wait3A_693 : memref<12288xf32, #tpu.memory_space<vmem>>) dst(%dma_wait3A_691 : memref<12288xf32, #tpu.memory_space<hbm>>)
      %sub3A_694 = arith.constant 2 : i32
      %sub3A_695 = arith.subi %add3A_681, %sub3A_694 : i32
      %get3A_696 = arith.index_cast %sub3A_695 : i32 to index
      %get3A_697 = arith.constant 0 : index
      %get3A_698 = tpu.vector_load %arg4[%get3A_696, %get3A_697] {strides = array<i32>} : memref<128x256xi32, #tpu.memory_space<vmem>>, vector<16xi32>,
      %ge3A_699 = arith.constant 1 : i32
      %ge3A_700 = vector.broadcast %ge3A_699 : i32 to vector<16xi32>
      %ge3A_701 = arith.cmpi sge, %get3A_698, %ge3A_700 : vector<16xi32>
      %mul3A_702 = arith.constant 3 : i32
      %mul3A_703 = vector.broadcast %mul3A_702 : i32 to vector<16xi32>
      %mul3A_704 = arith.muli %get3A_698, %mul3A_703 : vector<16xi32>
      %add3A_705 = arith.constant -3 : i32
      %add3A_706 = vector.broadcast %add3A_705 : i32 to vector<16xi32>
      %add3A_707 = arith.addi %mul3A_704, %add3A_706 : vector<16xi32>
      tpu.vector_store_idx %arg5[%add3A_707], %broadcast_in_dim3A_6 masked %ge3A_701 : memref<24576xf32, #tpu.memory_space<vmem>>[vector<16xi32>], vector<16xf32>, vector<16xi1>
      %add3A_708 = arith.constant 1 : i32
      %add3A_709 = vector.broadcast %add3A_708 : i32 to vector<16xi32>
      %add3A_710 = arith.addi %add3A_707, %add3A_709 : vector<16xi32>
      tpu.vector_store_idx %arg5[%add3A_710], %broadcast_in_dim3A_6 masked %ge3A_701 : memref<24576xf32, #tpu.memory_space<vmem>>[vector<16xi32>], vector<16xf32>, vector<16xi1>
      %add3A_711 = arith.constant 2 : i32
      %add3A_712 = vector.broadcast %add3A_711 : i32 to vector<16xi32>
      %add3A_713 = arith.addi %add3A_707, %add3A_712 : vector<16xi32>
      tpu.vector_store_idx %arg5[%add3A_713], %broadcast_in_dim3A_6 masked %ge3A_701 : memref<24576xf32, #tpu.memory_space<vmem>>[vector<16xi32>], vector<16xf32>, vector<16xi1>
      %get3A_714 = arith.index_cast %sub3A_695 : i32 to index
      %get3A_715 = arith.constant 16 : index
      %get3A_716 = tpu.vector_load %arg4[%get3A_714, %get3A_715] {strides = array<i32>} : memref<128x256xi32, #tpu.memory_space<vmem>>, vector<16xi32>,
      %ge3A_717 = arith.constant 1 : i32
      %ge3A_718 = vector.broadcast %ge3A_717 : i32 to vector<16xi32>
      %ge3A_719 = arith.cmpi sge, %get3A_716, %ge3A_718 : vector<16xi32>
      %mul3A_720 = arith.constant 3 : i32
      %mul3A_721 = vector.broadcast %mul3A_720 : i32 to vector<16xi32>
      %mul3A_722 = arith.muli %get3A_716, %mul3A_721 : vector<16xi32>
      %add3A_723 = arith.constant -3 : i32
      %add3A_724 = vector.broadcast %add3A_723 : i32 to vector<16xi32>
      %add3A_725 = arith.addi %mul3A_722, %add3A_724 : vector<16xi32>
      tpu.vector_store_idx %arg5[%add3A_725], %broadcast_in_dim3A_6 masked %ge3A_719 : memref<24576xf32, #tpu.memory_space<vmem>>[vector<16xi32>], vector<16xf32>, vector<16xi1>
      %add3A_726 = arith.constant 1 : i32
      %add3A_727 = vector.broadcast %add3A_726 : i32 to vector<16xi32>
      %add3A_728 = arith.addi %add3A_725, %add3A_727 : vector<16xi32>
      tpu.vector_store_idx %arg5[%add3A_728], %broadcast_in_dim3A_6 masked %ge3A_719 : memref<24576xf32, #tpu.memory_space<vmem>>[vector<16xi32>], vector<16xf32>, vector<16xi1>
      %add3A_729 = arith.constant 2 : i32
      %add3A_730 = vector.broadcast %add3A_729 : i32 to vector<16xi32>
      %add3A_731 = arith.addi %add3A_725, %add3A_730 : vector<16xi32>
      tpu.vector_store_idx %arg5[%add3A_731], %broadcast_in_dim3A_6 masked %ge3A_719 : memref<24576xf32, #tpu.memory_space<vmem>>[vector<16xi32>], vector<16xf32>, vector<16xi1>
      %get3A_732 = arith.index_cast %sub3A_695 : i32 to index
      %get3A_733 = arith.constant 32 : index
      %get3A_734 = tpu.vector_load %arg4[%get3A_732, %get3A_733] {strides = array<i32>} : memref<128x256xi32, #tpu.memory_space<vmem>>, vector<16xi32>,
      %ge3A_735 = arith.constant 1 : i32
      %ge3A_736 = vector.broadcast %ge3A_735 : i32 to vector<16xi32>
      %ge3A_737 = arith.cmpi sge, %get3A_734, %ge3A_736 : vector<16xi32>
      %mul3A_738 = arith.constant 3 : i32
      %mul3A_739 = vector.broadcast %mul3A_738 : i32 to vector<16xi32>
      %mul3A_740 = arith.muli %get3A_734, %mul3A_739 : vector<16xi32>
      %add3A_741 = arith.constant -3 : i32
      %add3A_742 = vector.broadcast %add3A_741 : i32 to vector<16xi32>
      %add3A_743 = arith.addi %mul3A_740, %add3A_742 : vector<16xi32>
      tpu.vector_store_idx %arg5[%add3A_743], %broadcast_in_dim3A_6 masked %ge3A_737 : memref<24576xf32, #tpu.memory_space<vmem>>[vector<16xi32>], vector<16xf32>, vector<16xi1>
      %add3A_744 = arith.constant 1 : i32
      %add3A_745 = vector.broadcast %add3A_744 : i32 to vector<16xi32>
      %add3A_746 = arith.addi %add3A_743, %add3A_745 : vector<16xi32>
      tpu.vector_store_idx %arg5[%add3A_746], %broadcast_in_dim3A_6 masked %ge3A_737 : memref<24576xf32, #tpu.memory_space<vmem>>[vector<16xi32>], vector<16xf32>, vector<16xi1>
      %add3A_747 = arith.constant 2 : i32
      %add3A_748 = vector.broadcast %add3A_747 : i32 to vector<16xi32>
      %add3A_749 = arith.addi %add3A_743, %add3A_748 : vector<16xi32>
      tpu.vector_store_idx %arg5[%add3A_749], %broadcast_in_dim3A_6 masked %ge3A_737 : memref<24576xf32, #tpu.memory_space<vmem>>[vector<16xi32>], vector<16xf32>, vector<16xi1>
      %get3A_750 = arith.index_cast %sub3A_695 : i32 to index
      %get3A_751 = arith.constant 48 : index
      %get3A_752 = tpu.vector_load %arg4[%get3A_750, %get3A_751] {strides = array<i32>} : memref<128x256xi32, #tpu.memory_space<vmem>>, vector<16xi32>,
      %ge3A_753 = arith.constant 1 : i32
      %ge3A_754 = vector.broadcast %ge3A_753 : i32 to vector<16xi32>
      %ge3A_755 = arith.cmpi sge, %get3A_752, %ge3A_754 : vector<16xi32>
      %mul3A_756 = arith.constant 3 : i32
      %mul3A_757 = vector.broadcast %mul3A_756 : i32 to vector<16xi32>
      %mul3A_758 = arith.muli %get3A_752, %mul3A_757 : vector<16xi32>
      %add3A_759 = arith.constant -3 : i32
      %add3A_760 = vector.broadcast %add3A_759 : i32 to vector<16xi32>
      %add3A_761 = arith.addi %mul3A_758, %add3A_760 : vector<16xi32>
      tpu.vector_store_idx %arg5[%add3A_761], %broadcast_in_dim3A_6 masked %ge3A_755 : memref<24576xf32, #tpu.memory_space<vmem>>[vector<16xi32>], vector<16xf32>, vector<16xi1>
      %add3A_762 = arith.constant 1 : i32
      %add3A_763 = vector.broadcast %add3A_762 : i32 to vector<16xi32>
      %add3A_764 = arith.addi %add3A_761, %add3A_763 : vector<16xi32>
      tpu.vector_store_idx %arg5[%add3A_764], %broadcast_in_dim3A_6 masked %ge3A_755 : memref<24576xf32, #tpu.memory_space<vmem>>[vector<16xi32>], vector<16xf32>, vector<16xi1>
      %add3A_765 = arith.constant 2 : i32
      %add3A_766 = vector.broadcast %add3A_765 : i32 to vector<16xi32>
      %add3A_767 = arith.addi %add3A_761, %add3A_766 : vector<16xi32>
      tpu.vector_store_idx %arg5[%add3A_767], %broadcast_in_dim3A_6 masked %ge3A_755 : memref<24576xf32, #tpu.memory_space<vmem>>[vector<16xi32>], vector<16xf32>, vector<16xi1>
      %get3A_768 = arith.index_cast %sub3A_695 : i32 to index
      %get3A_769 = arith.constant 64 : index
      %get3A_770 = tpu.vector_load %arg4[%get3A_768, %get3A_769] {strides = array<i32>} : memref<128x256xi32, #tpu.memory_space<vmem>>, vector<16xi32>,
      %ge3A_771 = arith.constant 1 : i32
      %ge3A_772 = vector.broadcast %ge3A_771 : i32 to vector<16xi32>
      %ge3A_773 = arith.cmpi sge, %get3A_770, %ge3A_772 : vector<16xi32>
      %mul3A_774 = arith.constant 3 : i32
      %mul3A_775 = vector.broadcast %mul3A_774 : i32 to vector<16xi32>
      %mul3A_776 = arith.muli %get3A_770, %mul3A_775 : vector<16xi32>
      %add3A_777 = arith.constant -3 : i32
      %add3A_778 = vector.broadcast %add3A_777 : i32 to vector<16xi32>
      %add3A_779 = arith.addi %mul3A_776, %add3A_778 : vector<16xi32>
      tpu.vector_store_idx %arg5[%add3A_779], %broadcast_in_dim3A_6 masked %ge3A_773 : memref<24576xf32, #tpu.memory_space<vmem>>[vector<16xi32>], vector<16xf32>, vector<16xi1>
      %add3A_780 = arith.constant 1 : i32
      %add3A_781 = vector.broadcast %add3A_780 : i32 to vector<16xi32>
      %add3A_782 = arith.addi %add3A_779, %add3A_781 : vector<16xi32>
      tpu.vector_store_idx %arg5[%add3A_782], %broadcast_in_dim3A_6 masked %ge3A_773 : memref<24576xf32, #tpu.memory_space<vmem>>[vector<16xi32>], vector<16xf32>, vector<16xi1>
      %add3A_783 = arith.constant 2 : i32
      %add3A_784 = vector.broadcast %add3A_783 : i32 to vector<16xi32>
      %add3A_785 = arith.addi %add3A_779, %add3A_784 : vector<16xi32>
      tpu.vector_store_idx %arg5[%add3A_785], %broadcast_in_dim3A_6 masked %ge3A_773 : memref<24576xf32, #tpu.memory_space<vmem>>[vector<16xi32>], vector<16xf32>, vector<16xi1>
      %get3A_786 = arith.index_cast %sub3A_695 : i32 to index
      %get3A_787 = arith.constant 80 : index
      %get3A_788 = tpu.vector_load %arg4[%get3A_786, %get3A_787] {strides = array<i32>} : memref<128x256xi32, #tpu.memory_space<vmem>>, vector<16xi32>,
      %ge3A_789 = arith.constant 1 : i32
      %ge3A_790 = vector.broadcast %ge3A_789 : i32 to vector<16xi32>
      %ge3A_791 = arith.cmpi sge, %get3A_788, %ge3A_790 : vector<16xi32>
      %mul3A_792 = arith.constant 3 : i32
      %mul3A_793 = vector.broadcast %mul3A_792 : i32 to vector<16xi32>
      %mul3A_794 = arith.muli %get3A_788, %mul3A_793 : vector<16xi32>
      %add3A_795 = arith.constant -3 : i32
      %add3A_796 = vector.broadcast %add3A_795 : i32 to vector<16xi32>
      %add3A_797 = arith.addi %mul3A_794, %add3A_796 : vector<16xi32>
      tpu.vector_store_idx %arg5[%add3A_797], %broadcast_in_dim3A_6 masked %ge3A_791 : memref<24576xf32, #tpu.memory_space<vmem>>[vector<16xi32>], vector<16xf32>, vector<16xi1>
      %add3A_798 = arith.constant 1 : i32
      %add3A_799 = vector.broadcast %add3A_798 : i32 to vector<16xi32>
      %add3A_800 = arith.addi %add3A_797, %add3A_799 : vector<16xi32>
      tpu.vector_store_idx %arg5[%add3A_800], %broadcast_in_dim3A_6 masked %ge3A_791 : memref<24576xf32, #tpu.memory_space<vmem>>[vector<16xi32>], vector<16xf32>, vector<16xi1>
      %add3A_801 = arith.constant 2 : i32
      %add3A_802 = vector.broadcast %add3A_801 : i32 to vector<16xi32>
      %add3A_803 = arith.addi %add3A_797, %add3A_802 : vector<16xi32>
      tpu.vector_store_idx %arg5[%add3A_803], %broadcast_in_dim3A_6 masked %ge3A_791 : memref<24576xf32, #tpu.memory_space<vmem>>[vector<16xi32>], vector<16xf32>, vector<16xi1>
      %get3A_804 = arith.index_cast %sub3A_695 : i32 to index
      %get3A_805 = arith.constant 96 : index
      %get3A_806 = tpu.vector_load %arg4[%get3A_804, %get3A_805] {strides = array<i32>} : memref<128x256xi32, #tpu.memory_space<vmem>>, vector<16xi32>,
      %ge3A_807 = arith.constant 1 : i32
      %ge3A_808 = vector.broadcast %ge3A_807 : i32 to vector<16xi32>
      %ge3A_809 = arith.cmpi sge, %get3A_806, %ge3A_808 : vector<16xi32>
      %mul3A_810 = arith.constant 3 : i32
      %mul3A_811 = vector.broadcast %mul3A_810 : i32 to vector<16xi32>
      %mul3A_812 = arith.muli %get3A_806, %mul3A_811 : vector<16xi32>
      %add3A_813 = arith.constant -3 : i32
      %add3A_814 = vector.broadcast %add3A_813 : i32 to vector<16xi32>
      %add3A_815 = arith.addi %mul3A_812, %add3A_814 : vector<16xi32>
      tpu.vector_store_idx %arg5[%add3A_815], %broadcast_in_dim3A_6 masked %ge3A_809 : memref<24576xf32, #tpu.memory_space<vmem>>[vector<16xi32>], vector<16xf32>, vector<16xi1>
      %add3A_816 = arith.constant 1 : i32
      %add3A_817 = vector.broadcast %add3A_816 : i32 to vector<16xi32>
      %add3A_818 = arith.addi %add3A_815, %add3A_817 : vector<16xi32>
      tpu.vector_store_idx %arg5[%add3A_818], %broadcast_in_dim3A_6 masked %ge3A_809 : memref<24576xf32, #tpu.memory_space<vmem>>[vector<16xi32>], vector<16xf32>, vector<16xi1>
      %add3A_819 = arith.constant 2 : i32
      %add3A_820 = vector.broadcast %add3A_819 : i32 to vector<16xi32>
      %add3A_821 = arith.addi %add3A_815, %add3A_820 : vector<16xi32>
      tpu.vector_store_idx %arg5[%add3A_821], %broadcast_in_dim3A_6 masked %ge3A_809 : memref<24576xf32, #tpu.memory_space<vmem>>[vector<16xi32>], vector<16xf32>, vector<16xi1>
      %get3A_822 = arith.index_cast %sub3A_695 : i32 to index
      %get3A_823 = arith.constant 112 : index
      %get3A_824 = tpu.vector_load %arg4[%get3A_822, %get3A_823] {strides = array<i32>} : memref<128x256xi32, #tpu.memory_space<vmem>>, vector<16xi32>,
      %ge3A_825 = arith.constant 1 : i32
      %ge3A_826 = vector.broadcast %ge3A_825 : i32 to vector<16xi32>
      %ge3A_827 = arith.cmpi sge, %get3A_824, %ge3A_826 : vector<16xi32>
      %mul3A_828 = arith.constant 3 : i32
      %mul3A_829 = vector.broadcast %mul3A_828 : i32 to vector<16xi32>
      %mul3A_830 = arith.muli %get3A_824, %mul3A_829 : vector<16xi32>
      %add3A_831 = arith.constant -3 : i32
      %add3A_832 = vector.broadcast %add3A_831 : i32 to vector<16xi32>
      %add3A_833 = arith.addi %mul3A_830, %add3A_832 : vector<16xi32>
      tpu.vector_store_idx %arg5[%add3A_833], %broadcast_in_dim3A_6 masked %ge3A_827 : memref<24576xf32, #tpu.memory_space<vmem>>[vector<16xi32>], vector<16xf32>, vector<16xi1>
      %add3A_834 = arith.constant 1 : i32
      %add3A_835 = vector.broadcast %add3A_834 : i32 to vector<16xi32>
      %add3A_836 = arith.addi %add3A_833, %add3A_835 : vector<16xi32>
      tpu.vector_store_idx %arg5[%add3A_836], %broadcast_in_dim3A_6 masked %ge3A_827 : memref<24576xf32, #tpu.memory_space<vmem>>[vector<16xi32>], vector<16xf32>, vector<16xi1>
      %add3A_837 = arith.constant 2 : i32
      %add3A_838 = vector.broadcast %add3A_837 : i32 to vector<16xi32>
      %add3A_839 = arith.addi %add3A_833, %add3A_838 : vector<16xi32>
      tpu.vector_store_idx %arg5[%add3A_839], %broadcast_in_dim3A_6 masked %ge3A_827 : memref<24576xf32, #tpu.memory_space<vmem>>[vector<16xi32>], vector<16xf32>, vector<16xi1>
      %get3A_840 = arith.index_cast %sub3A_695 : i32 to index
      %get3A_841 = arith.constant 128 : index
      %get3A_842 = tpu.vector_load %arg4[%get3A_840, %get3A_841] {strides = array<i32>} : memref<128x256xi32, #tpu.memory_space<vmem>>, vector<16xi32>,
      %ge3A_843 = arith.constant 1 : i32
      %ge3A_844 = vector.broadcast %ge3A_843 : i32 to vector<16xi32>
      %ge3A_845 = arith.cmpi sge, %get3A_842, %ge3A_844 : vector<16xi32>
      %mul3A_846 = arith.constant 3 : i32
      %mul3A_847 = vector.broadcast %mul3A_846 : i32 to vector<16xi32>
      %mul3A_848 = arith.muli %get3A_842, %mul3A_847 : vector<16xi32>
      %add3A_849 = arith.constant -3 : i32
      %add3A_850 = vector.broadcast %add3A_849 : i32 to vector<16xi32>
      %add3A_851 = arith.addi %mul3A_848, %add3A_850 : vector<16xi32>
      tpu.vector_store_idx %arg5[%add3A_851], %broadcast_in_dim3A_6 masked %ge3A_845 : memref<24576xf32, #tpu.memory_space<vmem>>[vector<16xi32>], vector<16xf32>, vector<16xi1>
      %add3A_852 = arith.constant 1 : i32
      %add3A_853 = vector.broadcast %add3A_852 : i32 to vector<16xi32>
      %add3A_854 = arith.addi %add3A_851, %add3A_853 : vector<16xi32>
      tpu.vector_store_idx %arg5[%add3A_854], %broadcast_in_dim3A_6 masked %ge3A_845 : memref<24576xf32, #tpu.memory_space<vmem>>[vector<16xi32>], vector<16xf32>, vector<16xi1>
      %add3A_855 = arith.constant 2 : i32
      %add3A_856 = vector.broadcast %add3A_855 : i32 to vector<16xi32>
      %add3A_857 = arith.addi %add3A_851, %add3A_856 : vector<16xi32>
      tpu.vector_store_idx %arg5[%add3A_857], %broadcast_in_dim3A_6 masked %ge3A_845 : memref<24576xf32, #tpu.memory_space<vmem>>[vector<16xi32>], vector<16xf32>, vector<16xi1>
      %get3A_858 = arith.index_cast %sub3A_695 : i32 to index
      %get3A_859 = arith.constant 144 : index
      %get3A_860 = tpu.vector_load %arg4[%get3A_858, %get3A_859] {strides = array<i32>} : memref<128x256xi32, #tpu.memory_space<vmem>>, vector<16xi32>,
      %ge3A_861 = arith.constant 1 : i32
      %ge3A_862 = vector.broadcast %ge3A_861 : i32 to vector<16xi32>
      %ge3A_863 = arith.cmpi sge, %get3A_860, %ge3A_862 : vector<16xi32>
      %mul3A_864 = arith.constant 3 : i32
      %mul3A_865 = vector.broadcast %mul3A_864 : i32 to vector<16xi32>
      %mul3A_866 = arith.muli %get3A_860, %mul3A_865 : vector<16xi32>
      %add3A_867 = arith.constant -3 : i32
      %add3A_868 = vector.broadcast %add3A_867 : i32 to vector<16xi32>
      %add3A_869 = arith.addi %mul3A_866, %add3A_868 : vector<16xi32>
      tpu.vector_store_idx %arg5[%add3A_869], %broadcast_in_dim3A_6 masked %ge3A_863 : memref<24576xf32, #tpu.memory_space<vmem>>[vector<16xi32>], vector<16xf32>, vector<16xi1>
      %add3A_870 = arith.constant 1 : i32
      %add3A_871 = vector.broadcast %add3A_870 : i32 to vector<16xi32>
      %add3A_872 = arith.addi %add3A_869, %add3A_871 : vector<16xi32>
      tpu.vector_store_idx %arg5[%add3A_872], %broadcast_in_dim3A_6 masked %ge3A_863 : memref<24576xf32, #tpu.memory_space<vmem>>[vector<16xi32>], vector<16xf32>, vector<16xi1>
      %add3A_873 = arith.constant 2 : i32
      %add3A_874 = vector.broadcast %add3A_873 : i32 to vector<16xi32>
      %add3A_875 = arith.addi %add3A_869, %add3A_874 : vector<16xi32>
      tpu.vector_store_idx %arg5[%add3A_875], %broadcast_in_dim3A_6 masked %ge3A_863 : memref<24576xf32, #tpu.memory_space<vmem>>[vector<16xi32>], vector<16xf32>, vector<16xi1>
      %get3A_876 = arith.index_cast %sub3A_695 : i32 to index
      %get3A_877 = arith.constant 160 : index
      %get3A_878 = tpu.vector_load %arg4[%get3A_876, %get3A_877] {strides = array<i32>} : memref<128x256xi32, #tpu.memory_space<vmem>>, vector<16xi32>,
      %ge3A_879 = arith.constant 1 : i32
      %ge3A_880 = vector.broadcast %ge3A_879 : i32 to vector<16xi32>
      %ge3A_881 = arith.cmpi sge, %get3A_878, %ge3A_880 : vector<16xi32>
      %mul3A_882 = arith.constant 3 : i32
      %mul3A_883 = vector.broadcast %mul3A_882 : i32 to vector<16xi32>
      %mul3A_884 = arith.muli %get3A_878, %mul3A_883 : vector<16xi32>
      %add3A_885 = arith.constant -3 : i32
      %add3A_886 = vector.broadcast %add3A_885 : i32 to vector<16xi32>
      %add3A_887 = arith.addi %mul3A_884, %add3A_886 : vector<16xi32>
      tpu.vector_store_idx %arg5[%add3A_887], %broadcast_in_dim3A_6 masked %ge3A_881 : memref<24576xf32, #tpu.memory_space<vmem>>[vector<16xi32>], vector<16xf32>, vector<16xi1>
      %add3A_888 = arith.constant 1 : i32
      %add3A_889 = vector.broadcast %add3A_888 : i32 to vector<16xi32>
      %add3A_890 = arith.addi %add3A_887, %add3A_889 : vector<16xi32>
      tpu.vector_store_idx %arg5[%add3A_890], %broadcast_in_dim3A_6 masked %ge3A_881 : memref<24576xf32, #tpu.memory_space<vmem>>[vector<16xi32>], vector<16xf32>, vector<16xi1>
      %add3A_891 = arith.constant 2 : i32
      %add3A_892 = vector.broadcast %add3A_891 : i32 to vector<16xi32>
      %add3A_893 = arith.addi %add3A_887, %add3A_892 : vector<16xi32>
      tpu.vector_store_idx %arg5[%add3A_893], %broadcast_in_dim3A_6 masked %ge3A_881 : memref<24576xf32, #tpu.memory_space<vmem>>[vector<16xi32>], vector<16xf32>, vector<16xi1>
      %get3A_894 = arith.index_cast %sub3A_695 : i32 to index
      %get3A_895 = arith.constant 176 : index
      %get3A_896 = tpu.vector_load %arg4[%get3A_894, %get3A_895] {strides = array<i32>} : memref<128x256xi32, #tpu.memory_space<vmem>>, vector<16xi32>,
      %ge3A_897 = arith.constant 1 : i32
      %ge3A_898 = vector.broadcast %ge3A_897 : i32 to vector<16xi32>
      %ge3A_899 = arith.cmpi sge, %get3A_896, %ge3A_898 : vector<16xi32>
      %mul3A_900 = arith.constant 3 : i32
      %mul3A_901 = vector.broadcast %mul3A_900 : i32 to vector<16xi32>
      %mul3A_902 = arith.muli %get3A_896, %mul3A_901 : vector<16xi32>
      %add3A_903 = arith.constant -3 : i32
      %add3A_904 = vector.broadcast %add3A_903 : i32 to vector<16xi32>
      %add3A_905 = arith.addi %mul3A_902, %add3A_904 : vector<16xi32>
      tpu.vector_store_idx %arg5[%add3A_905], %broadcast_in_dim3A_6 masked %ge3A_899 : memref<24576xf32, #tpu.memory_space<vmem>>[vector<16xi32>], vector<16xf32>, vector<16xi1>
      %add3A_906 = arith.constant 1 : i32
      %add3A_907 = vector.broadcast %add3A_906 : i32 to vector<16xi32>
      %add3A_908 = arith.addi %add3A_905, %add3A_907 : vector<16xi32>
      tpu.vector_store_idx %arg5[%add3A_908], %broadcast_in_dim3A_6 masked %ge3A_899 : memref<24576xf32, #tpu.memory_space<vmem>>[vector<16xi32>], vector<16xf32>, vector<16xi1>
      %add3A_909 = arith.constant 2 : i32
      %add3A_910 = vector.broadcast %add3A_909 : i32 to vector<16xi32>
      %add3A_911 = arith.addi %add3A_905, %add3A_910 : vector<16xi32>
      tpu.vector_store_idx %arg5[%add3A_911], %broadcast_in_dim3A_6 masked %ge3A_899 : memref<24576xf32, #tpu.memory_space<vmem>>[vector<16xi32>], vector<16xf32>, vector<16xi1>
      %get3A_912 = arith.index_cast %sub3A_695 : i32 to index
      %get3A_913 = arith.constant 192 : index
      %get3A_914 = tpu.vector_load %arg4[%get3A_912, %get3A_913] {strides = array<i32>} : memref<128x256xi32, #tpu.memory_space<vmem>>, vector<16xi32>,
      %ge3A_915 = arith.constant 1 : i32
      %ge3A_916 = vector.broadcast %ge3A_915 : i32 to vector<16xi32>
      %ge3A_917 = arith.cmpi sge, %get3A_914, %ge3A_916 : vector<16xi32>
      %mul3A_918 = arith.constant 3 : i32
      %mul3A_919 = vector.broadcast %mul3A_918 : i32 to vector<16xi32>
      %mul3A_920 = arith.muli %get3A_914, %mul3A_919 : vector<16xi32>
      %add3A_921 = arith.constant -3 : i32
      %add3A_922 = vector.broadcast %add3A_921 : i32 to vector<16xi32>
      %add3A_923 = arith.addi %mul3A_920, %add3A_922 : vector<16xi32>
      tpu.vector_store_idx %arg5[%add3A_923], %broadcast_in_dim3A_6 masked %ge3A_917 : memref<24576xf32, #tpu.memory_space<vmem>>[vector<16xi32>], vector<16xf32>, vector<16xi1>
      %add3A_924 = arith.constant 1 : i32
      %add3A_925 = vector.broadcast %add3A_924 : i32 to vector<16xi32>
      %add3A_926 = arith.addi %add3A_923, %add3A_925 : vector<16xi32>
      tpu.vector_store_idx %arg5[%add3A_926], %broadcast_in_dim3A_6 masked %ge3A_917 : memref<24576xf32, #tpu.memory_space<vmem>>[vector<16xi32>], vector<16xf32>, vector<16xi1>
      %add3A_927 = arith.constant 2 : i32
      %add3A_928 = vector.broadcast %add3A_927 : i32 to vector<16xi32>
      %add3A_929 = arith.addi %add3A_923, %add3A_928 : vector<16xi32>
      tpu.vector_store_idx %arg5[%add3A_929], %broadcast_in_dim3A_6 masked %ge3A_917 : memref<24576xf32, #tpu.memory_space<vmem>>[vector<16xi32>], vector<16xf32>, vector<16xi1>
      %get3A_930 = arith.index_cast %sub3A_695 : i32 to index
      %get3A_931 = arith.constant 208 : index
      %get3A_932 = tpu.vector_load %arg4[%get3A_930, %get3A_931] {strides = array<i32>} : memref<128x256xi32, #tpu.memory_space<vmem>>, vector<16xi32>,
      %ge3A_933 = arith.constant 1 : i32
      %ge3A_934 = vector.broadcast %ge3A_933 : i32 to vector<16xi32>
      %ge3A_935 = arith.cmpi sge, %get3A_932, %ge3A_934 : vector<16xi32>
      %mul3A_936 = arith.constant 3 : i32
      %mul3A_937 = vector.broadcast %mul3A_936 : i32 to vector<16xi32>
      %mul3A_938 = arith.muli %get3A_932, %mul3A_937 : vector<16xi32>
      %add3A_939 = arith.constant -3 : i32
      %add3A_940 = vector.broadcast %add3A_939 : i32 to vector<16xi32>
      %add3A_941 = arith.addi %mul3A_938, %add3A_940 : vector<16xi32>
      tpu.vector_store_idx %arg5[%add3A_941], %broadcast_in_dim3A_6 masked %ge3A_935 : memref<24576xf32, #tpu.memory_space<vmem>>[vector<16xi32>], vector<16xf32>, vector<16xi1>
      %add3A_942 = arith.constant 1 : i32
      %add3A_943 = vector.broadcast %add3A_942 : i32 to vector<16xi32>
      %add3A_944 = arith.addi %add3A_941, %add3A_943 : vector<16xi32>
      tpu.vector_store_idx %arg5[%add3A_944], %broadcast_in_dim3A_6 masked %ge3A_935 : memref<24576xf32, #tpu.memory_space<vmem>>[vector<16xi32>], vector<16xf32>, vector<16xi1>
      %add3A_945 = arith.constant 2 : i32
      %add3A_946 = vector.broadcast %add3A_945 : i32 to vector<16xi32>
      %add3A_947 = arith.addi %add3A_941, %add3A_946 : vector<16xi32>
      tpu.vector_store_idx %arg5[%add3A_947], %broadcast_in_dim3A_6 masked %ge3A_935 : memref<24576xf32, #tpu.memory_space<vmem>>[vector<16xi32>], vector<16xf32>, vector<16xi1>
      %get3A_948 = arith.index_cast %sub3A_695 : i32 to index
      %get3A_949 = arith.constant 224 : index
      %get3A_950 = tpu.vector_load %arg4[%get3A_948, %get3A_949] {strides = array<i32>} : memref<128x256xi32, #tpu.memory_space<vmem>>, vector<16xi32>,
      %ge3A_951 = arith.constant 1 : i32
      %ge3A_952 = vector.broadcast %ge3A_951 : i32 to vector<16xi32>
      %ge3A_953 = arith.cmpi sge, %get3A_950, %ge3A_952 : vector<16xi32>
      %mul3A_954 = arith.constant 3 : i32
      %mul3A_955 = vector.broadcast %mul3A_954 : i32 to vector<16xi32>
      %mul3A_956 = arith.muli %get3A_950, %mul3A_955 : vector<16xi32>
      %add3A_957 = arith.constant -3 : i32
      %add3A_958 = vector.broadcast %add3A_957 : i32 to vector<16xi32>
      %add3A_959 = arith.addi %mul3A_956, %add3A_958 : vector<16xi32>
      tpu.vector_store_idx %arg5[%add3A_959], %broadcast_in_dim3A_6 masked %ge3A_953 : memref<24576xf32, #tpu.memory_space<vmem>>[vector<16xi32>], vector<16xf32>, vector<16xi1>
      %add3A_960 = arith.constant 1 : i32
      %add3A_961 = vector.broadcast %add3A_960 : i32 to vector<16xi32>
      %add3A_962 = arith.addi %add3A_959, %add3A_961 : vector<16xi32>
      tpu.vector_store_idx %arg5[%add3A_962], %broadcast_in_dim3A_6 masked %ge3A_953 : memref<24576xf32, #tpu.memory_space<vmem>>[vector<16xi32>], vector<16xf32>, vector<16xi1>
      %add3A_963 = arith.constant 2 : i32
      %add3A_964 = vector.broadcast %add3A_963 : i32 to vector<16xi32>
      %add3A_965 = arith.addi %add3A_959, %add3A_964 : vector<16xi32>
      tpu.vector_store_idx %arg5[%add3A_965], %broadcast_in_dim3A_6 masked %ge3A_953 : memref<24576xf32, #tpu.memory_space<vmem>>[vector<16xi32>], vector<16xf32>, vector<16xi1>
      %get3A_966 = arith.index_cast %sub3A_695 : i32 to index
      %get3A_967 = arith.constant 240 : index
      %get3A_968 = tpu.vector_load %arg4[%get3A_966, %get3A_967] {strides = array<i32>} : memref<128x256xi32, #tpu.memory_space<vmem>>, vector<16xi32>,
      %ge3A_969 = arith.constant 1 : i32
      %ge3A_970 = vector.broadcast %ge3A_969 : i32 to vector<16xi32>
      %ge3A_971 = arith.cmpi sge, %get3A_968, %ge3A_970 : vector<16xi32>
      %mul3A_972 = arith.constant 3 : i32
      %mul3A_973 = vector.broadcast %mul3A_972 : i32 to vector<16xi32>
      %mul3A_974 = arith.muli %get3A_968, %mul3A_973 : vector<16xi32>
      %add3A_975 = arith.constant -3 : i32
      %add3A_976 = vector.broadcast %add3A_975 : i32 to vector<16xi32>
      %add3A_977 = arith.addi %mul3A_974, %add3A_976 : vector<16xi32>
      tpu.vector_store_idx %arg5[%add3A_977], %broadcast_in_dim3A_6 masked %ge3A_971 : memref<24576xf32, #tpu.memory_space<vmem>>[vector<16xi32>], vector<16xf32>, vector<16xi1>
      %add3A_978 = arith.constant 1 : i32
      %add3A_979 = vector.broadcast %add3A_978 : i32 to vector<16xi32>
      %add3A_980 = arith.addi %add3A_977, %add3A_979 : vector<16xi32>
      tpu.vector_store_idx %arg5[%add3A_980], %broadcast_in_dim3A_6 masked %ge3A_971 : memref<24576xf32, #tpu.memory_space<vmem>>[vector<16xi32>], vector<16xf32>, vector<16xi1>
      %add3A_981 = arith.constant 2 : i32
      %add3A_982 = vector.broadcast %add3A_981 : i32 to vector<16xi32>
      %add3A_983 = arith.addi %add3A_977, %add3A_982 : vector<16xi32>
      tpu.vector_store_idx %arg5[%add3A_983], %broadcast_in_dim3A_6 masked %ge3A_971 : memref<24576xf32, #tpu.memory_space<vmem>>[vector<16xi32>], vector<16xf32>, vector<16xi1>
      %get3A_984 = arith.index_cast %add3A_681 : i32 to index
      %get3A_985 = arith.constant 0 : index
      %get3A_986 = tpu.vector_load %arg4[%get3A_984, %get3A_985] {strides = array<i32>} : memref<128x256xi32, #tpu.memory_space<vmem>>, vector<16xi32>,
      %ge3A_987 = arith.constant 1 : i32
      %ge3A_988 = vector.broadcast %ge3A_987 : i32 to vector<16xi32>
      %ge3A_989 = arith.cmpi sge, %get3A_986, %ge3A_988 : vector<16xi32>
      %mul3A_990 = arith.constant 3 : i32
      %mul3A_991 = vector.broadcast %mul3A_990 : i32 to vector<16xi32>
      %mul3A_992 = arith.muli %get3A_986, %mul3A_991 : vector<16xi32>
      %add3A_993 = arith.constant -3 : i32
      %add3A_994 = vector.broadcast %add3A_993 : i32 to vector<16xi32>
      %add3A_995 = arith.addi %mul3A_992, %add3A_994 : vector<16xi32>
      tpu.vector_store_idx %arg5[%add3A_995], %broadcast_in_dim3A_8 masked %ge3A_989 : memref<24576xf32, #tpu.memory_space<vmem>>[vector<16xi32>], vector<16xf32>, vector<16xi1>
      %add3A_996 = arith.constant 1 : i32
      %add3A_997 = vector.broadcast %add3A_996 : i32 to vector<16xi32>
      %add3A_998 = arith.addi %add3A_995, %add3A_997 : vector<16xi32>
      tpu.vector_store_idx %arg5[%add3A_998], %broadcast_in_dim3A_8 masked %ge3A_989 : memref<24576xf32, #tpu.memory_space<vmem>>[vector<16xi32>], vector<16xf32>, vector<16xi1>
      %add3A_999 = arith.constant 2 : i32
      %add3A_1000 = vector.broadcast %add3A_999 : i32 to vector<16xi32>
      %add3A_1001 = arith.addi %add3A_995, %add3A_1000 : vector<16xi32>
      tpu.vector_store_idx %arg5[%add3A_1001], %broadcast_in_dim3A_8 masked %ge3A_989 : memref<24576xf32, #tpu.memory_space<vmem>>[vector<16xi32>], vector<16xf32>, vector<16xi1>
      %get3A_1002 = arith.index_cast %add3A_681 : i32 to index
      %get3A_1003 = arith.constant 16 : index
      %get3A_1004 = tpu.vector_load %arg4[%get3A_1002, %get3A_1003] {strides = array<i32>} : memref<128x256xi32, #tpu.memory_space<vmem>>, vector<16xi32>,
      %ge3A_1005 = arith.constant 1 : i32
      %ge3A_1006 = vector.broadcast %ge3A_1005 : i32 to vector<16xi32>
      %ge3A_1007 = arith.cmpi sge, %get3A_1004, %ge3A_1006 : vector<16xi32>
      %mul3A_1008 = arith.constant 3 : i32
      %mul3A_1009 = vector.broadcast %mul3A_1008 : i32 to vector<16xi32>
      %mul3A_1010 = arith.muli %get3A_1004, %mul3A_1009 : vector<16xi32>
      %add3A_1011 = arith.constant -3 : i32
      %add3A_1012 = vector.broadcast %add3A_1011 : i32 to vector<16xi32>
      %add3A_1013 = arith.addi %mul3A_1010, %add3A_1012 : vector<16xi32>
      tpu.vector_store_idx %arg5[%add3A_1013], %broadcast_in_dim3A_8 masked %ge3A_1007 : memref<24576xf32, #tpu.memory_space<vmem>>[vector<16xi32>], vector<16xf32>, vector<16xi1>
      %add3A_1014 = arith.constant 1 : i32
      %add3A_1015 = vector.broadcast %add3A_1014 : i32 to vector<16xi32>
      %add3A_1016 = arith.addi %add3A_1013, %add3A_1015 : vector<16xi32>
      tpu.vector_store_idx %arg5[%add3A_1016], %broadcast_in_dim3A_8 masked %ge3A_1007 : memref<24576xf32, #tpu.memory_space<vmem>>[vector<16xi32>], vector<16xf32>, vector<16xi1>
      %add3A_1017 = arith.constant 2 : i32
      %add3A_1018 = vector.broadcast %add3A_1017 : i32 to vector<16xi32>
      %add3A_1019 = arith.addi %add3A_1013, %add3A_1018 : vector<16xi32>
      tpu.vector_store_idx %arg5[%add3A_1019], %broadcast_in_dim3A_8 masked %ge3A_1007 : memref<24576xf32, #tpu.memory_space<vmem>>[vector<16xi32>], vector<16xf32>, vector<16xi1>
      %get3A_1020 = arith.index_cast %add3A_681 : i32 to index
      %get3A_1021 = arith.constant 32 : index
      %get3A_1022 = tpu.vector_load %arg4[%get3A_1020, %get3A_1021] {strides = array<i32>} : memref<128x256xi32, #tpu.memory_space<vmem>>, vector<16xi32>,
      %ge3A_1023 = arith.constant 1 : i32
      %ge3A_1024 = vector.broadcast %ge3A_1023 : i32 to vector<16xi32>
      %ge3A_1025 = arith.cmpi sge, %get3A_1022, %ge3A_1024 : vector<16xi32>
      %mul3A_1026 = arith.constant 3 : i32
      %mul3A_1027 = vector.broadcast %mul3A_1026 : i32 to vector<16xi32>
      %mul3A_1028 = arith.muli %get3A_1022, %mul3A_1027 : vector<16xi32>
      %add3A_1029 = arith.constant -3 : i32
      %add3A_1030 = vector.broadcast %add3A_1029 : i32 to vector<16xi32>
      %add3A_1031 = arith.addi %mul3A_1028, %add3A_1030 : vector<16xi32>
      tpu.vector_store_idx %arg5[%add3A_1031], %broadcast_in_dim3A_8 masked %ge3A_1025 : memref<24576xf32, #tpu.memory_space<vmem>>[vector<16xi32>], vector<16xf32>, vector<16xi1>
      %add3A_1032 = arith.constant 1 : i32
      %add3A_1033 = vector.broadcast %add3A_1032 : i32 to vector<16xi32>
      %add3A_1034 = arith.addi %add3A_1031, %add3A_1033 : vector<16xi32>
      tpu.vector_store_idx %arg5[%add3A_1034], %broadcast_in_dim3A_8 masked %ge3A_1025 : memref<24576xf32, #tpu.memory_space<vmem>>[vector<16xi32>], vector<16xf32>, vector<16xi1>
      %add3A_1035 = arith.constant 2 : i32
      %add3A_1036 = vector.broadcast %add3A_1035 : i32 to vector<16xi32>
      %add3A_1037 = arith.addi %add3A_1031, %add3A_1036 : vector<16xi32>
      tpu.vector_store_idx %arg5[%add3A_1037], %broadcast_in_dim3A_8 masked %ge3A_1025 : memref<24576xf32, #tpu.memory_space<vmem>>[vector<16xi32>], vector<16xf32>, vector<16xi1>
      %get3A_1038 = arith.index_cast %add3A_681 : i32 to index
      %get3A_1039 = arith.constant 48 : index
      %get3A_1040 = tpu.vector_load %arg4[%get3A_1038, %get3A_1039] {strides = array<i32>} : memref<128x256xi32, #tpu.memory_space<vmem>>, vector<16xi32>,
      %ge3A_1041 = arith.constant 1 : i32
      %ge3A_1042 = vector.broadcast %ge3A_1041 : i32 to vector<16xi32>
      %ge3A_1043 = arith.cmpi sge, %get3A_1040, %ge3A_1042 : vector<16xi32>
      %mul3A_1044 = arith.constant 3 : i32
      %mul3A_1045 = vector.broadcast %mul3A_1044 : i32 to vector<16xi32>
      %mul3A_1046 = arith.muli %get3A_1040, %mul3A_1045 : vector<16xi32>
      %add3A_1047 = arith.constant -3 : i32
      %add3A_1048 = vector.broadcast %add3A_1047 : i32 to vector<16xi32>
      %add3A_1049 = arith.addi %mul3A_1046, %add3A_1048 : vector<16xi32>
      tpu.vector_store_idx %arg5[%add3A_1049], %broadcast_in_dim3A_8 masked %ge3A_1043 : memref<24576xf32, #tpu.memory_space<vmem>>[vector<16xi32>], vector<16xf32>, vector<16xi1>
      %add3A_1050 = arith.constant 1 : i32
      %add3A_1051 = vector.broadcast %add3A_1050 : i32 to vector<16xi32>
      %add3A_1052 = arith.addi %add3A_1049, %add3A_1051 : vector<16xi32>
      tpu.vector_store_idx %arg5[%add3A_1052], %broadcast_in_dim3A_8 masked %ge3A_1043 : memref<24576xf32, #tpu.memory_space<vmem>>[vector<16xi32>], vector<16xf32>, vector<16xi1>
      %add3A_1053 = arith.constant 2 : i32
      %add3A_1054 = vector.broadcast %add3A_1053 : i32 to vector<16xi32>
      %add3A_1055 = arith.addi %add3A_1049, %add3A_1054 : vector<16xi32>
      tpu.vector_store_idx %arg5[%add3A_1055], %broadcast_in_dim3A_8 masked %ge3A_1043 : memref<24576xf32, #tpu.memory_space<vmem>>[vector<16xi32>], vector<16xf32>, vector<16xi1>
      %get3A_1056 = arith.index_cast %add3A_681 : i32 to index
      %get3A_1057 = arith.constant 64 : index
      %get3A_1058 = tpu.vector_load %arg4[%get3A_1056, %get3A_1057] {strides = array<i32>} : memref<128x256xi32, #tpu.memory_space<vmem>>, vector<16xi32>,
      %ge3A_1059 = arith.constant 1 : i32
      %ge3A_1060 = vector.broadcast %ge3A_1059 : i32 to vector<16xi32>
      %ge3A_1061 = arith.cmpi sge, %get3A_1058, %ge3A_1060 : vector<16xi32>
      %mul3A_1062 = arith.constant 3 : i32
      %mul3A_1063 = vector.broadcast %mul3A_1062 : i32 to vector<16xi32>
      %mul3A_1064 = arith.muli %get3A_1058, %mul3A_1063 : vector<16xi32>
      %add3A_1065 = arith.constant -3 : i32
      %add3A_1066 = vector.broadcast %add3A_1065 : i32 to vector<16xi32>
      %add3A_1067 = arith.addi %mul3A_1064, %add3A_1066 : vector<16xi32>
      tpu.vector_store_idx %arg5[%add3A_1067], %broadcast_in_dim3A_8 masked %ge3A_1061 : memref<24576xf32, #tpu.memory_space<vmem>>[vector<16xi32>], vector<16xf32>, vector<16xi1>
      %add3A_1068 = arith.constant 1 : i32
      %add3A_1069 = vector.broadcast %add3A_1068 : i32 to vector<16xi32>
      %add3A_1070 = arith.addi %add3A_1067, %add3A_1069 : vector<16xi32>
      tpu.vector_store_idx %arg5[%add3A_1070], %broadcast_in_dim3A_8 masked %ge3A_1061 : memref<24576xf32, #tpu.memory_space<vmem>>[vector<16xi32>], vector<16xf32>, vector<16xi1>
      %add3A_1071 = arith.constant 2 : i32
      %add3A_1072 = vector.broadcast %add3A_1071 : i32 to vector<16xi32>
      %add3A_1073 = arith.addi %add3A_1067, %add3A_1072 : vector<16xi32>
      tpu.vector_store_idx %arg5[%add3A_1073], %broadcast_in_dim3A_8 masked %ge3A_1061 : memref<24576xf32, #tpu.memory_space<vmem>>[vector<16xi32>], vector<16xf32>, vector<16xi1>
      %get3A_1074 = arith.index_cast %add3A_681 : i32 to index
      %get3A_1075 = arith.constant 80 : index
      %get3A_1076 = tpu.vector_load %arg4[%get3A_1074, %get3A_1075] {strides = array<i32>} : memref<128x256xi32, #tpu.memory_space<vmem>>, vector<16xi32>,
      %ge3A_1077 = arith.constant 1 : i32
      %ge3A_1078 = vector.broadcast %ge3A_1077 : i32 to vector<16xi32>
      %ge3A_1079 = arith.cmpi sge, %get3A_1076, %ge3A_1078 : vector<16xi32>
      %mul3A_1080 = arith.constant 3 : i32
      %mul3A_1081 = vector.broadcast %mul3A_1080 : i32 to vector<16xi32>
      %mul3A_1082 = arith.muli %get3A_1076, %mul3A_1081 : vector<16xi32>
      %add3A_1083 = arith.constant -3 : i32
      %add3A_1084 = vector.broadcast %add3A_1083 : i32 to vector<16xi32>
      %add3A_1085 = arith.addi %mul3A_1082, %add3A_1084 : vector<16xi32>
      tpu.vector_store_idx %arg5[%add3A_1085], %broadcast_in_dim3A_8 masked %ge3A_1079 : memref<24576xf32, #tpu.memory_space<vmem>>[vector<16xi32>], vector<16xf32>, vector<16xi1>
      %add3A_1086 = arith.constant 1 : i32
      %add3A_1087 = vector.broadcast %add3A_1086 : i32 to vector<16xi32>
      %add3A_1088 = arith.addi %add3A_1085, %add3A_1087 : vector<16xi32>
      tpu.vector_store_idx %arg5[%add3A_1088], %broadcast_in_dim3A_8 masked %ge3A_1079 : memref<24576xf32, #tpu.memory_space<vmem>>[vector<16xi32>], vector<16xf32>, vector<16xi1>
      %add3A_1089 = arith.constant 2 : i32
      %add3A_1090 = vector.broadcast %add3A_1089 : i32 to vector<16xi32>
      %add3A_1091 = arith.addi %add3A_1085, %add3A_1090 : vector<16xi32>
      tpu.vector_store_idx %arg5[%add3A_1091], %broadcast_in_dim3A_8 masked %ge3A_1079 : memref<24576xf32, #tpu.memory_space<vmem>>[vector<16xi32>], vector<16xf32>, vector<16xi1>
      %get3A_1092 = arith.index_cast %add3A_681 : i32 to index
      %get3A_1093 = arith.constant 96 : index
      %get3A_1094 = tpu.vector_load %arg4[%get3A_1092, %get3A_1093] {strides = array<i32>} : memref<128x256xi32, #tpu.memory_space<vmem>>, vector<16xi32>,
      %ge3A_1095 = arith.constant 1 : i32
      %ge3A_1096 = vector.broadcast %ge3A_1095 : i32 to vector<16xi32>
      %ge3A_1097 = arith.cmpi sge, %get3A_1094, %ge3A_1096 : vector<16xi32>
      %mul3A_1098 = arith.constant 3 : i32
      %mul3A_1099 = vector.broadcast %mul3A_1098 : i32 to vector<16xi32>
      %mul3A_1100 = arith.muli %get3A_1094, %mul3A_1099 : vector<16xi32>
      %add3A_1101 = arith.constant -3 : i32
      %add3A_1102 = vector.broadcast %add3A_1101 : i32 to vector<16xi32>
      %add3A_1103 = arith.addi %mul3A_1100, %add3A_1102 : vector<16xi32>
      tpu.vector_store_idx %arg5[%add3A_1103], %broadcast_in_dim3A_8 masked %ge3A_1097 : memref<24576xf32, #tpu.memory_space<vmem>>[vector<16xi32>], vector<16xf32>, vector<16xi1>
      %add3A_1104 = arith.constant 1 : i32
      %add3A_1105 = vector.broadcast %add3A_1104 : i32 to vector<16xi32>
      %add3A_1106 = arith.addi %add3A_1103, %add3A_1105 : vector<16xi32>
      tpu.vector_store_idx %arg5[%add3A_1106], %broadcast_in_dim3A_8 masked %ge3A_1097 : memref<24576xf32, #tpu.memory_space<vmem>>[vector<16xi32>], vector<16xf32>, vector<16xi1>
      %add3A_1107 = arith.constant 2 : i32
      %add3A_1108 = vector.broadcast %add3A_1107 : i32 to vector<16xi32>
      %add3A_1109 = arith.addi %add3A_1103, %add3A_1108 : vector<16xi32>
      tpu.vector_store_idx %arg5[%add3A_1109], %broadcast_in_dim3A_8 masked %ge3A_1097 : memref<24576xf32, #tpu.memory_space<vmem>>[vector<16xi32>], vector<16xf32>, vector<16xi1>
      %get3A_1110 = arith.index_cast %add3A_681 : i32 to index
      %get3A_1111 = arith.constant 112 : index
      %get3A_1112 = tpu.vector_load %arg4[%get3A_1110, %get3A_1111] {strides = array<i32>} : memref<128x256xi32, #tpu.memory_space<vmem>>, vector<16xi32>,
      %ge3A_1113 = arith.constant 1 : i32
      %ge3A_1114 = vector.broadcast %ge3A_1113 : i32 to vector<16xi32>
      %ge3A_1115 = arith.cmpi sge, %get3A_1112, %ge3A_1114 : vector<16xi32>
      %mul3A_1116 = arith.constant 3 : i32
      %mul3A_1117 = vector.broadcast %mul3A_1116 : i32 to vector<16xi32>
      %mul3A_1118 = arith.muli %get3A_1112, %mul3A_1117 : vector<16xi32>
      %add3A_1119 = arith.constant -3 : i32
      %add3A_1120 = vector.broadcast %add3A_1119 : i32 to vector<16xi32>
      %add3A_1121 = arith.addi %mul3A_1118, %add3A_1120 : vector<16xi32>
      tpu.vector_store_idx %arg5[%add3A_1121], %broadcast_in_dim3A_8 masked %ge3A_1115 : memref<24576xf32, #tpu.memory_space<vmem>>[vector<16xi32>], vector<16xf32>, vector<16xi1>
      %add3A_1122 = arith.constant 1 : i32
      %add3A_1123 = vector.broadcast %add3A_1122 : i32 to vector<16xi32>
      %add3A_1124 = arith.addi %add3A_1121, %add3A_1123 : vector<16xi32>
      tpu.vector_store_idx %arg5[%add3A_1124], %broadcast_in_dim3A_8 masked %ge3A_1115 : memref<24576xf32, #tpu.memory_space<vmem>>[vector<16xi32>], vector<16xf32>, vector<16xi1>
      %add3A_1125 = arith.constant 2 : i32
      %add3A_1126 = vector.broadcast %add3A_1125 : i32 to vector<16xi32>
      %add3A_1127 = arith.addi %add3A_1121, %add3A_1126 : vector<16xi32>
      tpu.vector_store_idx %arg5[%add3A_1127], %broadcast_in_dim3A_8 masked %ge3A_1115 : memref<24576xf32, #tpu.memory_space<vmem>>[vector<16xi32>], vector<16xf32>, vector<16xi1>
      %get3A_1128 = arith.index_cast %add3A_681 : i32 to index
      %get3A_1129 = arith.constant 128 : index
      %get3A_1130 = tpu.vector_load %arg4[%get3A_1128, %get3A_1129] {strides = array<i32>} : memref<128x256xi32, #tpu.memory_space<vmem>>, vector<16xi32>,
      %ge3A_1131 = arith.constant 1 : i32
      %ge3A_1132 = vector.broadcast %ge3A_1131 : i32 to vector<16xi32>
      %ge3A_1133 = arith.cmpi sge, %get3A_1130, %ge3A_1132 : vector<16xi32>
      %mul3A_1134 = arith.constant 3 : i32
      %mul3A_1135 = vector.broadcast %mul3A_1134 : i32 to vector<16xi32>
      %mul3A_1136 = arith.muli %get3A_1130, %mul3A_1135 : vector<16xi32>
      %add3A_1137 = arith.constant -3 : i32
      %add3A_1138 = vector.broadcast %add3A_1137 : i32 to vector<16xi32>
      %add3A_1139 = arith.addi %mul3A_1136, %add3A_1138 : vector<16xi32>
      tpu.vector_store_idx %arg5[%add3A_1139], %broadcast_in_dim3A_8 masked %ge3A_1133 : memref<24576xf32, #tpu.memory_space<vmem>>[vector<16xi32>], vector<16xf32>, vector<16xi1>
      %add3A_1140 = arith.constant 1 : i32
      %add3A_1141 = vector.broadcast %add3A_1140 : i32 to vector<16xi32>
      %add3A_1142 = arith.addi %add3A_1139, %add3A_1141 : vector<16xi32>
      tpu.vector_store_idx %arg5[%add3A_1142], %broadcast_in_dim3A_8 masked %ge3A_1133 : memref<24576xf32, #tpu.memory_space<vmem>>[vector<16xi32>], vector<16xf32>, vector<16xi1>
      %add3A_1143 = arith.constant 2 : i32
      %add3A_1144 = vector.broadcast %add3A_1143 : i32 to vector<16xi32>
      %add3A_1145 = arith.addi %add3A_1139, %add3A_1144 : vector<16xi32>
      tpu.vector_store_idx %arg5[%add3A_1145], %broadcast_in_dim3A_8 masked %ge3A_1133 : memref<24576xf32, #tpu.memory_space<vmem>>[vector<16xi32>], vector<16xf32>, vector<16xi1>
      %get3A_1146 = arith.index_cast %add3A_681 : i32 to index
      %get3A_1147 = arith.constant 144 : index
      %get3A_1148 = tpu.vector_load %arg4[%get3A_1146, %get3A_1147] {strides = array<i32>} : memref<128x256xi32, #tpu.memory_space<vmem>>, vector<16xi32>,
      %ge3A_1149 = arith.constant 1 : i32
      %ge3A_1150 = vector.broadcast %ge3A_1149 : i32 to vector<16xi32>
      %ge3A_1151 = arith.cmpi sge, %get3A_1148, %ge3A_1150 : vector<16xi32>
      %mul3A_1152 = arith.constant 3 : i32
      %mul3A_1153 = vector.broadcast %mul3A_1152 : i32 to vector<16xi32>
      %mul3A_1154 = arith.muli %get3A_1148, %mul3A_1153 : vector<16xi32>
      %add3A_1155 = arith.constant -3 : i32
      %add3A_1156 = vector.broadcast %add3A_1155 : i32 to vector<16xi32>
      %add3A_1157 = arith.addi %mul3A_1154, %add3A_1156 : vector<16xi32>
      tpu.vector_store_idx %arg5[%add3A_1157], %broadcast_in_dim3A_8 masked %ge3A_1151 : memref<24576xf32, #tpu.memory_space<vmem>>[vector<16xi32>], vector<16xf32>, vector<16xi1>
      %add3A_1158 = arith.constant 1 : i32
      %add3A_1159 = vector.broadcast %add3A_1158 : i32 to vector<16xi32>
      %add3A_1160 = arith.addi %add3A_1157, %add3A_1159 : vector<16xi32>
      tpu.vector_store_idx %arg5[%add3A_1160], %broadcast_in_dim3A_8 masked %ge3A_1151 : memref<24576xf32, #tpu.memory_space<vmem>>[vector<16xi32>], vector<16xf32>, vector<16xi1>
      %add3A_1161 = arith.constant 2 : i32
      %add3A_1162 = vector.broadcast %add3A_1161 : i32 to vector<16xi32>
      %add3A_1163 = arith.addi %add3A_1157, %add3A_1162 : vector<16xi32>
      tpu.vector_store_idx %arg5[%add3A_1163], %broadcast_in_dim3A_8 masked %ge3A_1151 : memref<24576xf32, #tpu.memory_space<vmem>>[vector<16xi32>], vector<16xf32>, vector<16xi1>
      %get3A_1164 = arith.index_cast %add3A_681 : i32 to index
      %get3A_1165 = arith.constant 160 : index
      %get3A_1166 = tpu.vector_load %arg4[%get3A_1164, %get3A_1165] {strides = array<i32>} : memref<128x256xi32, #tpu.memory_space<vmem>>, vector<16xi32>,
      %ge3A_1167 = arith.constant 1 : i32
      %ge3A_1168 = vector.broadcast %ge3A_1167 : i32 to vector<16xi32>
      %ge3A_1169 = arith.cmpi sge, %get3A_1166, %ge3A_1168 : vector<16xi32>
      %mul3A_1170 = arith.constant 3 : i32
      %mul3A_1171 = vector.broadcast %mul3A_1170 : i32 to vector<16xi32>
      %mul3A_1172 = arith.muli %get3A_1166, %mul3A_1171 : vector<16xi32>
      %add3A_1173 = arith.constant -3 : i32
      %add3A_1174 = vector.broadcast %add3A_1173 : i32 to vector<16xi32>
      %add3A_1175 = arith.addi %mul3A_1172, %add3A_1174 : vector<16xi32>
      tpu.vector_store_idx %arg5[%add3A_1175], %broadcast_in_dim3A_8 masked %ge3A_1169 : memref<24576xf32, #tpu.memory_space<vmem>>[vector<16xi32>], vector<16xf32>, vector<16xi1>
      %add3A_1176 = arith.constant 1 : i32
      %add3A_1177 = vector.broadcast %add3A_1176 : i32 to vector<16xi32>
      %add3A_1178 = arith.addi %add3A_1175, %add3A_1177 : vector<16xi32>
      tpu.vector_store_idx %arg5[%add3A_1178], %broadcast_in_dim3A_8 masked %ge3A_1169 : memref<24576xf32, #tpu.memory_space<vmem>>[vector<16xi32>], vector<16xf32>, vector<16xi1>
      %add3A_1179 = arith.constant 2 : i32
      %add3A_1180 = vector.broadcast %add3A_1179 : i32 to vector<16xi32>
      %add3A_1181 = arith.addi %add3A_1175, %add3A_1180 : vector<16xi32>
      tpu.vector_store_idx %arg5[%add3A_1181], %broadcast_in_dim3A_8 masked %ge3A_1169 : memref<24576xf32, #tpu.memory_space<vmem>>[vector<16xi32>], vector<16xf32>, vector<16xi1>
      %get3A_1182 = arith.index_cast %add3A_681 : i32 to index
      %get3A_1183 = arith.constant 176 : index
      %get3A_1184 = tpu.vector_load %arg4[%get3A_1182, %get3A_1183] {strides = array<i32>} : memref<128x256xi32, #tpu.memory_space<vmem>>, vector<16xi32>,
      %ge3A_1185 = arith.constant 1 : i32
      %ge3A_1186 = vector.broadcast %ge3A_1185 : i32 to vector<16xi32>
      %ge3A_1187 = arith.cmpi sge, %get3A_1184, %ge3A_1186 : vector<16xi32>
      %mul3A_1188 = arith.constant 3 : i32
      %mul3A_1189 = vector.broadcast %mul3A_1188 : i32 to vector<16xi32>
      %mul3A_1190 = arith.muli %get3A_1184, %mul3A_1189 : vector<16xi32>
      %add3A_1191 = arith.constant -3 : i32
      %add3A_1192 = vector.broadcast %add3A_1191 : i32 to vector<16xi32>
      %add3A_1193 = arith.addi %mul3A_1190, %add3A_1192 : vector<16xi32>
      tpu.vector_store_idx %arg5[%add3A_1193], %broadcast_in_dim3A_8 masked %ge3A_1187 : memref<24576xf32, #tpu.memory_space<vmem>>[vector<16xi32>], vector<16xf32>, vector<16xi1>
      %add3A_1194 = arith.constant 1 : i32
      %add3A_1195 = vector.broadcast %add3A_1194 : i32 to vector<16xi32>
      %add3A_1196 = arith.addi %add3A_1193, %add3A_1195 : vector<16xi32>
      tpu.vector_store_idx %arg5[%add3A_1196], %broadcast_in_dim3A_8 masked %ge3A_1187 : memref<24576xf32, #tpu.memory_space<vmem>>[vector<16xi32>], vector<16xf32>, vector<16xi1>
      %add3A_1197 = arith.constant 2 : i32
      %add3A_1198 = vector.broadcast %add3A_1197 : i32 to vector<16xi32>
      %add3A_1199 = arith.addi %add3A_1193, %add3A_1198 : vector<16xi32>
      tpu.vector_store_idx %arg5[%add3A_1199], %broadcast_in_dim3A_8 masked %ge3A_1187 : memref<24576xf32, #tpu.memory_space<vmem>>[vector<16xi32>], vector<16xf32>, vector<16xi1>
      %get3A_1200 = arith.index_cast %add3A_681 : i32 to index
      %get3A_1201 = arith.constant 192 : index
      %get3A_1202 = tpu.vector_load %arg4[%get3A_1200, %get3A_1201] {strides = array<i32>} : memref<128x256xi32, #tpu.memory_space<vmem>>, vector<16xi32>,
      %ge3A_1203 = arith.constant 1 : i32
      %ge3A_1204 = vector.broadcast %ge3A_1203 : i32 to vector<16xi32>
      %ge3A_1205 = arith.cmpi sge, %get3A_1202, %ge3A_1204 : vector<16xi32>
      %mul3A_1206 = arith.constant 3 : i32
      %mul3A_1207 = vector.broadcast %mul3A_1206 : i32 to vector<16xi32>
      %mul3A_1208 = arith.muli %get3A_1202, %mul3A_1207 : vector<16xi32>
      %add3A_1209 = arith.constant -3 : i32
      %add3A_1210 = vector.broadcast %add3A_1209 : i32 to vector<16xi32>
      %add3A_1211 = arith.addi %mul3A_1208, %add3A_1210 : vector<16xi32>
      tpu.vector_store_idx %arg5[%add3A_1211], %broadcast_in_dim3A_8 masked %ge3A_1205 : memref<24576xf32, #tpu.memory_space<vmem>>[vector<16xi32>], vector<16xf32>, vector<16xi1>
      %add3A_1212 = arith.constant 1 : i32
      %add3A_1213 = vector.broadcast %add3A_1212 : i32 to vector<16xi32>
      %add3A_1214 = arith.addi %add3A_1211, %add3A_1213 : vector<16xi32>
      tpu.vector_store_idx %arg5[%add3A_1214], %broadcast_in_dim3A_8 masked %ge3A_1205 : memref<24576xf32, #tpu.memory_space<vmem>>[vector<16xi32>], vector<16xf32>, vector<16xi1>
      %add3A_1215 = arith.constant 2 : i32
      %add3A_1216 = vector.broadcast %add3A_1215 : i32 to vector<16xi32>
      %add3A_1217 = arith.addi %add3A_1211, %add3A_1216 : vector<16xi32>
      tpu.vector_store_idx %arg5[%add3A_1217], %broadcast_in_dim3A_8 masked %ge3A_1205 : memref<24576xf32, #tpu.memory_space<vmem>>[vector<16xi32>], vector<16xf32>, vector<16xi1>
      %get3A_1218 = arith.index_cast %add3A_681 : i32 to index
      %get3A_1219 = arith.constant 208 : index
      %get3A_1220 = tpu.vector_load %arg4[%get3A_1218, %get3A_1219] {strides = array<i32>} : memref<128x256xi32, #tpu.memory_space<vmem>>, vector<16xi32>,
      %ge3A_1221 = arith.constant 1 : i32
      %ge3A_1222 = vector.broadcast %ge3A_1221 : i32 to vector<16xi32>
      %ge3A_1223 = arith.cmpi sge, %get3A_1220, %ge3A_1222 : vector<16xi32>
      %mul3A_1224 = arith.constant 3 : i32
      %mul3A_1225 = vector.broadcast %mul3A_1224 : i32 to vector<16xi32>
      %mul3A_1226 = arith.muli %get3A_1220, %mul3A_1225 : vector<16xi32>
      %add3A_1227 = arith.constant -3 : i32
      %add3A_1228 = vector.broadcast %add3A_1227 : i32 to vector<16xi32>
      %add3A_1229 = arith.addi %mul3A_1226, %add3A_1228 : vector<16xi32>
      tpu.vector_store_idx %arg5[%add3A_1229], %broadcast_in_dim3A_8 masked %ge3A_1223 : memref<24576xf32, #tpu.memory_space<vmem>>[vector<16xi32>], vector<16xf32>, vector<16xi1>
      %add3A_1230 = arith.constant 1 : i32
      %add3A_1231 = vector.broadcast %add3A_1230 : i32 to vector<16xi32>
      %add3A_1232 = arith.addi %add3A_1229, %add3A_1231 : vector<16xi32>
      tpu.vector_store_idx %arg5[%add3A_1232], %broadcast_in_dim3A_8 masked %ge3A_1223 : memref<24576xf32, #tpu.memory_space<vmem>>[vector<16xi32>], vector<16xf32>, vector<16xi1>
      %add3A_1233 = arith.constant 2 : i32
      %add3A_1234 = vector.broadcast %add3A_1233 : i32 to vector<16xi32>
      %add3A_1235 = arith.addi %add3A_1229, %add3A_1234 : vector<16xi32>
      tpu.vector_store_idx %arg5[%add3A_1235], %broadcast_in_dim3A_8 masked %ge3A_1223 : memref<24576xf32, #tpu.memory_space<vmem>>[vector<16xi32>], vector<16xf32>, vector<16xi1>
      %get3A_1236 = arith.index_cast %add3A_681 : i32 to index
      %get3A_1237 = arith.constant 224 : index
      %get3A_1238 = tpu.vector_load %arg4[%get3A_1236, %get3A_1237] {strides = array<i32>} : memref<128x256xi32, #tpu.memory_space<vmem>>, vector<16xi32>,
      %ge3A_1239 = arith.constant 1 : i32
      %ge3A_1240 = vector.broadcast %ge3A_1239 : i32 to vector<16xi32>
      %ge3A_1241 = arith.cmpi sge, %get3A_1238, %ge3A_1240 : vector<16xi32>
      %mul3A_1242 = arith.constant 3 : i32
      %mul3A_1243 = vector.broadcast %mul3A_1242 : i32 to vector<16xi32>
      %mul3A_1244 = arith.muli %get3A_1238, %mul3A_1243 : vector<16xi32>
      %add3A_1245 = arith.constant -3 : i32
      %add3A_1246 = vector.broadcast %add3A_1245 : i32 to vector<16xi32>
      %add3A_1247 = arith.addi %mul3A_1244, %add3A_1246 : vector<16xi32>
      tpu.vector_store_idx %arg5[%add3A_1247], %broadcast_in_dim3A_8 masked %ge3A_1241 : memref<24576xf32, #tpu.memory_space<vmem>>[vector<16xi32>], vector<16xf32>, vector<16xi1>
      %add3A_1248 = arith.constant 1 : i32
      %add3A_1249 = vector.broadcast %add3A_1248 : i32 to vector<16xi32>
      %add3A_1250 = arith.addi %add3A_1247, %add3A_1249 : vector<16xi32>
      tpu.vector_store_idx %arg5[%add3A_1250], %broadcast_in_dim3A_8 masked %ge3A_1241 : memref<24576xf32, #tpu.memory_space<vmem>>[vector<16xi32>], vector<16xf32>, vector<16xi1>
      %add3A_1251 = arith.constant 2 : i32
      %add3A_1252 = vector.broadcast %add3A_1251 : i32 to vector<16xi32>
      %add3A_1253 = arith.addi %add3A_1247, %add3A_1252 : vector<16xi32>
      tpu.vector_store_idx %arg5[%add3A_1253], %broadcast_in_dim3A_8 masked %ge3A_1241 : memref<24576xf32, #tpu.memory_space<vmem>>[vector<16xi32>], vector<16xf32>, vector<16xi1>
      %get3A_1254 = arith.index_cast %add3A_681 : i32 to index
      %get3A_1255 = arith.constant 240 : index
      %get3A_1256 = tpu.vector_load %arg4[%get3A_1254, %get3A_1255] {strides = array<i32>} : memref<128x256xi32, #tpu.memory_space<vmem>>, vector<16xi32>,
      %ge3A_1257 = arith.constant 1 : i32
      %ge3A_1258 = vector.broadcast %ge3A_1257 : i32 to vector<16xi32>
      %ge3A_1259 = arith.cmpi sge, %get3A_1256, %ge3A_1258 : vector<16xi32>
      %mul3A_1260 = arith.constant 3 : i32
      %mul3A_1261 = vector.broadcast %mul3A_1260 : i32 to vector<16xi32>
      %mul3A_1262 = arith.muli %get3A_1256, %mul3A_1261 : vector<16xi32>
      %add3A_1263 = arith.constant -3 : i32
      %add3A_1264 = vector.broadcast %add3A_1263 : i32 to vector<16xi32>
      %add3A_1265 = arith.addi %mul3A_1262, %add3A_1264 : vector<16xi32>
      tpu.vector_store_idx %arg5[%add3A_1265], %broadcast_in_dim3A_8 masked %ge3A_1259 : memref<24576xf32, #tpu.memory_space<vmem>>[vector<16xi32>], vector<16xf32>, vector<16xi1>
      %add3A_1266 = arith.constant 1 : i32
      %add3A_1267 = vector.broadcast %add3A_1266 : i32 to vector<16xi32>
      %add3A_1268 = arith.addi %add3A_1265, %add3A_1267 : vector<16xi32>
      tpu.vector_store_idx %arg5[%add3A_1268], %broadcast_in_dim3A_8 masked %ge3A_1259 : memref<24576xf32, #tpu.memory_space<vmem>>[vector<16xi32>], vector<16xf32>, vector<16xi1>
      %add3A_1269 = arith.constant 2 : i32
      %add3A_1270 = vector.broadcast %add3A_1269 : i32 to vector<16xi32>
      %add3A_1271 = arith.addi %add3A_1265, %add3A_1270 : vector<16xi32>
      tpu.vector_store_idx %arg5[%add3A_1271], %broadcast_in_dim3A_8 masked %ge3A_1259 : memref<24576xf32, #tpu.memory_space<vmem>>[vector<16xi32>], vector<16xf32>, vector<16xi1>
      %add3A_1272 = arith.addi %mul3A_2, %add3A_681 : i32
      %dma_start3A_1273 = arith.constant 0 : i32
      %dma_start3A_1274 = tpu.memref_slice %arg5[%dma_start3A_1273] : memref<24576xf32, #tpu.memory_space<vmem>> -> memref<12288xf32, #tpu.memory_space<vmem>>
      %dma_start3A_1275 = arith.constant 0 : i32
      %dma_start3A_1276 = tpu.memref_slice %arg3[%add3A_1272, %dma_start3A_1275] : memref<4096x12288xf32, #tpu.memory_space<hbm>> -> memref<1x12288xf32, #tpu.memory_space<hbm>>
      %dma_start3A_1277 = tpu.memref_squeeze %dma_start3A_1276 : memref<1x12288xf32, #tpu.memory_space<hbm>> -> memref<12288xf32, #tpu.memory_space<hbm>>
      %dma_start3A_1278 = arith.constant 0 : i32
      %dma_start3A_1279 = tpu.memref_slice %arg3[%add3A_1272, %dma_start3A_1278] : memref<4096x12288xf32, #tpu.memory_space<hbm>> -> memref<1x12288xf32, #tpu.memory_space<hbm>>
      %dma_start3A_1280 = tpu.memref_squeeze %dma_start3A_1279 : memref<1x12288xf32, #tpu.memory_space<hbm>> -> memref<12288xf32, #tpu.memory_space<hbm>>
      %dma_start3A_1281 = arith.constant 0 : i32
      %dma_start3A_1282 = tpu.memref_slice %arg5[%dma_start3A_1281] : memref<24576xf32, #tpu.memory_space<vmem>> -> memref<12288xf32, #tpu.memory_space<vmem>>
      tpu.enqueue_dma source(%dma_start3A_1282 : memref<12288xf32, #tpu.memory_space<vmem>>) target(%dma_start3A_1280 : memref<12288xf32, #tpu.memory_space<hbm>>) target_semaphore(%arg6 : memref<!tpu.dma_semaphore, #tpu.memory_space<semaphore_mem>>)
      %mul3A_1283 = arith.constant 2 : i32
      %mul3A_1284 = arith.muli %scan3A_677, %mul3A_1283 : i32
      %add3A_1285 = arith.constant 1 : i32
      %add3A_1286 = arith.addi %mul3A_1284, %add3A_1285 : i32
      %sub3A_1287 = arith.constant 2 : i32
      %sub3A_1288 = arith.subi %add3A_1286, %sub3A_1287 : i32
      %add3A_1289 = arith.addi %mul3A_2, %sub3A_1288 : i32
      %dma_wait3A_1290 = arith.constant 12288 : i32
      %dma_wait3A_1291 = tpu.memref_slice %arg5[%dma_wait3A_1290] : memref<24576xf32, #tpu.memory_space<vmem>> -> memref<12288xf32, #tpu.memory_space<vmem>>
      %dma_wait3A_1292 = arith.constant 0 : i32
      %dma_wait3A_1293 = tpu.memref_slice %arg3[%add3A_1289, %dma_wait3A_1292] : memref<4096x12288xf32, #tpu.memory_space<hbm>> -> memref<1x12288xf32, #tpu.memory_space<hbm>>
      %dma_wait3A_1294 = tpu.memref_squeeze %dma_wait3A_1293 : memref<1x12288xf32, #tpu.memory_space<hbm>> -> memref<12288xf32, #tpu.memory_space<hbm>>
      %dma_wait3A_1295 = arith.constant 0 : i32
      %dma_wait3A_1296 = tpu.memref_slice %arg3[%add3A_1289, %dma_wait3A_1295] : memref<4096x12288xf32, #tpu.memory_space<hbm>> -> memref<1x12288xf32, #tpu.memory_space<hbm>>
      %dma_wait3A_1297 = tpu.memref_squeeze %dma_wait3A_1296 : memref<1x12288xf32, #tpu.memory_space<hbm>> -> memref<12288xf32, #tpu.memory_space<hbm>>
      %dma_wait3A_1298 = arith.constant 12288 : i32
      %dma_wait3A_1299 = tpu.memref_slice %arg5[%dma_wait3A_1298] : memref<24576xf32, #tpu.memory_space<vmem>> -> memref<12288xf32, #tpu.memory_space<vmem>>
      tpu.wait_dma2 semaphore(%arg7 : memref<!tpu.dma_semaphore, #tpu.memory_space<semaphore_mem>>) src(%dma_wait3A_1299 : memref<12288xf32, #tpu.memory_space<vmem>>) dst(%dma_wait3A_1297 : memref<12288xf32, #tpu.memory_space<hbm>>)
      %sub3A_1300 = arith.constant 2 : i32
      %sub3A_1301 = arith.subi %add3A_1286, %sub3A_1300 : i32
      %get3A_1302 = arith.index_cast %sub3A_1301 : i32 to index
      %get3A_1303 = arith.constant 0 : index
      %get3A_1304 = tpu.vector_load %arg4[%get3A_1302, %get3A_1303] {strides = array<i32>} : memref<128x256xi32, #tpu.memory_space<vmem>>, vector<16xi32>,
      %ge3A_1305 = arith.constant 1 : i32
      %ge3A_1306 = vector.broadcast %ge3A_1305 : i32 to vector<16xi32>
      %ge3A_1307 = arith.cmpi sge, %get3A_1304, %ge3A_1306 : vector<16xi32>
      %mul3A_1308 = arith.constant 3 : i32
      %mul3A_1309 = vector.broadcast %mul3A_1308 : i32 to vector<16xi32>
      %mul3A_1310 = arith.muli %get3A_1304, %mul3A_1309 : vector<16xi32>
      %add3A_1311 = arith.constant 12285 : i32
      %add3A_1312 = vector.broadcast %add3A_1311 : i32 to vector<16xi32>
      %add3A_1313 = arith.addi %mul3A_1310, %add3A_1312 : vector<16xi32>
      tpu.vector_store_idx %arg5[%add3A_1313], %broadcast_in_dim3A_6 masked %ge3A_1307 : memref<24576xf32, #tpu.memory_space<vmem>>[vector<16xi32>], vector<16xf32>, vector<16xi1>
      %add3A_1314 = arith.constant 1 : i32
      %add3A_1315 = vector.broadcast %add3A_1314 : i32 to vector<16xi32>
      %add3A_1316 = arith.addi %add3A_1313, %add3A_1315 : vector<16xi32>
      tpu.vector_store_idx %arg5[%add3A_1316], %broadcast_in_dim3A_6 masked %ge3A_1307 : memref<24576xf32, #tpu.memory_space<vmem>>[vector<16xi32>], vector<16xf32>, vector<16xi1>
      %add3A_1317 = arith.constant 2 : i32
      %add3A_1318 = vector.broadcast %add3A_1317 : i32 to vector<16xi32>
      %add3A_1319 = arith.addi %add3A_1313, %add3A_1318 : vector<16xi32>
      tpu.vector_store_idx %arg5[%add3A_1319], %broadcast_in_dim3A_6 masked %ge3A_1307 : memref<24576xf32, #tpu.memory_space<vmem>>[vector<16xi32>], vector<16xf32>, vector<16xi1>
      %get3A_1320 = arith.index_cast %sub3A_1301 : i32 to index
      %get3A_1321 = arith.constant 16 : index
      %get3A_1322 = tpu.vector_load %arg4[%get3A_1320, %get3A_1321] {strides = array<i32>} : memref<128x256xi32, #tpu.memory_space<vmem>>, vector<16xi32>,
      %ge3A_1323 = arith.constant 1 : i32
      %ge3A_1324 = vector.broadcast %ge3A_1323 : i32 to vector<16xi32>
      %ge3A_1325 = arith.cmpi sge, %get3A_1322, %ge3A_1324 : vector<16xi32>
      %mul3A_1326 = arith.constant 3 : i32
      %mul3A_1327 = vector.broadcast %mul3A_1326 : i32 to vector<16xi32>
      %mul3A_1328 = arith.muli %get3A_1322, %mul3A_1327 : vector<16xi32>
      %add3A_1329 = arith.constant 12285 : i32
      %add3A_1330 = vector.broadcast %add3A_1329 : i32 to vector<16xi32>
      %add3A_1331 = arith.addi %mul3A_1328, %add3A_1330 : vector<16xi32>
      tpu.vector_store_idx %arg5[%add3A_1331], %broadcast_in_dim3A_6 masked %ge3A_1325 : memref<24576xf32, #tpu.memory_space<vmem>>[vector<16xi32>], vector<16xf32>, vector<16xi1>
      %add3A_1332 = arith.constant 1 : i32
      %add3A_1333 = vector.broadcast %add3A_1332 : i32 to vector<16xi32>
      %add3A_1334 = arith.addi %add3A_1331, %add3A_1333 : vector<16xi32>
      tpu.vector_store_idx %arg5[%add3A_1334], %broadcast_in_dim3A_6 masked %ge3A_1325 : memref<24576xf32, #tpu.memory_space<vmem>>[vector<16xi32>], vector<16xf32>, vector<16xi1>
      %add3A_1335 = arith.constant 2 : i32
      %add3A_1336 = vector.broadcast %add3A_1335 : i32 to vector<16xi32>
      %add3A_1337 = arith.addi %add3A_1331, %add3A_1336 : vector<16xi32>
      tpu.vector_store_idx %arg5[%add3A_1337], %broadcast_in_dim3A_6 masked %ge3A_1325 : memref<24576xf32, #tpu.memory_space<vmem>>[vector<16xi32>], vector<16xf32>, vector<16xi1>
      %get3A_1338 = arith.index_cast %sub3A_1301 : i32 to index
      %get3A_1339 = arith.constant 32 : index
      %get3A_1340 = tpu.vector_load %arg4[%get3A_1338, %get3A_1339] {strides = array<i32>} : memref<128x256xi32, #tpu.memory_space<vmem>>, vector<16xi32>,
      %ge3A_1341 = arith.constant 1 : i32
      %ge3A_1342 = vector.broadcast %ge3A_1341 : i32 to vector<16xi32>
      %ge3A_1343 = arith.cmpi sge, %get3A_1340, %ge3A_1342 : vector<16xi32>
      %mul3A_1344 = arith.constant 3 : i32
      %mul3A_1345 = vector.broadcast %mul3A_1344 : i32 to vector<16xi32>
      %mul3A_1346 = arith.muli %get3A_1340, %mul3A_1345 : vector<16xi32>
      %add3A_1347 = arith.constant 12285 : i32
      %add3A_1348 = vector.broadcast %add3A_1347 : i32 to vector<16xi32>
      %add3A_1349 = arith.addi %mul3A_1346, %add3A_1348 : vector<16xi32>
      tpu.vector_store_idx %arg5[%add3A_1349], %broadcast_in_dim3A_6 masked %ge3A_1343 : memref<24576xf32, #tpu.memory_space<vmem>>[vector<16xi32>], vector<16xf32>, vector<16xi1>
      %add3A_1350 = arith.constant 1 : i32
      %add3A_1351 = vector.broadcast %add3A_1350 : i32 to vector<16xi32>
      %add3A_1352 = arith.addi %add3A_1349, %add3A_1351 : vector<16xi32>
      tpu.vector_store_idx %arg5[%add3A_1352], %broadcast_in_dim3A_6 masked %ge3A_1343 : memref<24576xf32, #tpu.memory_space<vmem>>[vector<16xi32>], vector<16xf32>, vector<16xi1>
      %add3A_1353 = arith.constant 2 : i32
      %add3A_1354 = vector.broadcast %add3A_1353 : i32 to vector<16xi32>
      %add3A_1355 = arith.addi %add3A_1349, %add3A_1354 : vector<16xi32>
      tpu.vector_store_idx %arg5[%add3A_1355], %broadcast_in_dim3A_6 masked %ge3A_1343 : memref<24576xf32, #tpu.memory_space<vmem>>[vector<16xi32>], vector<16xf32>, vector<16xi1>
      %get3A_1356 = arith.index_cast %sub3A_1301 : i32 to index
      %get3A_1357 = arith.constant 48 : index
      %get3A_1358 = tpu.vector_load %arg4[%get3A_1356, %get3A_1357] {strides = array<i32>} : memref<128x256xi32, #tpu.memory_space<vmem>>, vector<16xi32>,
      %ge3A_1359 = arith.constant 1 : i32
      %ge3A_1360 = vector.broadcast %ge3A_1359 : i32 to vector<16xi32>
      %ge3A_1361 = arith.cmpi sge, %get3A_1358, %ge3A_1360 : vector<16xi32>
      %mul3A_1362 = arith.constant 3 : i32
      %mul3A_1363 = vector.broadcast %mul3A_1362 : i32 to vector<16xi32>
      %mul3A_1364 = arith.muli %get3A_1358, %mul3A_1363 : vector<16xi32>
      %add3A_1365 = arith.constant 12285 : i32
      %add3A_1366 = vector.broadcast %add3A_1365 : i32 to vector<16xi32>
      %add3A_1367 = arith.addi %mul3A_1364, %add3A_1366 : vector<16xi32>
      tpu.vector_store_idx %arg5[%add3A_1367], %broadcast_in_dim3A_6 masked %ge3A_1361 : memref<24576xf32, #tpu.memory_space<vmem>>[vector<16xi32>], vector<16xf32>, vector<16xi1>
      %add3A_1368 = arith.constant 1 : i32
      %add3A_1369 = vector.broadcast %add3A_1368 : i32 to vector<16xi32>
      %add3A_1370 = arith.addi %add3A_1367, %add3A_1369 : vector<16xi32>
      tpu.vector_store_idx %arg5[%add3A_1370], %broadcast_in_dim3A_6 masked %ge3A_1361 : memref<24576xf32, #tpu.memory_space<vmem>>[vector<16xi32>], vector<16xf32>, vector<16xi1>
      %add3A_1371 = arith.constant 2 : i32
      %add3A_1372 = vector.broadcast %add3A_1371 : i32 to vector<16xi32>
      %add3A_1373 = arith.addi %add3A_1367, %add3A_1372 : vector<16xi32>
      tpu.vector_store_idx %arg5[%add3A_1373], %broadcast_in_dim3A_6 masked %ge3A_1361 : memref<24576xf32, #tpu.memory_space<vmem>>[vector<16xi32>], vector<16xf32>, vector<16xi1>
      %get3A_1374 = arith.index_cast %sub3A_1301 : i32 to index
      %get3A_1375 = arith.constant 64 : index
      %get3A_1376 = tpu.vector_load %arg4[%get3A_1374, %get3A_1375] {strides = array<i32>} : memref<128x256xi32, #tpu.memory_space<vmem>>, vector<16xi32>,
      %ge3A_1377 = arith.constant 1 : i32
      %ge3A_1378 = vector.broadcast %ge3A_1377 : i32 to vector<16xi32>
      %ge3A_1379 = arith.cmpi sge, %get3A_1376, %ge3A_1378 : vector<16xi32>
      %mul3A_1380 = arith.constant 3 : i32
      %mul3A_1381 = vector.broadcast %mul3A_1380 : i32 to vector<16xi32>
      %mul3A_1382 = arith.muli %get3A_1376, %mul3A_1381 : vector<16xi32>
      %add3A_1383 = arith.constant 12285 : i32
      %add3A_1384 = vector.broadcast %add3A_1383 : i32 to vector<16xi32>
      %add3A_1385 = arith.addi %mul3A_1382, %add3A_1384 : vector<16xi32>
      tpu.vector_store_idx %arg5[%add3A_1385], %broadcast_in_dim3A_6 masked %ge3A_1379 : memref<24576xf32, #tpu.memory_space<vmem>>[vector<16xi32>], vector<16xf32>, vector<16xi1>
      %add3A_1386 = arith.constant 1 : i32
      %add3A_1387 = vector.broadcast %add3A_1386 : i32 to vector<16xi32>
      %add3A_1388 = arith.addi %add3A_1385, %add3A_1387 : vector<16xi32>
      tpu.vector_store_idx %arg5[%add3A_1388], %broadcast_in_dim3A_6 masked %ge3A_1379 : memref<24576xf32, #tpu.memory_space<vmem>>[vector<16xi32>], vector<16xf32>, vector<16xi1>
      %add3A_1389 = arith.constant 2 : i32
      %add3A_1390 = vector.broadcast %add3A_1389 : i32 to vector<16xi32>
      %add3A_1391 = arith.addi %add3A_1385, %add3A_1390 : vector<16xi32>
      tpu.vector_store_idx %arg5[%add3A_1391], %broadcast_in_dim3A_6 masked %ge3A_1379 : memref<24576xf32, #tpu.memory_space<vmem>>[vector<16xi32>], vector<16xf32>, vector<16xi1>
      %get3A_1392 = arith.index_cast %sub3A_1301 : i32 to index
      %get3A_1393 = arith.constant 80 : index
      %get3A_1394 = tpu.vector_load %arg4[%get3A_1392, %get3A_1393] {strides = array<i32>} : memref<128x256xi32, #tpu.memory_space<vmem>>, vector<16xi32>,
      %ge3A_1395 = arith.constant 1 : i32
      %ge3A_1396 = vector.broadcast %ge3A_1395 : i32 to vector<16xi32>
      %ge3A_1397 = arith.cmpi sge, %get3A_1394, %ge3A_1396 : vector<16xi32>
      %mul3A_1398 = arith.constant 3 : i32
      %mul3A_1399 = vector.broadcast %mul3A_1398 : i32 to vector<16xi32>
      %mul3A_1400 = arith.muli %get3A_1394, %mul3A_1399 : vector<16xi32>
      %add3A_1401 = arith.constant 12285 : i32
      %add3A_1402 = vector.broadcast %add3A_1401 : i32 to vector<16xi32>
      %add3A_1403 = arith.addi %mul3A_1400, %add3A_1402 : vector<16xi32>
      tpu.vector_store_idx %arg5[%add3A_1403], %broadcast_in_dim3A_6 masked %ge3A_1397 : memref<24576xf32, #tpu.memory_space<vmem>>[vector<16xi32>], vector<16xf32>, vector<16xi1>
      %add3A_1404 = arith.constant 1 : i32
      %add3A_1405 = vector.broadcast %add3A_1404 : i32 to vector<16xi32>
      %add3A_1406 = arith.addi %add3A_1403, %add3A_1405 : vector<16xi32>
      tpu.vector_store_idx %arg5[%add3A_1406], %broadcast_in_dim3A_6 masked %ge3A_1397 : memref<24576xf32, #tpu.memory_space<vmem>>[vector<16xi32>], vector<16xf32>, vector<16xi1>
      %add3A_1407 = arith.constant 2 : i32
      %add3A_1408 = vector.broadcast %add3A_1407 : i32 to vector<16xi32>
      %add3A_1409 = arith.addi %add3A_1403, %add3A_1408 : vector<16xi32>
      tpu.vector_store_idx %arg5[%add3A_1409], %broadcast_in_dim3A_6 masked %ge3A_1397 : memref<24576xf32, #tpu.memory_space<vmem>>[vector<16xi32>], vector<16xf32>, vector<16xi1>
      %get3A_1410 = arith.index_cast %sub3A_1301 : i32 to index
      %get3A_1411 = arith.constant 96 : index
      %get3A_1412 = tpu.vector_load %arg4[%get3A_1410, %get3A_1411] {strides = array<i32>} : memref<128x256xi32, #tpu.memory_space<vmem>>, vector<16xi32>,
      %ge3A_1413 = arith.constant 1 : i32
      %ge3A_1414 = vector.broadcast %ge3A_1413 : i32 to vector<16xi32>
      %ge3A_1415 = arith.cmpi sge, %get3A_1412, %ge3A_1414 : vector<16xi32>
      %mul3A_1416 = arith.constant 3 : i32
      %mul3A_1417 = vector.broadcast %mul3A_1416 : i32 to vector<16xi32>
      %mul3A_1418 = arith.muli %get3A_1412, %mul3A_1417 : vector<16xi32>
      %add3A_1419 = arith.constant 12285 : i32
      %add3A_1420 = vector.broadcast %add3A_1419 : i32 to vector<16xi32>
      %add3A_1421 = arith.addi %mul3A_1418, %add3A_1420 : vector<16xi32>
      tpu.vector_store_idx %arg5[%add3A_1421], %broadcast_in_dim3A_6 masked %ge3A_1415 : memref<24576xf32, #tpu.memory_space<vmem>>[vector<16xi32>], vector<16xf32>, vector<16xi1>
      %add3A_1422 = arith.constant 1 : i32
      %add3A_1423 = vector.broadcast %add3A_1422 : i32 to vector<16xi32>
      %add3A_1424 = arith.addi %add3A_1421, %add3A_1423 : vector<16xi32>
      tpu.vector_store_idx %arg5[%add3A_1424], %broadcast_in_dim3A_6 masked %ge3A_1415 : memref<24576xf32, #tpu.memory_space<vmem>>[vector<16xi32>], vector<16xf32>, vector<16xi1>
      %add3A_1425 = arith.constant 2 : i32
      %add3A_1426 = vector.broadcast %add3A_1425 : i32 to vector<16xi32>
      %add3A_1427 = arith.addi %add3A_1421, %add3A_1426 : vector<16xi32>
      tpu.vector_store_idx %arg5[%add3A_1427], %broadcast_in_dim3A_6 masked %ge3A_1415 : memref<24576xf32, #tpu.memory_space<vmem>>[vector<16xi32>], vector<16xf32>, vector<16xi1>
      %get3A_1428 = arith.index_cast %sub3A_1301 : i32 to index
      %get3A_1429 = arith.constant 112 : index
      %get3A_1430 = tpu.vector_load %arg4[%get3A_1428, %get3A_1429] {strides = array<i32>} : memref<128x256xi32, #tpu.memory_space<vmem>>, vector<16xi32>,
      %ge3A_1431 = arith.constant 1 : i32
      %ge3A_1432 = vector.broadcast %ge3A_1431 : i32 to vector<16xi32>
      %ge3A_1433 = arith.cmpi sge, %get3A_1430, %ge3A_1432 : vector<16xi32>
      %mul3A_1434 = arith.constant 3 : i32
      %mul3A_1435 = vector.broadcast %mul3A_1434 : i32 to vector<16xi32>
      %mul3A_1436 = arith.muli %get3A_1430, %mul3A_1435 : vector<16xi32>
      %add3A_1437 = arith.constant 12285 : i32
      %add3A_1438 = vector.broadcast %add3A_1437 : i32 to vector<16xi32>
      %add3A_1439 = arith.addi %mul3A_1436, %add3A_1438 : vector<16xi32>
      tpu.vector_store_idx %arg5[%add3A_1439], %broadcast_in_dim3A_6 masked %ge3A_1433 : memref<24576xf32, #tpu.memory_space<vmem>>[vector<16xi32>], vector<16xf32>, vector<16xi1>
      %add3A_1440 = arith.constant 1 : i32
      %add3A_1441 = vector.broadcast %add3A_1440 : i32 to vector<16xi32>
      %add3A_1442 = arith.addi %add3A_1439, %add3A_1441 : vector<16xi32>
      tpu.vector_store_idx %arg5[%add3A_1442], %broadcast_in_dim3A_6 masked %ge3A_1433 : memref<24576xf32, #tpu.memory_space<vmem>>[vector<16xi32>], vector<16xf32>, vector<16xi1>
      %add3A_1443 = arith.constant 2 : i32
      %add3A_1444 = vector.broadcast %add3A_1443 : i32 to vector<16xi32>
      %add3A_1445 = arith.addi %add3A_1439, %add3A_1444 : vector<16xi32>
      tpu.vector_store_idx %arg5[%add3A_1445], %broadcast_in_dim3A_6 masked %ge3A_1433 : memref<24576xf32, #tpu.memory_space<vmem>>[vector<16xi32>], vector<16xf32>, vector<16xi1>
      %get3A_1446 = arith.index_cast %sub3A_1301 : i32 to index
      %get3A_1447 = arith.constant 128 : index
      %get3A_1448 = tpu.vector_load %arg4[%get3A_1446, %get3A_1447] {strides = array<i32>} : memref<128x256xi32, #tpu.memory_space<vmem>>, vector<16xi32>,
      %ge3A_1449 = arith.constant 1 : i32
      %ge3A_1450 = vector.broadcast %ge3A_1449 : i32 to vector<16xi32>
      %ge3A_1451 = arith.cmpi sge, %get3A_1448, %ge3A_1450 : vector<16xi32>
      %mul3A_1452 = arith.constant 3 : i32
      %mul3A_1453 = vector.broadcast %mul3A_1452 : i32 to vector<16xi32>
      %mul3A_1454 = arith.muli %get3A_1448, %mul3A_1453 : vector<16xi32>
      %add3A_1455 = arith.constant 12285 : i32
      %add3A_1456 = vector.broadcast %add3A_1455 : i32 to vector<16xi32>
      %add3A_1457 = arith.addi %mul3A_1454, %add3A_1456 : vector<16xi32>
      tpu.vector_store_idx %arg5[%add3A_1457], %broadcast_in_dim3A_6 masked %ge3A_1451 : memref<24576xf32, #tpu.memory_space<vmem>>[vector<16xi32>], vector<16xf32>, vector<16xi1>
      %add3A_1458 = arith.constant 1 : i32
      %add3A_1459 = vector.broadcast %add3A_1458 : i32 to vector<16xi32>
      %add3A_1460 = arith.addi %add3A_1457, %add3A_1459 : vector<16xi32>
      tpu.vector_store_idx %arg5[%add3A_1460], %broadcast_in_dim3A_6 masked %ge3A_1451 : memref<24576xf32, #tpu.memory_space<vmem>>[vector<16xi32>], vector<16xf32>, vector<16xi1>
      %add3A_1461 = arith.constant 2 : i32
      %add3A_1462 = vector.broadcast %add3A_1461 : i32 to vector<16xi32>
      %add3A_1463 = arith.addi %add3A_1457, %add3A_1462 : vector<16xi32>
      tpu.vector_store_idx %arg5[%add3A_1463], %broadcast_in_dim3A_6 masked %ge3A_1451 : memref<24576xf32, #tpu.memory_space<vmem>>[vector<16xi32>], vector<16xf32>, vector<16xi1>
      %get3A_1464 = arith.index_cast %sub3A_1301 : i32 to index
      %get3A_1465 = arith.constant 144 : index
      %get3A_1466 = tpu.vector_load %arg4[%get3A_1464, %get3A_1465] {strides = array<i32>} : memref<128x256xi32, #tpu.memory_space<vmem>>, vector<16xi32>,
      %ge3A_1467 = arith.constant 1 : i32
      %ge3A_1468 = vector.broadcast %ge3A_1467 : i32 to vector<16xi32>
      %ge3A_1469 = arith.cmpi sge, %get3A_1466, %ge3A_1468 : vector<16xi32>
      %mul3A_1470 = arith.constant 3 : i32
      %mul3A_1471 = vector.broadcast %mul3A_1470 : i32 to vector<16xi32>
      %mul3A_1472 = arith.muli %get3A_1466, %mul3A_1471 : vector<16xi32>
      %add3A_1473 = arith.constant 12285 : i32
      %add3A_1474 = vector.broadcast %add3A_1473 : i32 to vector<16xi32>
      %add3A_1475 = arith.addi %mul3A_1472, %add3A_1474 : vector<16xi32>
      tpu.vector_store_idx %arg5[%add3A_1475], %broadcast_in_dim3A_6 masked %ge3A_1469 : memref<24576xf32, #tpu.memory_space<vmem>>[vector<16xi32>], vector<16xf32>, vector<16xi1>
      %add3A_1476 = arith.constant 1 : i32
      %add3A_1477 = vector.broadcast %add3A_1476 : i32 to vector<16xi32>
      %add3A_1478 = arith.addi %add3A_1475, %add3A_1477 : vector<16xi32>
      tpu.vector_store_idx %arg5[%add3A_1478], %broadcast_in_dim3A_6 masked %ge3A_1469 : memref<24576xf32, #tpu.memory_space<vmem>>[vector<16xi32>], vector<16xf32>, vector<16xi1>
      %add3A_1479 = arith.constant 2 : i32
      %add3A_1480 = vector.broadcast %add3A_1479 : i32 to vector<16xi32>
      %add3A_1481 = arith.addi %add3A_1475, %add3A_1480 : vector<16xi32>
      tpu.vector_store_idx %arg5[%add3A_1481], %broadcast_in_dim3A_6 masked %ge3A_1469 : memref<24576xf32, #tpu.memory_space<vmem>>[vector<16xi32>], vector<16xf32>, vector<16xi1>
      %get3A_1482 = arith.index_cast %sub3A_1301 : i32 to index
      %get3A_1483 = arith.constant 160 : index
      %get3A_1484 = tpu.vector_load %arg4[%get3A_1482, %get3A_1483] {strides = array<i32>} : memref<128x256xi32, #tpu.memory_space<vmem>>, vector<16xi32>,
      %ge3A_1485 = arith.constant 1 : i32
      %ge3A_1486 = vector.broadcast %ge3A_1485 : i32 to vector<16xi32>
      %ge3A_1487 = arith.cmpi sge, %get3A_1484, %ge3A_1486 : vector<16xi32>
      %mul3A_1488 = arith.constant 3 : i32
      %mul3A_1489 = vector.broadcast %mul3A_1488 : i32 to vector<16xi32>
      %mul3A_1490 = arith.muli %get3A_1484, %mul3A_1489 : vector<16xi32>
      %add3A_1491 = arith.constant 12285 : i32
      %add3A_1492 = vector.broadcast %add3A_1491 : i32 to vector<16xi32>
      %add3A_1493 = arith.addi %mul3A_1490, %add3A_1492 : vector<16xi32>
      tpu.vector_store_idx %arg5[%add3A_1493], %broadcast_in_dim3A_6 masked %ge3A_1487 : memref<24576xf32, #tpu.memory_space<vmem>>[vector<16xi32>], vector<16xf32>, vector<16xi1>
      %add3A_1494 = arith.constant 1 : i32
      %add3A_1495 = vector.broadcast %add3A_1494 : i32 to vector<16xi32>
      %add3A_1496 = arith.addi %add3A_1493, %add3A_1495 : vector<16xi32>
      tpu.vector_store_idx %arg5[%add3A_1496], %broadcast_in_dim3A_6 masked %ge3A_1487 : memref<24576xf32, #tpu.memory_space<vmem>>[vector<16xi32>], vector<16xf32>, vector<16xi1>
      %add3A_1497 = arith.constant 2 : i32
      %add3A_1498 = vector.broadcast %add3A_1497 : i32 to vector<16xi32>
      %add3A_1499 = arith.addi %add3A_1493, %add3A_1498 : vector<16xi32>
      tpu.vector_store_idx %arg5[%add3A_1499], %broadcast_in_dim3A_6 masked %ge3A_1487 : memref<24576xf32, #tpu.memory_space<vmem>>[vector<16xi32>], vector<16xf32>, vector<16xi1>
      %get3A_1500 = arith.index_cast %sub3A_1301 : i32 to index
      %get3A_1501 = arith.constant 176 : index
      %get3A_1502 = tpu.vector_load %arg4[%get3A_1500, %get3A_1501] {strides = array<i32>} : memref<128x256xi32, #tpu.memory_space<vmem>>, vector<16xi32>,
      %ge3A_1503 = arith.constant 1 : i32
      %ge3A_1504 = vector.broadcast %ge3A_1503 : i32 to vector<16xi32>
      %ge3A_1505 = arith.cmpi sge, %get3A_1502, %ge3A_1504 : vector<16xi32>
      %mul3A_1506 = arith.constant 3 : i32
      %mul3A_1507 = vector.broadcast %mul3A_1506 : i32 to vector<16xi32>
      %mul3A_1508 = arith.muli %get3A_1502, %mul3A_1507 : vector<16xi32>
      %add3A_1509 = arith.constant 12285 : i32
      %add3A_1510 = vector.broadcast %add3A_1509 : i32 to vector<16xi32>
      %add3A_1511 = arith.addi %mul3A_1508, %add3A_1510 : vector<16xi32>
      tpu.vector_store_idx %arg5[%add3A_1511], %broadcast_in_dim3A_6 masked %ge3A_1505 : memref<24576xf32, #tpu.memory_space<vmem>>[vector<16xi32>], vector<16xf32>, vector<16xi1>
      %add3A_1512 = arith.constant 1 : i32
      %add3A_1513 = vector.broadcast %add3A_1512 : i32 to vector<16xi32>
      %add3A_1514 = arith.addi %add3A_1511, %add3A_1513 : vector<16xi32>
      tpu.vector_store_idx %arg5[%add3A_1514], %broadcast_in_dim3A_6 masked %ge3A_1505 : memref<24576xf32, #tpu.memory_space<vmem>>[vector<16xi32>], vector<16xf32>, vector<16xi1>
      %add3A_1515 = arith.constant 2 : i32
      %add3A_1516 = vector.broadcast %add3A_1515 : i32 to vector<16xi32>
      %add3A_1517 = arith.addi %add3A_1511, %add3A_1516 : vector<16xi32>
      tpu.vector_store_idx %arg5[%add3A_1517], %broadcast_in_dim3A_6 masked %ge3A_1505 : memref<24576xf32, #tpu.memory_space<vmem>>[vector<16xi32>], vector<16xf32>, vector<16xi1>
      %get3A_1518 = arith.index_cast %sub3A_1301 : i32 to index
      %get3A_1519 = arith.constant 192 : index
      %get3A_1520 = tpu.vector_load %arg4[%get3A_1518, %get3A_1519] {strides = array<i32>} : memref<128x256xi32, #tpu.memory_space<vmem>>, vector<16xi32>,
      %ge3A_1521 = arith.constant 1 : i32
      %ge3A_1522 = vector.broadcast %ge3A_1521 : i32 to vector<16xi32>
      %ge3A_1523 = arith.cmpi sge, %get3A_1520, %ge3A_1522 : vector<16xi32>
      %mul3A_1524 = arith.constant 3 : i32
      %mul3A_1525 = vector.broadcast %mul3A_1524 : i32 to vector<16xi32>
      %mul3A_1526 = arith.muli %get3A_1520, %mul3A_1525 : vector<16xi32>
      %add3A_1527 = arith.constant 12285 : i32
      %add3A_1528 = vector.broadcast %add3A_1527 : i32 to vector<16xi32>
      %add3A_1529 = arith.addi %mul3A_1526, %add3A_1528 : vector<16xi32>
      tpu.vector_store_idx %arg5[%add3A_1529], %broadcast_in_dim3A_6 masked %ge3A_1523 : memref<24576xf32, #tpu.memory_space<vmem>>[vector<16xi32>], vector<16xf32>, vector<16xi1>
      %add3A_1530 = arith.constant 1 : i32
      %add3A_1531 = vector.broadcast %add3A_1530 : i32 to vector<16xi32>
      %add3A_1532 = arith.addi %add3A_1529, %add3A_1531 : vector<16xi32>
      tpu.vector_store_idx %arg5[%add3A_1532], %broadcast_in_dim3A_6 masked %ge3A_1523 : memref<24576xf32, #tpu.memory_space<vmem>>[vector<16xi32>], vector<16xf32>, vector<16xi1>
      %add3A_1533 = arith.constant 2 : i32
      %add3A_1534 = vector.broadcast %add3A_1533 : i32 to vector<16xi32>
      %add3A_1535 = arith.addi %add3A_1529, %add3A_1534 : vector<16xi32>
      tpu.vector_store_idx %arg5[%add3A_1535], %broadcast_in_dim3A_6 masked %ge3A_1523 : memref<24576xf32, #tpu.memory_space<vmem>>[vector<16xi32>], vector<16xf32>, vector<16xi1>
      %get3A_1536 = arith.index_cast %sub3A_1301 : i32 to index
      %get3A_1537 = arith.constant 208 : index
      %get3A_1538 = tpu.vector_load %arg4[%get3A_1536, %get3A_1537] {strides = array<i32>} : memref<128x256xi32, #tpu.memory_space<vmem>>, vector<16xi32>,
      %ge3A_1539 = arith.constant 1 : i32
      %ge3A_1540 = vector.broadcast %ge3A_1539 : i32 to vector<16xi32>
      %ge3A_1541 = arith.cmpi sge, %get3A_1538, %ge3A_1540 : vector<16xi32>
      %mul3A_1542 = arith.constant 3 : i32
      %mul3A_1543 = vector.broadcast %mul3A_1542 : i32 to vector<16xi32>
      %mul3A_1544 = arith.muli %get3A_1538, %mul3A_1543 : vector<16xi32>
      %add3A_1545 = arith.constant 12285 : i32
      %add3A_1546 = vector.broadcast %add3A_1545 : i32 to vector<16xi32>
      %add3A_1547 = arith.addi %mul3A_1544, %add3A_1546 : vector<16xi32>
      tpu.vector_store_idx %arg5[%add3A_1547], %broadcast_in_dim3A_6 masked %ge3A_1541 : memref<24576xf32, #tpu.memory_space<vmem>>[vector<16xi32>], vector<16xf32>, vector<16xi1>
      %add3A_1548 = arith.constant 1 : i32
      %add3A_1549 = vector.broadcast %add3A_1548 : i32 to vector<16xi32>
      %add3A_1550 = arith.addi %add3A_1547, %add3A_1549 : vector<16xi32>
      tpu.vector_store_idx %arg5[%add3A_1550], %broadcast_in_dim3A_6 masked %ge3A_1541 : memref<24576xf32, #tpu.memory_space<vmem>>[vector<16xi32>], vector<16xf32>, vector<16xi1>
      %add3A_1551 = arith.constant 2 : i32
      %add3A_1552 = vector.broadcast %add3A_1551 : i32 to vector<16xi32>
      %add3A_1553 = arith.addi %add3A_1547, %add3A_1552 : vector<16xi32>
      tpu.vector_store_idx %arg5[%add3A_1553], %broadcast_in_dim3A_6 masked %ge3A_1541 : memref<24576xf32, #tpu.memory_space<vmem>>[vector<16xi32>], vector<16xf32>, vector<16xi1>
      %get3A_1554 = arith.index_cast %sub3A_1301 : i32 to index
      %get3A_1555 = arith.constant 224 : index
      %get3A_1556 = tpu.vector_load %arg4[%get3A_1554, %get3A_1555] {strides = array<i32>} : memref<128x256xi32, #tpu.memory_space<vmem>>, vector<16xi32>,
      %ge3A_1557 = arith.constant 1 : i32
      %ge3A_1558 = vector.broadcast %ge3A_1557 : i32 to vector<16xi32>
      %ge3A_1559 = arith.cmpi sge, %get3A_1556, %ge3A_1558 : vector<16xi32>
      %mul3A_1560 = arith.constant 3 : i32
      %mul3A_1561 = vector.broadcast %mul3A_1560 : i32 to vector<16xi32>
      %mul3A_1562 = arith.muli %get3A_1556, %mul3A_1561 : vector<16xi32>
      %add3A_1563 = arith.constant 12285 : i32
      %add3A_1564 = vector.broadcast %add3A_1563 : i32 to vector<16xi32>
      %add3A_1565 = arith.addi %mul3A_1562, %add3A_1564 : vector<16xi32>
      tpu.vector_store_idx %arg5[%add3A_1565], %broadcast_in_dim3A_6 masked %ge3A_1559 : memref<24576xf32, #tpu.memory_space<vmem>>[vector<16xi32>], vector<16xf32>, vector<16xi1>
      %add3A_1566 = arith.constant 1 : i32
      %add3A_1567 = vector.broadcast %add3A_1566 : i32 to vector<16xi32>
      %add3A_1568 = arith.addi %add3A_1565, %add3A_1567 : vector<16xi32>
      tpu.vector_store_idx %arg5[%add3A_1568], %broadcast_in_dim3A_6 masked %ge3A_1559 : memref<24576xf32, #tpu.memory_space<vmem>>[vector<16xi32>], vector<16xf32>, vector<16xi1>
      %add3A_1569 = arith.constant 2 : i32
      %add3A_1570 = vector.broadcast %add3A_1569 : i32 to vector<16xi32>
      %add3A_1571 = arith.addi %add3A_1565, %add3A_1570 : vector<16xi32>
      tpu.vector_store_idx %arg5[%add3A_1571], %broadcast_in_dim3A_6 masked %ge3A_1559 : memref<24576xf32, #tpu.memory_space<vmem>>[vector<16xi32>], vector<16xf32>, vector<16xi1>
      %get3A_1572 = arith.index_cast %sub3A_1301 : i32 to index
      %get3A_1573 = arith.constant 240 : index
      %get3A_1574 = tpu.vector_load %arg4[%get3A_1572, %get3A_1573] {strides = array<i32>} : memref<128x256xi32, #tpu.memory_space<vmem>>, vector<16xi32>,
      %ge3A_1575 = arith.constant 1 : i32
      %ge3A_1576 = vector.broadcast %ge3A_1575 : i32 to vector<16xi32>
      %ge3A_1577 = arith.cmpi sge, %get3A_1574, %ge3A_1576 : vector<16xi32>
      %mul3A_1578 = arith.constant 3 : i32
      %mul3A_1579 = vector.broadcast %mul3A_1578 : i32 to vector<16xi32>
      %mul3A_1580 = arith.muli %get3A_1574, %mul3A_1579 : vector<16xi32>
      %add3A_1581 = arith.constant 12285 : i32
      %add3A_1582 = vector.broadcast %add3A_1581 : i32 to vector<16xi32>
      %add3A_1583 = arith.addi %mul3A_1580, %add3A_1582 : vector<16xi32>
      tpu.vector_store_idx %arg5[%add3A_1583], %broadcast_in_dim3A_6 masked %ge3A_1577 : memref<24576xf32, #tpu.memory_space<vmem>>[vector<16xi32>], vector<16xf32>, vector<16xi1>
      %add3A_1584 = arith.constant 1 : i32
      %add3A_1585 = vector.broadcast %add3A_1584 : i32 to vector<16xi32>
      %add3A_1586 = arith.addi %add3A_1583, %add3A_1585 : vector<16xi32>
      tpu.vector_store_idx %arg5[%add3A_1586], %broadcast_in_dim3A_6 masked %ge3A_1577 : memref<24576xf32, #tpu.memory_space<vmem>>[vector<16xi32>], vector<16xf32>, vector<16xi1>
      %add3A_1587 = arith.constant 2 : i32
      %add3A_1588 = vector.broadcast %add3A_1587 : i32 to vector<16xi32>
      %add3A_1589 = arith.addi %add3A_1583, %add3A_1588 : vector<16xi32>
      tpu.vector_store_idx %arg5[%add3A_1589], %broadcast_in_dim3A_6 masked %ge3A_1577 : memref<24576xf32, #tpu.memory_space<vmem>>[vector<16xi32>], vector<16xf32>, vector<16xi1>
      %get3A_1590 = arith.index_cast %add3A_1286 : i32 to index
      %get3A_1591 = arith.constant 0 : index
      %get3A_1592 = tpu.vector_load %arg4[%get3A_1590, %get3A_1591] {strides = array<i32>} : memref<128x256xi32, #tpu.memory_space<vmem>>, vector<16xi32>,
      %ge3A_1593 = arith.constant 1 : i32
      %ge3A_1594 = vector.broadcast %ge3A_1593 : i32 to vector<16xi32>
      %ge3A_1595 = arith.cmpi sge, %get3A_1592, %ge3A_1594 : vector<16xi32>
      %mul3A_1596 = arith.constant 3 : i32
      %mul3A_1597 = vector.broadcast %mul3A_1596 : i32 to vector<16xi32>
      %mul3A_1598 = arith.muli %get3A_1592, %mul3A_1597 : vector<16xi32>
      %add3A_1599 = arith.constant 12285 : i32
      %add3A_1600 = vector.broadcast %add3A_1599 : i32 to vector<16xi32>
      %add3A_1601 = arith.addi %mul3A_1598, %add3A_1600 : vector<16xi32>
      tpu.vector_store_idx %arg5[%add3A_1601], %broadcast_in_dim3A_8 masked %ge3A_1595 : memref<24576xf32, #tpu.memory_space<vmem>>[vector<16xi32>], vector<16xf32>, vector<16xi1>
      %add3A_1602 = arith.constant 1 : i32
      %add3A_1603 = vector.broadcast %add3A_1602 : i32 to vector<16xi32>
      %add3A_1604 = arith.addi %add3A_1601, %add3A_1603 : vector<16xi32>
      tpu.vector_store_idx %arg5[%add3A_1604], %broadcast_in_dim3A_8 masked %ge3A_1595 : memref<24576xf32, #tpu.memory_space<vmem>>[vector<16xi32>], vector<16xf32>, vector<16xi1>
      %add3A_1605 = arith.constant 2 : i32
      %add3A_1606 = vector.broadcast %add3A_1605 : i32 to vector<16xi32>
      %add3A_1607 = arith.addi %add3A_1601, %add3A_1606 : vector<16xi32>
      tpu.vector_store_idx %arg5[%add3A_1607], %broadcast_in_dim3A_8 masked %ge3A_1595 : memref<24576xf32, #tpu.memory_space<vmem>>[vector<16xi32>], vector<16xf32>, vector<16xi1>
      %get3A_1608 = arith.index_cast %add3A_1286 : i32 to index
      %get3A_1609 = arith.constant 16 : index
      %get3A_1610 = tpu.vector_load %arg4[%get3A_1608, %get3A_1609] {strides = array<i32>} : memref<128x256xi32, #tpu.memory_space<vmem>>, vector<16xi32>,
      %ge3A_1611 = arith.constant 1 : i32
      %ge3A_1612 = vector.broadcast %ge3A_1611 : i32 to vector<16xi32>
      %ge3A_1613 = arith.cmpi sge, %get3A_1610, %ge3A_1612 : vector<16xi32>
      %mul3A_1614 = arith.constant 3 : i32
      %mul3A_1615 = vector.broadcast %mul3A_1614 : i32 to vector<16xi32>
      %mul3A_1616 = arith.muli %get3A_1610, %mul3A_1615 : vector<16xi32>
      %add3A_1617 = arith.constant 12285 : i32
      %add3A_1618 = vector.broadcast %add3A_1617 : i32 to vector<16xi32>
      %add3A_1619 = arith.addi %mul3A_1616, %add3A_1618 : vector<16xi32>
      tpu.vector_store_idx %arg5[%add3A_1619], %broadcast_in_dim3A_8 masked %ge3A_1613 : memref<24576xf32, #tpu.memory_space<vmem>>[vector<16xi32>], vector<16xf32>, vector<16xi1>
      %add3A_1620 = arith.constant 1 : i32
      %add3A_1621 = vector.broadcast %add3A_1620 : i32 to vector<16xi32>
      %add3A_1622 = arith.addi %add3A_1619, %add3A_1621 : vector<16xi32>
      tpu.vector_store_idx %arg5[%add3A_1622], %broadcast_in_dim3A_8 masked %ge3A_1613 : memref<24576xf32, #tpu.memory_space<vmem>>[vector<16xi32>], vector<16xf32>, vector<16xi1>
      %add3A_1623 = arith.constant 2 : i32
      %add3A_1624 = vector.broadcast %add3A_1623 : i32 to vector<16xi32>
      %add3A_1625 = arith.addi %add3A_1619, %add3A_1624 : vector<16xi32>
      tpu.vector_store_idx %arg5[%add3A_1625], %broadcast_in_dim3A_8 masked %ge3A_1613 : memref<24576xf32, #tpu.memory_space<vmem>>[vector<16xi32>], vector<16xf32>, vector<16xi1>
      %get3A_1626 = arith.index_cast %add3A_1286 : i32 to index
      %get3A_1627 = arith.constant 32 : index
      %get3A_1628 = tpu.vector_load %arg4[%get3A_1626, %get3A_1627] {strides = array<i32>} : memref<128x256xi32, #tpu.memory_space<vmem>>, vector<16xi32>,
      %ge3A_1629 = arith.constant 1 : i32
      %ge3A_1630 = vector.broadcast %ge3A_1629 : i32 to vector<16xi32>
      %ge3A_1631 = arith.cmpi sge, %get3A_1628, %ge3A_1630 : vector<16xi32>
      %mul3A_1632 = arith.constant 3 : i32
      %mul3A_1633 = vector.broadcast %mul3A_1632 : i32 to vector<16xi32>
      %mul3A_1634 = arith.muli %get3A_1628, %mul3A_1633 : vector<16xi32>
      %add3A_1635 = arith.constant 12285 : i32
      %add3A_1636 = vector.broadcast %add3A_1635 : i32 to vector<16xi32>
      %add3A_1637 = arith.addi %mul3A_1634, %add3A_1636 : vector<16xi32>
      tpu.vector_store_idx %arg5[%add3A_1637], %broadcast_in_dim3A_8 masked %ge3A_1631 : memref<24576xf32, #tpu.memory_space<vmem>>[vector<16xi32>], vector<16xf32>, vector<16xi1>
      %add3A_1638 = arith.constant 1 : i32
      %add3A_1639 = vector.broadcast %add3A_1638 : i32 to vector<16xi32>
      %add3A_1640 = arith.addi %add3A_1637, %add3A_1639 : vector<16xi32>
      tpu.vector_store_idx %arg5[%add3A_1640], %broadcast_in_dim3A_8 masked %ge3A_1631 : memref<24576xf32, #tpu.memory_space<vmem>>[vector<16xi32>], vector<16xf32>, vector<16xi1>
      %add3A_1641 = arith.constant 2 : i32
      %add3A_1642 = vector.broadcast %add3A_1641 : i32 to vector<16xi32>
      %add3A_1643 = arith.addi %add3A_1637, %add3A_1642 : vector<16xi32>
      tpu.vector_store_idx %arg5[%add3A_1643], %broadcast_in_dim3A_8 masked %ge3A_1631 : memref<24576xf32, #tpu.memory_space<vmem>>[vector<16xi32>], vector<16xf32>, vector<16xi1>
      %get3A_1644 = arith.index_cast %add3A_1286 : i32 to index
      %get3A_1645 = arith.constant 48 : index
      %get3A_1646 = tpu.vector_load %arg4[%get3A_1644, %get3A_1645] {strides = array<i32>} : memref<128x256xi32, #tpu.memory_space<vmem>>, vector<16xi32>,
      %ge3A_1647 = arith.constant 1 : i32
      %ge3A_1648 = vector.broadcast %ge3A_1647 : i32 to vector<16xi32>
      %ge3A_1649 = arith.cmpi sge, %get3A_1646, %ge3A_1648 : vector<16xi32>
      %mul3A_1650 = arith.constant 3 : i32
      %mul3A_1651 = vector.broadcast %mul3A_1650 : i32 to vector<16xi32>
      %mul3A_1652 = arith.muli %get3A_1646, %mul3A_1651 : vector<16xi32>
      %add3A_1653 = arith.constant 12285 : i32
      %add3A_1654 = vector.broadcast %add3A_1653 : i32 to vector<16xi32>
      %add3A_1655 = arith.addi %mul3A_1652, %add3A_1654 : vector<16xi32>
      tpu.vector_store_idx %arg5[%add3A_1655], %broadcast_in_dim3A_8 masked %ge3A_1649 : memref<24576xf32, #tpu.memory_space<vmem>>[vector<16xi32>], vector<16xf32>, vector<16xi1>
      %add3A_1656 = arith.constant 1 : i32
      %add3A_1657 = vector.broadcast %add3A_1656 : i32 to vector<16xi32>
      %add3A_1658 = arith.addi %add3A_1655, %add3A_1657 : vector<16xi32>
      tpu.vector_store_idx %arg5[%add3A_1658], %broadcast_in_dim3A_8 masked %ge3A_1649 : memref<24576xf32, #tpu.memory_space<vmem>>[vector<16xi32>], vector<16xf32>, vector<16xi1>
      %add3A_1659 = arith.constant 2 : i32
      %add3A_1660 = vector.broadcast %add3A_1659 : i32 to vector<16xi32>
      %add3A_1661 = arith.addi %add3A_1655, %add3A_1660 : vector<16xi32>
      tpu.vector_store_idx %arg5[%add3A_1661], %broadcast_in_dim3A_8 masked %ge3A_1649 : memref<24576xf32, #tpu.memory_space<vmem>>[vector<16xi32>], vector<16xf32>, vector<16xi1>
      %get3A_1662 = arith.index_cast %add3A_1286 : i32 to index
      %get3A_1663 = arith.constant 64 : index
      %get3A_1664 = tpu.vector_load %arg4[%get3A_1662, %get3A_1663] {strides = array<i32>} : memref<128x256xi32, #tpu.memory_space<vmem>>, vector<16xi32>,
      %ge3A_1665 = arith.constant 1 : i32
      %ge3A_1666 = vector.broadcast %ge3A_1665 : i32 to vector<16xi32>
      %ge3A_1667 = arith.cmpi sge, %get3A_1664, %ge3A_1666 : vector<16xi32>
      %mul3A_1668 = arith.constant 3 : i32
      %mul3A_1669 = vector.broadcast %mul3A_1668 : i32 to vector<16xi32>
      %mul3A_1670 = arith.muli %get3A_1664, %mul3A_1669 : vector<16xi32>
      %add3A_1671 = arith.constant 12285 : i32
      %add3A_1672 = vector.broadcast %add3A_1671 : i32 to vector<16xi32>
      %add3A_1673 = arith.addi %mul3A_1670, %add3A_1672 : vector<16xi32>
      tpu.vector_store_idx %arg5[%add3A_1673], %broadcast_in_dim3A_8 masked %ge3A_1667 : memref<24576xf32, #tpu.memory_space<vmem>>[vector<16xi32>], vector<16xf32>, vector<16xi1>
      %add3A_1674 = arith.constant 1 : i32
      %add3A_1675 = vector.broadcast %add3A_1674 : i32 to vector<16xi32>
      %add3A_1676 = arith.addi %add3A_1673, %add3A_1675 : vector<16xi32>
      tpu.vector_store_idx %arg5[%add3A_1676], %broadcast_in_dim3A_8 masked %ge3A_1667 : memref<24576xf32, #tpu.memory_space<vmem>>[vector<16xi32>], vector<16xf32>, vector<16xi1>
      %add3A_1677 = arith.constant 2 : i32
      %add3A_1678 = vector.broadcast %add3A_1677 : i32 to vector<16xi32>
      %add3A_1679 = arith.addi %add3A_1673, %add3A_1678 : vector<16xi32>
      tpu.vector_store_idx %arg5[%add3A_1679], %broadcast_in_dim3A_8 masked %ge3A_1667 : memref<24576xf32, #tpu.memory_space<vmem>>[vector<16xi32>], vector<16xf32>, vector<16xi1>
      %get3A_1680 = arith.index_cast %add3A_1286 : i32 to index
      %get3A_1681 = arith.constant 80 : index
      %get3A_1682 = tpu.vector_load %arg4[%get3A_1680, %get3A_1681] {strides = array<i32>} : memref<128x256xi32, #tpu.memory_space<vmem>>, vector<16xi32>,
      %ge3A_1683 = arith.constant 1 : i32
      %ge3A_1684 = vector.broadcast %ge3A_1683 : i32 to vector<16xi32>
      %ge3A_1685 = arith.cmpi sge, %get3A_1682, %ge3A_1684 : vector<16xi32>
      %mul3A_1686 = arith.constant 3 : i32
      %mul3A_1687 = vector.broadcast %mul3A_1686 : i32 to vector<16xi32>
      %mul3A_1688 = arith.muli %get3A_1682, %mul3A_1687 : vector<16xi32>
      %add3A_1689 = arith.constant 12285 : i32
      %add3A_1690 = vector.broadcast %add3A_1689 : i32 to vector<16xi32>
      %add3A_1691 = arith.addi %mul3A_1688, %add3A_1690 : vector<16xi32>
      tpu.vector_store_idx %arg5[%add3A_1691], %broadcast_in_dim3A_8 masked %ge3A_1685 : memref<24576xf32, #tpu.memory_space<vmem>>[vector<16xi32>], vector<16xf32>, vector<16xi1>
      %add3A_1692 = arith.constant 1 : i32
      %add3A_1693 = vector.broadcast %add3A_1692 : i32 to vector<16xi32>
      %add3A_1694 = arith.addi %add3A_1691, %add3A_1693 : vector<16xi32>
      tpu.vector_store_idx %arg5[%add3A_1694], %broadcast_in_dim3A_8 masked %ge3A_1685 : memref<24576xf32, #tpu.memory_space<vmem>>[vector<16xi32>], vector<16xf32>, vector<16xi1>
      %add3A_1695 = arith.constant 2 : i32
      %add3A_1696 = vector.broadcast %add3A_1695 : i32 to vector<16xi32>
      %add3A_1697 = arith.addi %add3A_1691, %add3A_1696 : vector<16xi32>
      tpu.vector_store_idx %arg5[%add3A_1697], %broadcast_in_dim3A_8 masked %ge3A_1685 : memref<24576xf32, #tpu.memory_space<vmem>>[vector<16xi32>], vector<16xf32>, vector<16xi1>
      %get3A_1698 = arith.index_cast %add3A_1286 : i32 to index
      %get3A_1699 = arith.constant 96 : index
      %get3A_1700 = tpu.vector_load %arg4[%get3A_1698, %get3A_1699] {strides = array<i32>} : memref<128x256xi32, #tpu.memory_space<vmem>>, vector<16xi32>,
      %ge3A_1701 = arith.constant 1 : i32
      %ge3A_1702 = vector.broadcast %ge3A_1701 : i32 to vector<16xi32>
      %ge3A_1703 = arith.cmpi sge, %get3A_1700, %ge3A_1702 : vector<16xi32>
      %mul3A_1704 = arith.constant 3 : i32
      %mul3A_1705 = vector.broadcast %mul3A_1704 : i32 to vector<16xi32>
      %mul3A_1706 = arith.muli %get3A_1700, %mul3A_1705 : vector<16xi32>
      %add3A_1707 = arith.constant 12285 : i32
      %add3A_1708 = vector.broadcast %add3A_1707 : i32 to vector<16xi32>
      %add3A_1709 = arith.addi %mul3A_1706, %add3A_1708 : vector<16xi32>
      tpu.vector_store_idx %arg5[%add3A_1709], %broadcast_in_dim3A_8 masked %ge3A_1703 : memref<24576xf32, #tpu.memory_space<vmem>>[vector<16xi32>], vector<16xf32>, vector<16xi1>
      %add3A_1710 = arith.constant 1 : i32
      %add3A_1711 = vector.broadcast %add3A_1710 : i32 to vector<16xi32>
      %add3A_1712 = arith.addi %add3A_1709, %add3A_1711 : vector<16xi32>
      tpu.vector_store_idx %arg5[%add3A_1712], %broadcast_in_dim3A_8 masked %ge3A_1703 : memref<24576xf32, #tpu.memory_space<vmem>>[vector<16xi32>], vector<16xf32>, vector<16xi1>
      %add3A_1713 = arith.constant 2 : i32
      %add3A_1714 = vector.broadcast %add3A_1713 : i32 to vector<16xi32>
      %add3A_1715 = arith.addi %add3A_1709, %add3A_1714 : vector<16xi32>
      tpu.vector_store_idx %arg5[%add3A_1715], %broadcast_in_dim3A_8 masked %ge3A_1703 : memref<24576xf32, #tpu.memory_space<vmem>>[vector<16xi32>], vector<16xf32>, vector<16xi1>
      %get3A_1716 = arith.index_cast %add3A_1286 : i32 to index
      %get3A_1717 = arith.constant 112 : index
      %get3A_1718 = tpu.vector_load %arg4[%get3A_1716, %get3A_1717] {strides = array<i32>} : memref<128x256xi32, #tpu.memory_space<vmem>>, vector<16xi32>,
      %ge3A_1719 = arith.constant 1 : i32
      %ge3A_1720 = vector.broadcast %ge3A_1719 : i32 to vector<16xi32>
      %ge3A_1721 = arith.cmpi sge, %get3A_1718, %ge3A_1720 : vector<16xi32>
      %mul3A_1722 = arith.constant 3 : i32
      %mul3A_1723 = vector.broadcast %mul3A_1722 : i32 to vector<16xi32>
      %mul3A_1724 = arith.muli %get3A_1718, %mul3A_1723 : vector<16xi32>
      %add3A_1725 = arith.constant 12285 : i32
      %add3A_1726 = vector.broadcast %add3A_1725 : i32 to vector<16xi32>
      %add3A_1727 = arith.addi %mul3A_1724, %add3A_1726 : vector<16xi32>
      tpu.vector_store_idx %arg5[%add3A_1727], %broadcast_in_dim3A_8 masked %ge3A_1721 : memref<24576xf32, #tpu.memory_space<vmem>>[vector<16xi32>], vector<16xf32>, vector<16xi1>
      %add3A_1728 = arith.constant 1 : i32
      %add3A_1729 = vector.broadcast %add3A_1728 : i32 to vector<16xi32>
      %add3A_1730 = arith.addi %add3A_1727, %add3A_1729 : vector<16xi32>
      tpu.vector_store_idx %arg5[%add3A_1730], %broadcast_in_dim3A_8 masked %ge3A_1721 : memref<24576xf32, #tpu.memory_space<vmem>>[vector<16xi32>], vector<16xf32>, vector<16xi1>
      %add3A_1731 = arith.constant 2 : i32
      %add3A_1732 = vector.broadcast %add3A_1731 : i32 to vector<16xi32>
      %add3A_1733 = arith.addi %add3A_1727, %add3A_1732 : vector<16xi32>
      tpu.vector_store_idx %arg5[%add3A_1733], %broadcast_in_dim3A_8 masked %ge3A_1721 : memref<24576xf32, #tpu.memory_space<vmem>>[vector<16xi32>], vector<16xf32>, vector<16xi1>
      %get3A_1734 = arith.index_cast %add3A_1286 : i32 to index
      %get3A_1735 = arith.constant 128 : index
      %get3A_1736 = tpu.vector_load %arg4[%get3A_1734, %get3A_1735] {strides = array<i32>} : memref<128x256xi32, #tpu.memory_space<vmem>>, vector<16xi32>,
      %ge3A_1737 = arith.constant 1 : i32
      %ge3A_1738 = vector.broadcast %ge3A_1737 : i32 to vector<16xi32>
      %ge3A_1739 = arith.cmpi sge, %get3A_1736, %ge3A_1738 : vector<16xi32>
      %mul3A_1740 = arith.constant 3 : i32
      %mul3A_1741 = vector.broadcast %mul3A_1740 : i32 to vector<16xi32>
      %mul3A_1742 = arith.muli %get3A_1736, %mul3A_1741 : vector<16xi32>
      %add3A_1743 = arith.constant 12285 : i32
      %add3A_1744 = vector.broadcast %add3A_1743 : i32 to vector<16xi32>
      %add3A_1745 = arith.addi %mul3A_1742, %add3A_1744 : vector<16xi32>
      tpu.vector_store_idx %arg5[%add3A_1745], %broadcast_in_dim3A_8 masked %ge3A_1739 : memref<24576xf32, #tpu.memory_space<vmem>>[vector<16xi32>], vector<16xf32>, vector<16xi1>
      %add3A_1746 = arith.constant 1 : i32
      %add3A_1747 = vector.broadcast %add3A_1746 : i32 to vector<16xi32>
      %add3A_1748 = arith.addi %add3A_1745, %add3A_1747 : vector<16xi32>
      tpu.vector_store_idx %arg5[%add3A_1748], %broadcast_in_dim3A_8 masked %ge3A_1739 : memref<24576xf32, #tpu.memory_space<vmem>>[vector<16xi32>], vector<16xf32>, vector<16xi1>
      %add3A_1749 = arith.constant 2 : i32
      %add3A_1750 = vector.broadcast %add3A_1749 : i32 to vector<16xi32>
      %add3A_1751 = arith.addi %add3A_1745, %add3A_1750 : vector<16xi32>
      tpu.vector_store_idx %arg5[%add3A_1751], %broadcast_in_dim3A_8 masked %ge3A_1739 : memref<24576xf32, #tpu.memory_space<vmem>>[vector<16xi32>], vector<16xf32>, vector<16xi1>
      %get3A_1752 = arith.index_cast %add3A_1286 : i32 to index
      %get3A_1753 = arith.constant 144 : index
      %get3A_1754 = tpu.vector_load %arg4[%get3A_1752, %get3A_1753] {strides = array<i32>} : memref<128x256xi32, #tpu.memory_space<vmem>>, vector<16xi32>,
      %ge3A_1755 = arith.constant 1 : i32
      %ge3A_1756 = vector.broadcast %ge3A_1755 : i32 to vector<16xi32>
      %ge3A_1757 = arith.cmpi sge, %get3A_1754, %ge3A_1756 : vector<16xi32>
      %mul3A_1758 = arith.constant 3 : i32
      %mul3A_1759 = vector.broadcast %mul3A_1758 : i32 to vector<16xi32>
      %mul3A_1760 = arith.muli %get3A_1754, %mul3A_1759 : vector<16xi32>
      %add3A_1761 = arith.constant 12285 : i32
      %add3A_1762 = vector.broadcast %add3A_1761 : i32 to vector<16xi32>
      %add3A_1763 = arith.addi %mul3A_1760, %add3A_1762 : vector<16xi32>
      tpu.vector_store_idx %arg5[%add3A_1763], %broadcast_in_dim3A_8 masked %ge3A_1757 : memref<24576xf32, #tpu.memory_space<vmem>>[vector<16xi32>], vector<16xf32>, vector<16xi1>
      %add3A_1764 = arith.constant 1 : i32
      %add3A_1765 = vector.broadcast %add3A_1764 : i32 to vector<16xi32>
      %add3A_1766 = arith.addi %add3A_1763, %add3A_1765 : vector<16xi32>
      tpu.vector_store_idx %arg5[%add3A_1766], %broadcast_in_dim3A_8 masked %ge3A_1757 : memref<24576xf32, #tpu.memory_space<vmem>>[vector<16xi32>], vector<16xf32>, vector<16xi1>
      %add3A_1767 = arith.constant 2 : i32
      %add3A_1768 = vector.broadcast %add3A_1767 : i32 to vector<16xi32>
      %add3A_1769 = arith.addi %add3A_1763, %add3A_1768 : vector<16xi32>
      tpu.vector_store_idx %arg5[%add3A_1769], %broadcast_in_dim3A_8 masked %ge3A_1757 : memref<24576xf32, #tpu.memory_space<vmem>>[vector<16xi32>], vector<16xf32>, vector<16xi1>
      %get3A_1770 = arith.index_cast %add3A_1286 : i32 to index
      %get3A_1771 = arith.constant 160 : index
      %get3A_1772 = tpu.vector_load %arg4[%get3A_1770, %get3A_1771] {strides = array<i32>} : memref<128x256xi32, #tpu.memory_space<vmem>>, vector<16xi32>,
      %ge3A_1773 = arith.constant 1 : i32
      %ge3A_1774 = vector.broadcast %ge3A_1773 : i32 to vector<16xi32>
      %ge3A_1775 = arith.cmpi sge, %get3A_1772, %ge3A_1774 : vector<16xi32>
      %mul3A_1776 = arith.constant 3 : i32
      %mul3A_1777 = vector.broadcast %mul3A_1776 : i32 to vector<16xi32>
      %mul3A_1778 = arith.muli %get3A_1772, %mul3A_1777 : vector<16xi32>
      %add3A_1779 = arith.constant 12285 : i32
      %add3A_1780 = vector.broadcast %add3A_1779 : i32 to vector<16xi32>
      %add3A_1781 = arith.addi %mul3A_1778, %add3A_1780 : vector<16xi32>
      tpu.vector_store_idx %arg5[%add3A_1781], %broadcast_in_dim3A_8 masked %ge3A_1775 : memref<24576xf32, #tpu.memory_space<vmem>>[vector<16xi32>], vector<16xf32>, vector<16xi1>
      %add3A_1782 = arith.constant 1 : i32
      %add3A_1783 = vector.broadcast %add3A_1782 : i32 to vector<16xi32>
      %add3A_1784 = arith.addi %add3A_1781, %add3A_1783 : vector<16xi32>
      tpu.vector_store_idx %arg5[%add3A_1784], %broadcast_in_dim3A_8 masked %ge3A_1775 : memref<24576xf32, #tpu.memory_space<vmem>>[vector<16xi32>], vector<16xf32>, vector<16xi1>
      %add3A_1785 = arith.constant 2 : i32
      %add3A_1786 = vector.broadcast %add3A_1785 : i32 to vector<16xi32>
      %add3A_1787 = arith.addi %add3A_1781, %add3A_1786 : vector<16xi32>
      tpu.vector_store_idx %arg5[%add3A_1787], %broadcast_in_dim3A_8 masked %ge3A_1775 : memref<24576xf32, #tpu.memory_space<vmem>>[vector<16xi32>], vector<16xf32>, vector<16xi1>
      %get3A_1788 = arith.index_cast %add3A_1286 : i32 to index
      %get3A_1789 = arith.constant 176 : index
      %get3A_1790 = tpu.vector_load %arg4[%get3A_1788, %get3A_1789] {strides = array<i32>} : memref<128x256xi32, #tpu.memory_space<vmem>>, vector<16xi32>,
      %ge3A_1791 = arith.constant 1 : i32
      %ge3A_1792 = vector.broadcast %ge3A_1791 : i32 to vector<16xi32>
      %ge3A_1793 = arith.cmpi sge, %get3A_1790, %ge3A_1792 : vector<16xi32>
      %mul3A_1794 = arith.constant 3 : i32
      %mul3A_1795 = vector.broadcast %mul3A_1794 : i32 to vector<16xi32>
      %mul3A_1796 = arith.muli %get3A_1790, %mul3A_1795 : vector<16xi32>
      %add3A_1797 = arith.constant 12285 : i32
      %add3A_1798 = vector.broadcast %add3A_1797 : i32 to vector<16xi32>
      %add3A_1799 = arith.addi %mul3A_1796, %add3A_1798 : vector<16xi32>
      tpu.vector_store_idx %arg5[%add3A_1799], %broadcast_in_dim3A_8 masked %ge3A_1793 : memref<24576xf32, #tpu.memory_space<vmem>>[vector<16xi32>], vector<16xf32>, vector<16xi1>
      %add3A_1800 = arith.constant 1 : i32
      %add3A_1801 = vector.broadcast %add3A_1800 : i32 to vector<16xi32>
      %add3A_1802 = arith.addi %add3A_1799, %add3A_1801 : vector<16xi32>
      tpu.vector_store_idx %arg5[%add3A_1802], %broadcast_in_dim3A_8 masked %ge3A_1793 : memref<24576xf32, #tpu.memory_space<vmem>>[vector<16xi32>], vector<16xf32>, vector<16xi1>
      %add3A_1803 = arith.constant 2 : i32
      %add3A_1804 = vector.broadcast %add3A_1803 : i32 to vector<16xi32>
      %add3A_1805 = arith.addi %add3A_1799, %add3A_1804 : vector<16xi32>
      tpu.vector_store_idx %arg5[%add3A_1805], %broadcast_in_dim3A_8 masked %ge3A_1793 : memref<24576xf32, #tpu.memory_space<vmem>>[vector<16xi32>], vector<16xf32>, vector<16xi1>
      %get3A_1806 = arith.index_cast %add3A_1286 : i32 to index
      %get3A_1807 = arith.constant 192 : index
      %get3A_1808 = tpu.vector_load %arg4[%get3A_1806, %get3A_1807] {strides = array<i32>} : memref<128x256xi32, #tpu.memory_space<vmem>>, vector<16xi32>,
      %ge3A_1809 = arith.constant 1 : i32
      %ge3A_1810 = vector.broadcast %ge3A_1809 : i32 to vector<16xi32>
      %ge3A_1811 = arith.cmpi sge, %get3A_1808, %ge3A_1810 : vector<16xi32>
      %mul3A_1812 = arith.constant 3 : i32
      %mul3A_1813 = vector.broadcast %mul3A_1812 : i32 to vector<16xi32>
      %mul3A_1814 = arith.muli %get3A_1808, %mul3A_1813 : vector<16xi32>
      %add3A_1815 = arith.constant 12285 : i32
      %add3A_1816 = vector.broadcast %add3A_1815 : i32 to vector<16xi32>
      %add3A_1817 = arith.addi %mul3A_1814, %add3A_1816 : vector<16xi32>
      tpu.vector_store_idx %arg5[%add3A_1817], %broadcast_in_dim3A_8 masked %ge3A_1811 : memref<24576xf32, #tpu.memory_space<vmem>>[vector<16xi32>], vector<16xf32>, vector<16xi1>
      %add3A_1818 = arith.constant 1 : i32
      %add3A_1819 = vector.broadcast %add3A_1818 : i32 to vector<16xi32>
      %add3A_1820 = arith.addi %add3A_1817, %add3A_1819 : vector<16xi32>
      tpu.vector_store_idx %arg5[%add3A_1820], %broadcast_in_dim3A_8 masked %ge3A_1811 : memref<24576xf32, #tpu.memory_space<vmem>>[vector<16xi32>], vector<16xf32>, vector<16xi1>
      %add3A_1821 = arith.constant 2 : i32
      %add3A_1822 = vector.broadcast %add3A_1821 : i32 to vector<16xi32>
      %add3A_1823 = arith.addi %add3A_1817, %add3A_1822 : vector<16xi32>
      tpu.vector_store_idx %arg5[%add3A_1823], %broadcast_in_dim3A_8 masked %ge3A_1811 : memref<24576xf32, #tpu.memory_space<vmem>>[vector<16xi32>], vector<16xf32>, vector<16xi1>
      %get3A_1824 = arith.index_cast %add3A_1286 : i32 to index
      %get3A_1825 = arith.constant 208 : index
      %get3A_1826 = tpu.vector_load %arg4[%get3A_1824, %get3A_1825] {strides = array<i32>} : memref<128x256xi32, #tpu.memory_space<vmem>>, vector<16xi32>,
      %ge3A_1827 = arith.constant 1 : i32
      %ge3A_1828 = vector.broadcast %ge3A_1827 : i32 to vector<16xi32>
      %ge3A_1829 = arith.cmpi sge, %get3A_1826, %ge3A_1828 : vector<16xi32>
      %mul3A_1830 = arith.constant 3 : i32
      %mul3A_1831 = vector.broadcast %mul3A_1830 : i32 to vector<16xi32>
      %mul3A_1832 = arith.muli %get3A_1826, %mul3A_1831 : vector<16xi32>
      %add3A_1833 = arith.constant 12285 : i32
      %add3A_1834 = vector.broadcast %add3A_1833 : i32 to vector<16xi32>
      %add3A_1835 = arith.addi %mul3A_1832, %add3A_1834 : vector<16xi32>
      tpu.vector_store_idx %arg5[%add3A_1835], %broadcast_in_dim3A_8 masked %ge3A_1829 : memref<24576xf32, #tpu.memory_space<vmem>>[vector<16xi32>], vector<16xf32>, vector<16xi1>
      %add3A_1836 = arith.constant 1 : i32
      %add3A_1837 = vector.broadcast %add3A_1836 : i32 to vector<16xi32>
      %add3A_1838 = arith.addi %add3A_1835, %add3A_1837 : vector<16xi32>
      tpu.vector_store_idx %arg5[%add3A_1838], %broadcast_in_dim3A_8 masked %ge3A_1829 : memref<24576xf32, #tpu.memory_space<vmem>>[vector<16xi32>], vector<16xf32>, vector<16xi1>
      %add3A_1839 = arith.constant 2 : i32
      %add3A_1840 = vector.broadcast %add3A_1839 : i32 to vector<16xi32>
      %add3A_1841 = arith.addi %add3A_1835, %add3A_1840 : vector<16xi32>
      tpu.vector_store_idx %arg5[%add3A_1841], %broadcast_in_dim3A_8 masked %ge3A_1829 : memref<24576xf32, #tpu.memory_space<vmem>>[vector<16xi32>], vector<16xf32>, vector<16xi1>
      %get3A_1842 = arith.index_cast %add3A_1286 : i32 to index
      %get3A_1843 = arith.constant 224 : index
      %get3A_1844 = tpu.vector_load %arg4[%get3A_1842, %get3A_1843] {strides = array<i32>} : memref<128x256xi32, #tpu.memory_space<vmem>>, vector<16xi32>,
      %ge3A_1845 = arith.constant 1 : i32
      %ge3A_1846 = vector.broadcast %ge3A_1845 : i32 to vector<16xi32>
      %ge3A_1847 = arith.cmpi sge, %get3A_1844, %ge3A_1846 : vector<16xi32>
      %mul3A_1848 = arith.constant 3 : i32
      %mul3A_1849 = vector.broadcast %mul3A_1848 : i32 to vector<16xi32>
      %mul3A_1850 = arith.muli %get3A_1844, %mul3A_1849 : vector<16xi32>
      %add3A_1851 = arith.constant 12285 : i32
      %add3A_1852 = vector.broadcast %add3A_1851 : i32 to vector<16xi32>
      %add3A_1853 = arith.addi %mul3A_1850, %add3A_1852 : vector<16xi32>
      tpu.vector_store_idx %arg5[%add3A_1853], %broadcast_in_dim3A_8 masked %ge3A_1847 : memref<24576xf32, #tpu.memory_space<vmem>>[vector<16xi32>], vector<16xf32>, vector<16xi1>
      %add3A_1854 = arith.constant 1 : i32
      %add3A_1855 = vector.broadcast %add3A_1854 : i32 to vector<16xi32>
      %add3A_1856 = arith.addi %add3A_1853, %add3A_1855 : vector<16xi32>
      tpu.vector_store_idx %arg5[%add3A_1856], %broadcast_in_dim3A_8 masked %ge3A_1847 : memref<24576xf32, #tpu.memory_space<vmem>>[vector<16xi32>], vector<16xf32>, vector<16xi1>
      %add3A_1857 = arith.constant 2 : i32
      %add3A_1858 = vector.broadcast %add3A_1857 : i32 to vector<16xi32>
      %add3A_1859 = arith.addi %add3A_1853, %add3A_1858 : vector<16xi32>
      tpu.vector_store_idx %arg5[%add3A_1859], %broadcast_in_dim3A_8 masked %ge3A_1847 : memref<24576xf32, #tpu.memory_space<vmem>>[vector<16xi32>], vector<16xf32>, vector<16xi1>
      %get3A_1860 = arith.index_cast %add3A_1286 : i32 to index
      %get3A_1861 = arith.constant 240 : index
      %get3A_1862 = tpu.vector_load %arg4[%get3A_1860, %get3A_1861] {strides = array<i32>} : memref<128x256xi32, #tpu.memory_space<vmem>>, vector<16xi32>,
      %ge3A_1863 = arith.constant 1 : i32
      %ge3A_1864 = vector.broadcast %ge3A_1863 : i32 to vector<16xi32>
      %ge3A_1865 = arith.cmpi sge, %get3A_1862, %ge3A_1864 : vector<16xi32>
      %mul3A_1866 = arith.constant 3 : i32
      %mul3A_1867 = vector.broadcast %mul3A_1866 : i32 to vector<16xi32>
      %mul3A_1868 = arith.muli %get3A_1862, %mul3A_1867 : vector<16xi32>
      %add3A_1869 = arith.constant 12285 : i32
      %add3A_1870 = vector.broadcast %add3A_1869 : i32 to vector<16xi32>
      %add3A_1871 = arith.addi %mul3A_1868, %add3A_1870 : vector<16xi32>
      tpu.vector_store_idx %arg5[%add3A_1871], %broadcast_in_dim3A_8 masked %ge3A_1865 : memref<24576xf32, #tpu.memory_space<vmem>>[vector<16xi32>], vector<16xf32>, vector<16xi1>
      %add3A_1872 = arith.constant 1 : i32
      %add3A_1873 = vector.broadcast %add3A_1872 : i32 to vector<16xi32>
      %add3A_1874 = arith.addi %add3A_1871, %add3A_1873 : vector<16xi32>
      tpu.vector_store_idx %arg5[%add3A_1874], %broadcast_in_dim3A_8 masked %ge3A_1865 : memref<24576xf32, #tpu.memory_space<vmem>>[vector<16xi32>], vector<16xf32>, vector<16xi1>
      %add3A_1875 = arith.constant 2 : i32
      %add3A_1876 = vector.broadcast %add3A_1875 : i32 to vector<16xi32>
      %add3A_1877 = arith.addi %add3A_1871, %add3A_1876 : vector<16xi32>
      tpu.vector_store_idx %arg5[%add3A_1877], %broadcast_in_dim3A_8 masked %ge3A_1865 : memref<24576xf32, #tpu.memory_space<vmem>>[vector<16xi32>], vector<16xf32>, vector<16xi1>
      %add3A_1878 = arith.addi %mul3A_2, %add3A_1286 : i32
      %dma_start3A_1879 = arith.constant 12288 : i32
      %dma_start3A_1880 = tpu.memref_slice %arg5[%dma_start3A_1879] : memref<24576xf32, #tpu.memory_space<vmem>> -> memref<12288xf32, #tpu.memory_space<vmem>>
      %dma_start3A_1881 = arith.constant 0 : i32
      %dma_start3A_1882 = tpu.memref_slice %arg3[%add3A_1878, %dma_start3A_1881] : memref<4096x12288xf32, #tpu.memory_space<hbm>> -> memref<1x12288xf32, #tpu.memory_space<hbm>>
      %dma_start3A_1883 = tpu.memref_squeeze %dma_start3A_1882 : memref<1x12288xf32, #tpu.memory_space<hbm>> -> memref<12288xf32, #tpu.memory_space<hbm>>
      %dma_start3A_1884 = arith.constant 0 : i32
      %dma_start3A_1885 = tpu.memref_slice %arg3[%add3A_1878, %dma_start3A_1884] : memref<4096x12288xf32, #tpu.memory_space<hbm>> -> memref<1x12288xf32, #tpu.memory_space<hbm>>
      %dma_start3A_1886 = tpu.memref_squeeze %dma_start3A_1885 : memref<1x12288xf32, #tpu.memory_space<hbm>> -> memref<12288xf32, #tpu.memory_space<hbm>>
      %dma_start3A_1887 = arith.constant 12288 : i32
      %dma_start3A_1888 = tpu.memref_slice %arg5[%dma_start3A_1887] : memref<24576xf32, #tpu.memory_space<vmem>> -> memref<12288xf32, #tpu.memory_space<vmem>>
      tpu.enqueue_dma source(%dma_start3A_1888 : memref<12288xf32, #tpu.memory_space<vmem>>) target(%dma_start3A_1886 : memref<12288xf32, #tpu.memory_space<hbm>>) target_semaphore(%arg7 : memref<!tpu.dma_semaphore, #tpu.memory_space<semaphore_mem>>)
    }
    %scan3A_652 = arith.constant 63 : i32
    %add3A_653 = arith.constant 126 : i32
    %add3A_654 = arith.addi %mul3A_2, %add3A_653 : i32
    %dma_wait3A_655 = arith.constant 0 : i32
    %dma_wait3A_656 = tpu.memref_slice %arg5[%dma_wait3A_655] : memref<24576xf32, #tpu.memory_space<vmem>> -> memref<12288xf32, #tpu.memory_space<vmem>>
    %dma_wait3A_657 = arith.constant 0 : i32
    %dma_wait3A_658 = tpu.memref_slice %arg3[%add3A_654, %dma_wait3A_657] : memref<4096x12288xf32, #tpu.memory_space<hbm>> -> memref<1x12288xf32, #tpu.memory_space<hbm>>
    %dma_wait3A_659 = tpu.memref_squeeze %dma_wait3A_658 : memref<1x12288xf32, #tpu.memory_space<hbm>> -> memref<12288xf32, #tpu.memory_space<hbm>>
    %dma_wait3A_660 = arith.constant 0 : i32
    %dma_wait3A_661 = tpu.memref_slice %arg3[%add3A_654, %dma_wait3A_660] : memref<4096x12288xf32, #tpu.memory_space<hbm>> -> memref<1x12288xf32, #tpu.memory_space<hbm>>
    %dma_wait3A_662 = tpu.memref_squeeze %dma_wait3A_661 : memref<1x12288xf32, #tpu.memory_space<hbm>> -> memref<12288xf32, #tpu.memory_space<hbm>>
    %dma_wait3A_663 = arith.constant 0 : i32
    %dma_wait3A_664 = tpu.memref_slice %arg5[%dma_wait3A_663] : memref<24576xf32, #tpu.memory_space<vmem>> -> memref<12288xf32, #tpu.memory_space<vmem>>
    tpu.wait_dma2 semaphore(%arg6 : memref<!tpu.dma_semaphore, #tpu.memory_space<semaphore_mem>>) src(%dma_wait3A_664 : memref<12288xf32, #tpu.memory_space<vmem>>) dst(%dma_wait3A_662 : memref<12288xf32, #tpu.memory_space<hbm>>)
    %add3A_665 = arith.constant 127 : i32
    %add3A_666 = arith.addi %mul3A_2, %add3A_665 : i32
    %dma_wait3A_667 = arith.constant 12288 : i32
    %dma_wait3A_668 = tpu.memref_slice %arg5[%dma_wait3A_667] : memref<24576xf32, #tpu.memory_space<vmem>> -> memref<12288xf32, #tpu.memory_space<vmem>>
    %dma_wait3A_669 = arith.constant 0 : i32
    %dma_wait3A_670 = tpu.memref_slice %arg3[%add3A_666, %dma_wait3A_669] : memref<4096x12288xf32, #tpu.memory_space<hbm>> -> memref<1x12288xf32, #tpu.memory_space<hbm>>
    %dma_wait3A_671 = tpu.memref_squeeze %dma_wait3A_670 : memref<1x12288xf32, #tpu.memory_space<hbm>> -> memref<12288xf32, #tpu.memory_space<hbm>>
    %dma_wait3A_672 = arith.constant 0 : i32
    %dma_wait3A_673 = tpu.memref_slice %arg3[%add3A_666, %dma_wait3A_672] : memref<4096x12288xf32, #tpu.memory_space<hbm>> -> memref<1x12288xf32, #tpu.memory_space<hbm>>
    %dma_wait3A_674 = tpu.memref_squeeze %dma_wait3A_673 : memref<1x12288xf32, #tpu.memory_space<hbm>> -> memref<12288xf32, #tpu.memory_space<hbm>>
    %dma_wait3A_675 = arith.constant 12288 : i32
    %dma_wait3A_676 = tpu.memref_slice %arg5[%dma_wait3A_675] : memref<24576xf32, #tpu.memory_space<vmem>> -> memref<12288xf32, #tpu.memory_space<vmem>>
    tpu.wait_dma2 semaphore(%arg7 : memref<!tpu.dma_semaphore, #tpu.memory_space<semaphore_mem>>) src(%dma_wait3A_676 : memref<12288xf32, #tpu.memory_space<vmem>>) dst(%dma_wait3A_674 : memref<12288xf32, #tpu.memory_space<hbm>>)
    return
  }
}

</mosaic_0001>

<sc_bundles>
// kernel: kernel.3.cloned.1.call-start
scs
__scs_entry_jumppad:
0x0: {  	(pc) =	sbr.rel $0x88, $3  }
0x1: {  	(tag) =	ssettag $0x0;
	lr =	simm.s32 $0x1  }
0x2: {  	[smem:$0x3FA0] =	sst lr;
	_ =	strace $0xD0000000  }
0x3: {  	_ = 	snop  }
0x4: {  	_ = 	snop  }
0x5: {  	_ = 	snop  }
0x6: {  	_ = 	snop  }
0x7: {  	_ = 	snop  }
__scs_overlays_trampoline_lowered:
0x8: {  	[smem:$0x3FAF] =	sst s0  }
0x9: {  	[smem:$0x3FB0] =	sst s1  }
0xa: {  	[smem:$0x3FB1] =	sst s2  }
0xb: {  	[smem:$0x3FB2] =	sst s3  }
0xc: {  	[smem:$0x3FB3] =	sst s4  }
0xd: {  	[smem:$0x3FB4] =	sst s5  }
0xe: {  	[smem:$0x3FB5] =	sst s6  }
0xf: {  	[smem:$0x3FB6] =	sst s7  }
0x10: {  	[smem:$0x3FB7] =	sst s8  }
0x11: {  	[smem:$0x3FB8] =	sst s9;
	s0 =	simm.s32 @!p0 $0x0  }
0x12: {  	s1 =	sld [smem:$0x3F9E];
	s0 =	simm.s32 @p0 $0x1  }
0x13: {  	[smem:$0x3FB9] =	sst s0;
	s0 =	simm.s32 @!p1 $0x0  }
0x14: {  	s2 =	sld [smem:$0x3F9D];
	s0 =	simm.s32 @p1 $0x1  }
0x15: {  	[smem:$0x3FBA] =	sst s0;
	s0 =	simm.s32 @!p2 $0x0  }
0x16: {  	s3 =	sld [smem:$0x3FDB];
	s0 =	simm.s32 @p2 $0x1  }
0x17: {  	s4 =	simm.s32 $0x1BF5;
	[smem:$0x3FBC] =	sst s0  }
0x18: {  	s0 =	sld [smem:$0x3F9F];
	_ =	swait.ge [sflag:s4], $0x0  }
0x19: {  	s7 =	sld [smem:$0x3FA0]  }
0x1a: {  	s8 =	sadd.s32 $0xFFFFE003, lr  }
0x1b: {  	s9 =	sadd.s32 $0xFFFFFEF7, lr;
	s5 =	simm.s32 $0xFFFFFFFF;
	p2 =	slt.u32 s8, $0xFFFFF086  }
0x1c: {  	p1 =	slt.u32 s9, $0xF7A;
	s5 =	simm.s32 @!p2 $0x0  }
0x1d: {  	s5 =	simm.s32 @p1 $0x1;
	p0 =	seq.s32 s7, s2  }
0x1e: {  	s7 =	smul.u32 @!p0 $0xF7A, s2;
	p2 =	seq.s32 @!p0 s5, $0x0  }
0x1f: {  	s9 =	smul.u32 $0xF7A, s1;
	s8 =	simm.s32 @!p0 $0x1BF5;
	p2 =	por !p2, p0  }
0x20: {  	[sflag:s8] =	ssyncset.s32 @!p0 $0xFFFFF086;
	s6 =	sadd.s32 @!p0 s3, s7;
	s7 =	simm.s32 @!p0 $0x108  }
0x21: {  	s3 =	sadd.s32 s3, s9;
	s6 =	sadd.s32 @!p0 $0x88, s6;
	s7 =	simm.s32 @p2 $0x1082  }
0x22: {  	[simem:s7], [sflag:s8] =	dma.local @!p0 [hbm:s6], $0xF7A  }
0x23: {  	s9 =	sor.u32 $0xD0000000, s2;
	s6 =	simm.s32 $0x108;
	_ =	swait.ge @!p0 [sflag:s8], $0x0  }
0x24: {  	s3 =	sadd.s32 $0x88, s3;
	s6 =	simm.s32 @!p1 $0x1082;
	[sflag:s4] =	ssyncset.s32 $0xFFFFF086  }
0x25: {  	[simem:s6], [sflag:s4] =	dma.local [hbm:s3], $0xF7A  }
0x26: {  	[smem:$0x3FA0] =	sst s1;
	(tag) =	ssettag s2;
	_ =	strace s9  }
0x27: {  	s1 =	sld [smem:$0x3FB0]  }
0x28: {  	s2 =	sld [smem:$0x3FB1]  }
0x29: {  	s4 =	sld [smem:$0x3FB3]  }
0x2a: {  	p0 =	seq.s32 s5, $0x0;
	s5 =	sld [smem:$0x3FB4]  }
0x2b: {  	s6 =	sld [smem:$0x3FB5]  }
0x2c: {  	s7 =	sld [smem:$0x3FB6]  }
0x2d: {  	s3 =	simm.s32 $0x108;
	s8 =	sld [smem:$0x3FB7]  }
0x2e: {  	s3 =	simm.s32 @!p0 $0x1082;
	s9 =	sld [smem:$0x3FB8]  }
0x2f: {  	lr =	sadd.s32 s0, s3;
	s0 =	sld [smem:$0x3FAF]  }
0x30: {  	s3 =	sld [smem:$0x3FB2]  }
0x31: {  	[smem:$0x3FBB] =	sst s10  }
0x32: {  	s10 =	sld [smem:$0x3FB9];
	_ =	sdelay $0x3  }
0x33: {  	p0 =	seq.s32 s10, $0x1;
	s10 =	sld [smem:$0x3FBB];
	_ =	sdelay $0x3  }
0x34: {  	[smem:$0x3FBB] =	sst s10  }
0x35: {  	s10 =	sld [smem:$0x3FBA];
	_ =	sdelay $0x3  }
0x36: {  	p1 =	seq.s32 s10, $0x1;
	s10 =	sld [smem:$0x3FBB];
	_ =	sdelay $0x3  }
0x37: {  	[smem:$0x3FBB] =	sst s10  }
0x38: {  	s10 =	sld [smem:$0x3FBC]  }
0x39: {  	_ = 	snop;
	(pc) =	sbr.ind lr, $3  }
0x3a: {  	_ = 	snop  }
0x3b: {  	_ = 	snop  }
0x3c: {  	p2 =	seq.s32 s10, $0x1;
	s10 =	sld [smem:$0x3FBB]  }
0x3d: {  	_ =	shalt  }
0x3e: {  	_ =	shalt  }
0x3f: {  	_ =	shalt  }
0x40: {  	_ =	shalt  }
0x41: {  	_ =	shalt  }
0x42: {  	_ =	shalt  }
0x43: {  	_ =	shalt  }
0x44: {  	_ =	shalt  }
0x45: {  	_ =	shalt  }
0x46: {  	_ =	shalt  }
0x47: {  	_ =	shalt  }
0x48: {  	_ =	shalt  }
0x49: {  	_ =	shalt  }
0x4a: {  	_ =	shalt  }
0x4b: {  	_ =	shalt  }
0x4c: {  	_ =	shalt  }
0x4d: {  	_ =	shalt  }
0x4e: {  	_ =	shalt  }
0x4f: {  	_ =	shalt  }
0x50: {  	_ =	shalt  }
0x51: {  	_ =	shalt  }
0x52: {  	_ =	shalt  }
0x53: {  	_ =	shalt  }
0x54: {  	_ =	shalt  }
0x55: {  	_ =	shalt  }
0x56: {  	_ =	shalt  }
0x57: {  	_ =	shalt  }
0x58: {  	_ =	shalt  }
0x59: {  	_ =	shalt  }
0x5a: {  	_ =	shalt  }
0x5b: {  	_ =	shalt  }
0x5c: {  	_ =	shalt  }
0x5d: {  	_ =	shalt  }
0x5e: {  	_ =	shalt  }
0x5f: {  	_ =	shalt  }
0x60: {  	_ =	shalt  }
0x61: {  	_ =	shalt  }
0x62: {  	_ =	shalt  }
0x63: {  	_ =	shalt  }
0x64: {  	_ =	shalt  }
0x65: {  	_ =	shalt  }
0x66: {  	_ =	shalt  }
0x67: {  	_ =	shalt  }
0x68: {  	_ =	shalt  }
0x69: {  	_ =	shalt  }
0x6a: {  	_ =	shalt  }
0x6b: {  	_ =	shalt  }
0x6c: {  	_ =	shalt  }
0x6d: {  	_ =	shalt  }
0x6e: {  	_ =	shalt  }
0x6f: {  	_ =	shalt  }
0x70: {  	_ =	shalt  }
0x71: {  	_ =	shalt  }
0x72: {  	_ =	shalt  }
0x73: {  	_ =	shalt  }
0x74: {  	_ =	shalt  }
0x75: {  	_ =	shalt  }
0x76: {  	_ =	shalt  }
0x77: {  	_ =	shalt  }
0x78: {  	_ =	shalt  }
0x79: {  	_ =	shalt  }
0x7a: {  	_ =	shalt  }
0x7b: {  	_ =	shalt  }
0x7c: {  	_ =	shalt  }
0x7d: {  	_ =	shalt  }
0x7e: {  	_ =	shalt  }
0x7f: {  	_ =	shalt  }
0x80: {  	_ =	shalt  }
0x81: {  	_ =	shalt  }
0x82: {  	_ =	shalt  }
0x83: {  	_ =	shalt  }
0x84: {  	_ =	shalt  }
0x85: {  	_ =	shalt  }
0x86: {  	_ =	shalt  }
0x87: {  	_ =	shalt  }
.Lfunc_end0:
.L_simem_size_0:
called_computation_lowered:
.L_overlay_start_0:
0x88: {  	s2 =	sld [smem:$0x3FD9]  }
0x89: {  	s3 =	sld [smem:$0x3FFE];
	_ =	sdelay $0x1  }
0x8a: {  	s1 =	srdreg.scid  }
0x8b: {  	s0 =	sand.u32 $0x1, s1  }
0x8c: {  	s18 =	sshll.u32 s0, $0xA;
	s2 =	sadd.s32 s3, s2  }
0x8d: {  	s2 =	sadd.s32 s2, s18  }
0x8e: {  	[smem:$0x3FC7] =	sst s2  }
0x8f: {  	_ = 	snop  }
0x90: {  	s2 =	sld [smem:$0x3FC9]  }
0x91: {  	s19 =	sld [smem:$0x3FD0];
	(tm) =	ssettm $0x1  }
0x92: {  	s4 =	sld [smem:$0x3FFB];
	_ =	sdelay $0x3  }
0x93: {  	_ =	strace s4  }
0x94: {  	s4 =	sld [smem:$0x3FFC];
	_ =	sdelay $0x3  }
0x95: {  	_ =	strace s4  }
0x96: {  	s4 =	sld [smem:$0x3FFD];
	_ =	sdelay $0x3  }
0x97: {  	_ =	strace s4  }
0x98: {  	_ =	strace $0x8FFFFFFF  }
0x99: {  	s20 =	sld [smem:$0x3FDB];
	_ =	sdelay $0x1  }
0x9a: {  	s5 =	simm.s32 $_scs_section_size  }
0x9b: {  	s6 =	simm.s32 $_size__tile_overlayer_lowered;
	s7 =	simm.s32 $_tile_overlayer_lowered  }
0x9c: {  	s23 =	simm.s32 $0x1BFF;
	s22 =	sshll.u32 s7, $0x1;
	s4 =	sadd.s32 s5, s20  }
0x9d: {  	s8 =	simm.s32 $0x0;
	s21 =	sshll.u32 s6, $0x1;
	s6 =	sadd.s32 s22, s4  }
0x9e: {  	[timem:s8], [sflag:s23] =	dma.local [hbm:s6], s21  }
0x9f: {  	_ =	swait.ge [sflag:s23], s21  }
0xa0: {  	s5 =	ssub.s32 $0x0, s21;
	[sflag:s23] =	ssyncset.done $0x0  }
0xa1: {  	[sflag:s23] =	ssyncadd.s32 s5;
	_ =	sdelay $0x1  }
0xa2: {  	s24 =	simm.s32 $0x1B8B  }
0xa3: {  	_ =	swait.ge [sflag:s24], $0x1  }
0xa4: {  	[sflag:s24] =	ssyncset.done $0x0  }
0xa5: {  	s25 =	simm.s32 $0x1B8E;
	[sflag:s24] =	ssyncadd.s32 $0xFFFFFFFF  }
0xa6: {  	s26 =	simm.s32 $execute0_lowered;
	[smem:$0x3FD2] =	sst s25  }
0xa7: {  	s5 =	sshll.u32 s26, $0x1;
	_ =	strace $0x80000046;
	[dreg:$0x1] =	wrdreg $0xFFFFFFFF  }
0xa8: {  	s28 =	simm.s32 $_size_execute0_lowered;
	s4 =	sadd.s32 s4, s5;
	[dreg:$0x0] =	wrdreg $0x0  }
0xa9: {  	s5 =	sshll.u32 s28, $0x1;
	[dreg:$0x2] =	wrdreg s4  }
0xaa: {  	[dreg:$0x3] =	wrdreg s5  }
0xab: {  	[dreg:$0x4] =	wrdreg $0xC0  }
0xac: {  	_ =	task [dreg:s8], $0x5FFFF  }
0xad: {  	[dreg:$0x1] =	wrdreg $0xFFFFFFFF  }
0xae: {  	[dreg:$0x0] =	wrdreg $0x60  }
0xaf: {  	[dreg:$0x2] =	wrdreg s2  }
0xb0: {  	[dreg:$0x3] =	wrdreg s19  }
0xb1: {  	[dreg:$0x4] =	wrdreg $0x9  }
0xb2: {  	_ =	task.clear_ibuf [dreg:s8], $0x5FFFF;
	_ =	strace $0x90000046  }
0xb3: {  	s29 =	simm.s32 $0x9;
	_ =	strace $0x80000048  }
0xb4: {  	_ =	swait.ge [sflag:s29], $0x1  }
0xb5: {  	[sflag:s29] =	ssyncadd.s32 $0xFFFFFFFF  }
0xb6: {  	_ =	strace $0x90000048  }
0xb7: {  	_ =	sfence  }
0xb8: {  	s30 =	sld [smem:$0x0];
	_ =	sdelay $0x2  }
0xb9: {  	s31 =	sshll.u32 s1, $0xD;
	s1 =	sshrl.u32 s1, $0x2  }
0xba: {  	s3 =	sand.u32 $0x4000, s31;
	s1 =	sadd.s32 s1, s30  }
0xbb: {  	s0 =	sor.u32 s3, s0;
	s1 =	sshll.u32 s1, $0x11  }
0xbc: {  	s0 =	sor.u32 s1, s0  }
0xbd: {  	s0 =	sadd.s32 $0x8F2B, s0  }
0xbe: {  	[sflag:s0] =	ssyncadd.remote.s32 $0x1  }
0xbf: {  	_ =	sfence.sel $0xFFFF  }
0xc0: {  	[dreg:$0x0] =	wrdreg $0xFFFFFFFF;
	(pc) =	sbr.abs _section_cstart, $3  }
0xc1: {  	[dreg:$0x1] =	wrdreg $0xFFFFFFFF  }
0xc2: {  	_ =	task.clear_ibuf [dreg:s8], $0x2FFFF;
	_ =	strace $0x9FFFFFFF  }
0xc3: {  	(tm) =	ssettm $0x7FFFFFFF  }
tec
execute0_lowered:
.L_overlay_start_1:
0x0: {  	(tag) =	ssettag $0x1  }
0x1: {  	s1 =	srdreg.scid  }
0x2: {  	s0 =	stileid.u32;
	s5 =	rddreg [dreg:$0x0]  }
0x3: {  	s2 =	rddreg [dreg:$0x1];
	s11 =	simm.s32 $0x80;
	s12 =	simm.s32 $0x400  }
0x4: {  	s13 =	simm.s32 $0xB000;
	s14 =	simm.s32 $0x2;
	s4 =	sand.u32 $0x1, s1  }
0x5: {  	s15 =	simm.s32 $0x0;
	s31 =	sshll.u32 s0, $0x8;
	s3 =	sshll.u32 s4, $0x7  }
0x6: {  	s1 =	rddreg [dreg:$0x2];
	s7 =	ssub.s32 $0x2, s4;
	s8 =	sor.u32 s3, s31  }
0x7: {  	s3 =	simm.s32 $0x0;
	s9 =	sshrl.u32 s7, $0x1;
	s6 =	sshrl.u32 s8, $0x3  }
0x8: {  	[smem:$0x7FF] =	sst s3;
	s10 =	sshll.u32 s8, $0x5;
	s6 =	smul.u32 $0x3000, s6  }
0x9: {  	s7 =	ssub.s32 s7, s9;
	s8 =	sor.u32 $0x2, s8;
	s9 =	simm.s32 $0x1  }
0xa: {  	_ =	strace $0x80000047;
	s5 =	sadd.s32 s5, s10;
	s4 =	sadd.s32 s2, s6  }
0xb: {  	v0 =	vimm.f32 $-1.000000000e+02;
	v1 =	vimm.f32 $0.0e+00;
	s7 =	smax.u32 s7, $0x1;
	s10 =	simm.s32 $0x8000;
	s6 =	sadd.s32 $0x10, s4  }
.LBB2_1:
0xc: {  	[tilespmem:s3], [sflag:$0x1] =	stream.linear.gather [hbm4b:s5+s3], $0x8000, $0x38;
	[tilespmem:$0xE000] =	vst v63  }
0xd: {  	s16 =	simm.s32 $0x0;
	s17 =	simm.s32 $0x200  }
.LBB2_2:
0xe: {  	p0 =	sne.s32 s17, $0x17E00;
	[tilespmem:s16+$0x8070] =	vst v0  }
0xf: {  	[tilespmem:s16+$0x8000] =	vst v0  }
0x10: {  	[tilespmem:s16+$0x8010] =	vst v0  }
.Ltmp0:
0x11: {  	[tilespmem:s16+$0x8020] =	vst v0;
	(pc) =	sbr.rel @p0 .LBB2_2-.Ltmp0, $4  }
0x12: {  	[tilespmem:s16+$0x8030] =	vst v0  }
0x13: {  	[tilespmem:s16+$0x8040] =	vst v0  }
0x14: {  	[tilespmem:s16+$0x8050] =	vst v0  }
0x15: {  	[tilespmem:s16+$0x8060] =	vst v0;
	s16 =	sshra.s32 s17, $0x2;
	s17 =	sadd.s32 $0x200, s17  }
0x16: {  	[tilespmem:s16+$0x8070] =	vst v0  }
0x17: {  	[tilespmem:s16+$0x8000] =	vst v0  }
0x18: {  	[tilespmem:s16+$0x8010] =	vst v0  }
0x19: {  	[tilespmem:s16+$0x8020] =	vst v0  }
0x1a: {  	[tilespmem:s16+$0x8030] =	vst v0  }
0x1b: {  	[tilespmem:s16+$0x8040] =	vst v0  }
0x1c: {  	[tilespmem:s16+$0x8050] =	vst v0  }
0x1d: {  	[tilespmem:s16+$0x8060] =	vst v0  }
0x1e: {  	_ =	swait.ge [sflag:s9], $0x8000  }
0x1f: {  	[sflag:s9] =	ssyncset.done $0x0  }
0x20: {  	[sflag:s9] =	ssyncadd.s32 $0xFFFF8000  }
0x21: {  	v2 =	vld [tilespmem:$0x0];
	_ =	sdelay $0x4  }
0x22: {  	v3 =	vmul.u32 $0x3, v2  }
0x23: {  	vm0 =	vgt.s32 v2, $0x0  }
0x24: {  	v2 =	vadd.s32 $0xFFFFFFFD, v3  }
0x25: {  	v4 =	vadd.s32 $0xFFFFFFFE, v3  }
0x26: {  	v3 =	vadd.s32 $0xFFFFFFFF, v3;
	_ =	sdelay $0x2  }
0x27: {  	[tilespmem:v2+s10+$0x0] =	vst.idx.msk vm0, v1  }
0x28: {  	[tilespmem:v4+s10+$0x0] =	vst.idx.msk vm0, v1  }
0x29: {  	[tilespmem:v3+s10+$0x0] =	vst.idx.msk vm0, v1  }
0x2a: {  	v2 =	vld [tilespmem:$0x10];
	_ =	sdelay $0x4  }
0x2b: {  	v3 =	vmul.u32 $0x3, v2  }
0x2c: {  	vm9 =	vgt.s32 v2, $0x0  }
0x2d: {  	v2 =	vadd.s32 $0xFFFFFFFD, v3  }
0x2e: {  	v33 =	vadd.s32 $0xFFFFFFFE, v3  }
0x2f: {  	v3 =	vadd.s32 $0xFFFFFFFF, v3;
	_ =	sdelay $0x2  }
0x30: {  	[tilespmem:v2+s10+$0x0] =	vst.idx.msk vm9, v1  }
0x31: {  	[tilespmem:v33+s10+$0x0] =	vst.idx.msk vm9, v1  }
0x32: {  	[tilespmem:v3+s10+$0x0] =	vst.idx.msk vm9, v1  }
0x33: {  	v2 =	vld [tilespmem:$0x20];
	_ =	sdelay $0x4  }
0x34: {  	v3 =	vmul.u32 $0x3, v2  }
0x35: {  	vm10 =	vgt.s32 v2, $0x0  }
0x36: {  	v2 =	vadd.s32 $0xFFFFFFFD, v3  }
0x37: {  	v34 =	vadd.s32 $0xFFFFFFFE, v3  }
0x38: {  	v3 =	vadd.s32 $0xFFFFFFFF, v3;
	_ =	sdelay $0x2  }
0x39: {  	[tilespmem:v2+s10+$0x0] =	vst.idx.msk vm10, v1  }
0x3a: {  	[tilespmem:v34+s10+$0x0] =	vst.idx.msk vm10, v1  }
0x3b: {  	[tilespmem:v3+s10+$0x0] =	vst.idx.msk vm10, v1  }
0x3c: {  	v2 =	vld [tilespmem:$0x30];
	_ =	sdelay $0x4  }
0x3d: {  	v3 =	vmul.u32 $0x3, v2  }
0x3e: {  	vm11 =	vgt.s32 v2, $0x0  }
0x3f: {  	v2 =	vadd.s32 $0xFFFFFFFD, v3  }
0x40: {  	v35 =	vadd.s32 $0xFFFFFFFE, v3  }
0x41: {  	v3 =	vadd.s32 $0xFFFFFFFF, v3;
	_ =	sdelay $0x2  }
0x42: {  	[tilespmem:v2+s10+$0x0] =	vst.idx.msk vm11, v1  }
0x43: {  	[tilespmem:v35+s10+$0x0] =	vst.idx.msk vm11, v1  }
0x44: {  	[tilespmem:v3+s10+$0x0] =	vst.idx.msk vm11, v1  }
0x45: {  	v2 =	vld [tilespmem:$0x40];
	_ =	sdelay $0x4  }
0x46: {  	v3 =	vmul.u32 $0x3, v2  }
0x47: {  	vm12 =	vgt.s32 v2, $0x0  }
0x48: {  	v2 =	vadd.s32 $0xFFFFFFFD, v3  }
0x49: {  	v36 =	vadd.s32 $0xFFFFFFFE, v3  }
0x4a: {  	v3 =	vadd.s32 $0xFFFFFFFF, v3;
	_ =	sdelay $0x2  }
0x4b: {  	[tilespmem:v2+s10+$0x0] =	vst.idx.msk vm12, v1  }
0x4c: {  	[tilespmem:v36+s10+$0x0] =	vst.idx.msk vm12, v1  }
0x4d: {  	[tilespmem:v3+s10+$0x0] =	vst.idx.msk vm12, v1  }
0x4e: {  	v2 =	vld [tilespmem:$0x50];
	_ =	sdelay $0x4  }
0x4f: {  	v3 =	vmul.u32 $0x3, v2  }
0x50: {  	vm13 =	vgt.s32 v2, $0x0  }
0x51: {  	v2 =	vadd.s32 $0xFFFFFFFD, v3  }
0x52: {  	v37 =	vadd.s32 $0xFFFFFFFE, v3  }
0x53: {  	v3 =	vadd.s32 $0xFFFFFFFF, v3;
	_ =	sdelay $0x2  }
0x54: {  	[tilespmem:v2+s10+$0x0] =	vst.idx.msk vm13, v1  }
0x55: {  	[tilespmem:v37+s10+$0x0] =	vst.idx.msk vm13, v1  }
0x56: {  	[tilespmem:v3+s10+$0x0] =	vst.idx.msk vm13, v1  }
0x57: {  	v2 =	vld [tilespmem:$0x60];
	_ =	sdelay $0x4  }
0x58: {  	v3 =	vmul.u32 $0x3, v2  }
0x59: {  	vm14 =	vgt.s32 v2, $0x0  }
0x5a: {  	v2 =	vadd.s32 $0xFFFFFFFD, v3  }
0x5b: {  	v38 =	vadd.s32 $0xFFFFFFFE, v3  }
0x5c: {  	v3 =	vadd.s32 $0xFFFFFFFF, v3;
	_ =	sdelay $0x2  }
0x5d: {  	[tilespmem:v2+s10+$0x0] =	vst.idx.msk vm14, v1  }
0x5e: {  	[tilespmem:v38+s10+$0x0] =	vst.idx.msk vm14, v1  }
0x5f: {  	[tilespmem:v3+s10+$0x0] =	vst.idx.msk vm14, v1  }
0x60: {  	v2 =	vld [tilespmem:$0x70];
	_ =	sdelay $0x4  }
0x61: {  	v3 =	vmul.u32 $0x3, v2  }
0x62: {  	vm15 =	vgt.s32 v2, $0x0  }
0x63: {  	v2 =	vadd.s32 $0xFFFFFFFD, v3  }
0x64: {  	v39 =	vadd.s32 $0xFFFFFFFE, v3  }
0x65: {  	v3 =	vadd.s32 $0xFFFFFFFF, v3;
	_ =	sdelay $0x2  }
0x66: {  	[tilespmem:v2+s10+$0x0] =	vst.idx.msk vm15, v1  }
0x67: {  	[tilespmem:v39+s10+$0x0] =	vst.idx.msk vm15, v1  }
0x68: {  	[tilespmem:v3+s10+$0x0] =	vst.idx.msk vm15, v1  }
0x69: {  	v2 =	vld [tilespmem:$0x400];
	_ =	sdelay $0x4  }
0x6a: {  	v3 =	vmul.u32 $0x3, v2  }
0x6b: {  	vm4 =	vgt.s32 v2, $0x0  }
0x6c: {  	v2 =	vadd.s32 $0xFFFFFFFD, v3  }
0x6d: {  	v40 =	vadd.s32 $0xFFFFFFFE, v3  }
0x6e: {  	v3 =	vadd.s32 $0xFFFFFFFF, v3;
	_ =	sdelay $0x2  }
0x6f: {  	[tilespmem:v2+s10+$0x0] =	vst.idx.msk vm4, v1  }
0x70: {  	[tilespmem:v40+s10+$0x0] =	vst.idx.msk vm4, v1  }
0x71: {  	[tilespmem:v3+s10+$0x0] =	vst.idx.msk vm4, v1  }
0x72: {  	v2 =	vld [tilespmem:$0x410];
	_ =	sdelay $0x4  }
0x73: {  	v3 =	vmul.u32 $0x3, v2  }
0x74: {  	vm5 =	vgt.s32 v2, $0x0  }
0x75: {  	v2 =	vadd.s32 $0xFFFFFFFD, v3  }
0x76: {  	v41 =	vadd.s32 $0xFFFFFFFE, v3  }
0x77: {  	v3 =	vadd.s32 $0xFFFFFFFF, v3;
	_ =	sdelay $0x2  }
0x78: {  	[tilespmem:v2+s10+$0x0] =	vst.idx.msk vm5, v1  }
0x79: {  	[tilespmem:v41+s10+$0x0] =	vst.idx.msk vm5, v1  }
0x7a: {  	[tilespmem:v3+s10+$0x0] =	vst.idx.msk vm5, v1  }
0x7b: {  	v2 =	vld [tilespmem:$0x420];
	_ =	sdelay $0x4  }
0x7c: {  	v3 =	vmul.u32 $0x3, v2  }
0x7d: {  	vm6 =	vgt.s32 v2, $0x0  }
0x7e: {  	v2 =	vadd.s32 $0xFFFFFFFD, v3  }
0x7f: {  	v42 =	vadd.s32 $0xFFFFFFFE, v3  }
0x80: {  	v3 =	vadd.s32 $0xFFFFFFFF, v3;
	_ =	sdelay $0x2  }
0x81: {  	[tilespmem:v2+s10+$0x0] =	vst.idx.msk vm6, v1  }
0x82: {  	[tilespmem:v42+s10+$0x0] =	vst.idx.msk vm6, v1  }
0x83: {  	[tilespmem:v3+s10+$0x0] =	vst.idx.msk vm6, v1  }
0x84: {  	v2 =	vld [tilespmem:$0x430];
	_ =	sdelay $0x4  }
0x85: {  	v3 =	vmul.u32 $0x3, v2  }
0x86: {  	vm7 =	vgt.s32 v2, $0x0  }
0x87: {  	v2 =	vadd.s32 $0xFFFFFFFD, v3  }
0x88: {  	v43 =	vadd.s32 $0xFFFFFFFE, v3  }
0x89: {  	v3 =	vadd.s32 $0xFFFFFFFF, v3;
	_ =	sdelay $0x2  }
0x8a: {  	[tilespmem:v2+s10+$0x0] =	vst.idx.msk vm7, v1  }
0x8b: {  	[tilespmem:v43+s10+$0x0] =	vst.idx.msk vm7, v1  }
0x8c: {  	[tilespmem:v3+s10+$0x0] =	vst.idx.msk vm7, v1  }
0x8d: {  	v2 =	vld [tilespmem:$0x440];
	_ =	sdelay $0x4  }
0x8e: {  	v3 =	vmul.u32 $0x3, v2  }
0x8f: {  	vm8 =	vgt.s32 v2, $0x0  }
0x90: {  	v2 =	vadd.s32 $0xFFFFFFFD, v3  }
0x91: {  	v44 =	vadd.s32 $0xFFFFFFFE, v3  }
0x92: {  	v3 =	vadd.s32 $0xFFFFFFFF, v3;
	_ =	sdelay $0x2  }
0x93: {  	[tilespmem:v2+s10+$0x0] =	vst.idx.msk vm8, v1  }
0x94: {  	[tilespmem:v44+s10+$0x0] =	vst.idx.msk vm8, v1  }
0x95: {  	[tilespmem:v3+s10+$0x0] =	vst.idx.msk vm8, v1  }
0x96: {  	v2 =	vld [tilespmem:$0x450];
	_ =	sdelay $0x4  }
0x97: {  	v3 =	vmul.u32 $0x3, v2  }
0x98: {  	vm9 =	vgt.s32 v2, $0x0  }
0x99: {  	v2 =	vadd.s32 $0xFFFFFFFD, v3  }
0x9a: {  	v45 =	vadd.s32 $0xFFFFFFFE, v3  }
0x9b: {  	v3 =	vadd.s32 $0xFFFFFFFF, v3;
	_ =	sdelay $0x2  }
0x9c: {  	[tilespmem:v2+s10+$0x0] =	vst.idx.msk vm9, v1  }
0x9d: {  	[tilespmem:v45+s10+$0x0] =	vst.idx.msk vm9, v1  }
0x9e: {  	[tilespmem:v3+s10+$0x0] =	vst.idx.msk vm9, v1  }
0x9f: {  	v2 =	vld [tilespmem:$0x460];
	_ =	sdelay $0x4  }
0xa0: {  	v3 =	vmul.u32 $0x3, v2  }
0xa1: {  	vm10 =	vgt.s32 v2, $0x0  }
0xa2: {  	v2 =	vadd.s32 $0xFFFFFFFD, v3  }
0xa3: {  	v46 =	vadd.s32 $0xFFFFFFFE, v3  }
0xa4: {  	v3 =	vadd.s32 $0xFFFFFFFF, v3;
	_ =	sdelay $0x2  }
0xa5: {  	[tilespmem:v2+s10+$0x0] =	vst.idx.msk vm10, v1  }
0xa6: {  	[tilespmem:v46+s10+$0x0] =	vst.idx.msk vm10, v1  }
0xa7: {  	[tilespmem:v3+s10+$0x0] =	vst.idx.msk vm10, v1  }
0xa8: {  	v2 =	vld [tilespmem:$0x470];
	_ =	sdelay $0x4  }
0xa9: {  	v3 =	vmul.u32 $0x3, v2  }
0xaa: {  	vm11 =	vgt.s32 v2, $0x0  }
0xab: {  	v2 =	vadd.s32 $0xFFFFFFFD, v3  }
0xac: {  	v47 =	vadd.s32 $0xFFFFFFFE, v3  }
0xad: {  	v3 =	vadd.s32 $0xFFFFFFFF, v3;
	_ =	sdelay $0x2  }
0xae: {  	[tilespmem:v2+s10+$0x0] =	vst.idx.msk vm11, v1  }
0xaf: {  	[tilespmem:v47+s10+$0x0] =	vst.idx.msk vm11, v1  }
0xb0: {  	[tilespmem:v3+s10+$0x0] =	vst.idx.msk vm11, v1  }
0xb1: {  	[hbm4b:s4+s11] =	stream.strided.scatter [tilespmem:s10], [sflag:$0x1], $0x3000, s12, s11, $0x38;
	[tilespmem:$0xE000] =	vst v63  }
0xb2: {  	v2 =	vld [tilespmem:$0x80];
	_ =	sdelay $0x4  }
0xb3: {  	v3 =	vmul.u32 $0x3, v2  }
0xb4: {  	vm12 =	vgt.s32 v2, $0x0  }
0xb5: {  	v2 =	vadd.s32 $0x2FFD, v3  }
0xb6: {  	v48 =	vadd.s32 $0x2FFE, v3  }
0xb7: {  	v3 =	vadd.s32 $0x2FFF, v3;
	_ =	sdelay $0x2  }
0xb8: {  	[tilespmem:v2+s10+$0x0] =	vst.idx.msk vm12, v1  }
0xb9: {  	[tilespmem:v48+s10+$0x0] =	vst.idx.msk vm12, v1  }
0xba: {  	[tilespmem:v3+s10+$0x0] =	vst.idx.msk vm12, v1  }
0xbb: {  	v2 =	vld [tilespmem:$0x90];
	_ =	sdelay $0x4  }
0xbc: {  	v3 =	vmul.u32 $0x3, v2  }
0xbd: {  	vm13 =	vgt.s32 v2, $0x0  }
0xbe: {  	v2 =	vadd.s32 $0x2FFD, v3  }
0xbf: {  	v49 =	vadd.s32 $0x2FFE, v3  }
0xc0: {  	v3 =	vadd.s32 $0x2FFF, v3;
	_ =	sdelay $0x2  }
0xc1: {  	[tilespmem:v2+s10+$0x0] =	vst.idx.msk vm13, v1  }
0xc2: {  	[tilespmem:v49+s10+$0x0] =	vst.idx.msk vm13, v1  }
0xc3: {  	[tilespmem:v3+s10+$0x0] =	vst.idx.msk vm13, v1  }
0xc4: {  	v2 =	vld [tilespmem:$0xA0];
	_ =	sdelay $0x4  }
0xc5: {  	v3 =	vmul.u32 $0x3, v2  }
0xc6: {  	vm14 =	vgt.s32 v2, $0x0  }
0xc7: {  	v2 =	vadd.s32 $0x2FFD, v3  }
0xc8: {  	v50 =	vadd.s32 $0x2FFE, v3  }
0xc9: {  	v3 =	vadd.s32 $0x2FFF, v3;
	_ =	sdelay $0x2  }
0xca: {  	[tilespmem:v2+s10+$0x0] =	vst.idx.msk vm14, v1  }
0xcb: {  	[tilespmem:v50+s10+$0x0] =	vst.idx.msk vm14, v1  }
0xcc: {  	[tilespmem:v3+s10+$0x0] =	vst.idx.msk vm14, v1  }
0xcd: {  	v2 =	vld [tilespmem:$0xB0];
	_ =	sdelay $0x4  }
0xce: {  	v3 =	vmul.u32 $0x3, v2  }
0xcf: {  	vm15 =	vgt.s32 v2, $0x0  }
0xd0: {  	v2 =	vadd.s32 $0x2FFD, v3  }
0xd1: {  	v51 =	vadd.s32 $0x2FFE, v3  }
0xd2: {  	v3 =	vadd.s32 $0x2FFF, v3;
	_ =	sdelay $0x2  }
0xd3: {  	[tilespmem:v2+s10+$0x0] =	vst.idx.msk vm15, v1  }
0xd4: {  	[tilespmem:v51+s10+$0x0] =	vst.idx.msk vm15, v1  }
0xd5: {  	[tilespmem:v3+s10+$0x0] =	vst.idx.msk vm15, v1  }
0xd6: {  	v2 =	vld [tilespmem:$0xC0];
	_ =	sdelay $0x4  }
0xd7: {  	v3 =	vmul.u32 $0x3, v2  }
0xd8: {  	vm4 =	vgt.s32 v2, $0x0  }
0xd9: {  	v2 =	vadd.s32 $0x2FFD, v3  }
0xda: {  	v52 =	vadd.s32 $0x2FFE, v3  }
0xdb: {  	v3 =	vadd.s32 $0x2FFF, v3;
	_ =	sdelay $0x2  }
0xdc: {  	[tilespmem:v2+s10+$0x0] =	vst.idx.msk vm4, v1  }
0xdd: {  	[tilespmem:v52+s10+$0x0] =	vst.idx.msk vm4, v1  }
0xde: {  	[tilespmem:v3+s10+$0x0] =	vst.idx.msk vm4, v1  }
0xdf: {  	v2 =	vld [tilespmem:$0xD0];
	_ =	sdelay $0x4  }
0xe0: {  	v3 =	vmul.u32 $0x3, v2  }
0xe1: {  	vm5 =	vgt.s32 v2, $0x0  }
0xe2: {  	v2 =	vadd.s32 $0x2FFD, v3  }
0xe3: {  	v53 =	vadd.s32 $0x2FFE, v3  }
0xe4: {  	v3 =	vadd.s32 $0x2FFF, v3;
	_ =	sdelay $0x2  }
0xe5: {  	[tilespmem:v2+s10+$0x0] =	vst.idx.msk vm5, v1  }
0xe6: {  	[tilespmem:v53+s10+$0x0] =	vst.idx.msk vm5, v1  }
0xe7: {  	[tilespmem:v3+s10+$0x0] =	vst.idx.msk vm5, v1  }
0xe8: {  	v2 =	vld [tilespmem:$0xE0];
	_ =	sdelay $0x4  }
0xe9: {  	v3 =	vmul.u32 $0x3, v2  }
0xea: {  	vm6 =	vgt.s32 v2, $0x0  }
0xeb: {  	v2 =	vadd.s32 $0x2FFD, v3  }
0xec: {  	v54 =	vadd.s32 $0x2FFE, v3  }
0xed: {  	v3 =	vadd.s32 $0x2FFF, v3;
	_ =	sdelay $0x2  }
0xee: {  	[tilespmem:v2+s10+$0x0] =	vst.idx.msk vm6, v1  }
0xef: {  	[tilespmem:v54+s10+$0x0] =	vst.idx.msk vm6, v1  }
0xf0: {  	[tilespmem:v3+s10+$0x0] =	vst.idx.msk vm6, v1  }
0xf1: {  	v2 =	vld [tilespmem:$0xF0];
	_ =	sdelay $0x4  }
0xf2: {  	v3 =	vmul.u32 $0x3, v2  }
0xf3: {  	vm7 =	vgt.s32 v2, $0x0  }
0xf4: {  	v2 =	vadd.s32 $0x2FFD, v3  }
0xf5: {  	v55 =	vadd.s32 $0x2FFE, v3  }
0xf6: {  	v3 =	vadd.s32 $0x2FFF, v3;
	_ =	sdelay $0x2  }
0xf7: {  	[tilespmem:v2+s10+$0x0] =	vst.idx.msk vm7, v1  }
0xf8: {  	[tilespmem:v55+s10+$0x0] =	vst.idx.msk vm7, v1  }
0xf9: {  	[tilespmem:v3+s10+$0x0] =	vst.idx.msk vm7, v1  }
0xfa: {  	v2 =	vld [tilespmem:$0x480];
	_ =	sdelay $0x4  }
0xfb: {  	v3 =	vmul.u32 $0x3, v2  }
0xfc: {  	vm8 =	vgt.s32 v2, $0x0  }
0xfd: {  	v2 =	vadd.s32 $0x2FFD, v3  }
0xfe: {  	v56 =	vadd.s32 $0x2FFE, v3  }
0xff: {  	v3 =	vadd.s32 $0x2FFF, v3;
	_ =	sdelay $0x2  }
0x100: {  	[tilespmem:v2+s10+$0x0] =	vst.idx.msk vm8, v1  }
0x101: {  	[tilespmem:v56+s10+$0x0] =	vst.idx.msk vm8, v1  }
0x102: {  	[tilespmem:v3+s10+$0x0] =	vst.idx.msk vm8, v1  }
0x103: {  	v2 =	vld [tilespmem:$0x490];
	_ =	sdelay $0x4  }
0x104: {  	v3 =	vmul.u32 $0x3, v2  }
0x105: {  	vm9 =	vgt.s32 v2, $0x0  }
0x106: {  	v2 =	vadd.s32 $0x2FFD, v3  }
0x107: {  	v57 =	vadd.s32 $0x2FFE, v3  }
0x108: {  	v3 =	vadd.s32 $0x2FFF, v3;
	_ =	sdelay $0x2  }
0x109: {  	[tilespmem:v2+s10+$0x0] =	vst.idx.msk vm9, v1  }
0x10a: {  	[tilespmem:v57+s10+$0x0] =	vst.idx.msk vm9, v1  }
0x10b: {  	[tilespmem:v3+s10+$0x0] =	vst.idx.msk vm9, v1  }
0x10c: {  	v2 =	vld [tilespmem:$0x4A0];
	_ =	sdelay $0x4  }
0x10d: {  	v3 =	vmul.u32 $0x3, v2  }
0x10e: {  	vm10 =	vgt.s32 v2, $0x0  }
0x10f: {  	v2 =	vadd.s32 $0x2FFD, v3  }
0x110: {  	v58 =	vadd.s32 $0x2FFE, v3  }
0x111: {  	v3 =	vadd.s32 $0x2FFF, v3;
	_ =	sdelay $0x2  }
0x112: {  	[tilespmem:v2+s10+$0x0] =	vst.idx.msk vm10, v1  }
0x113: {  	[tilespmem:v58+s10+$0x0] =	vst.idx.msk vm10, v1  }
0x114: {  	[tilespmem:v3+s10+$0x0] =	vst.idx.msk vm10, v1  }
0x115: {  	v2 =	vld [tilespmem:$0x4B0];
	_ =	sdelay $0x4  }
0x116: {  	v3 =	vmul.u32 $0x3, v2  }
0x117: {  	vm11 =	vgt.s32 v2, $0x0  }
0x118: {  	v2 =	vadd.s32 $0x2FFD, v3  }
0x119: {  	v59 =	vadd.s32 $0x2FFE, v3  }
0x11a: {  	v3 =	vadd.s32 $0x2FFF, v3;
	_ =	sdelay $0x2  }
0x11b: {  	[tilespmem:v2+s10+$0x0] =	vst.idx.msk vm11, v1  }
0x11c: {  	[tilespmem:v59+s10+$0x0] =	vst.idx.msk vm11, v1  }
0x11d: {  	[tilespmem:v3+s10+$0x0] =	vst.idx.msk vm11, v1  }
0x11e: {  	v2 =	vld [tilespmem:$0x4C0];
	_ =	sdelay $0x4  }
0x11f: {  	v3 =	vmul.u32 $0x3, v2  }
0x120: {  	vm12 =	vgt.s32 v2, $0x0  }
0x121: {  	v2 =	vadd.s32 $0x2FFD, v3  }
0x122: {  	v60 =	vadd.s32 $0x2FFE, v3  }
0x123: {  	v3 =	vadd.s32 $0x2FFF, v3;
	_ =	sdelay $0x2  }
0x124: {  	[tilespmem:v2+s10+$0x0] =	vst.idx.msk vm12, v1  }
0x125: {  	[tilespmem:v60+s10+$0x0] =	vst.idx.msk vm12, v1  }
0x126: {  	[tilespmem:v3+s10+$0x0] =	vst.idx.msk vm12, v1  }
0x127: {  	v2 =	vld [tilespmem:$0x4D0];
	_ =	sdelay $0x4  }
0x128: {  	v3 =	vmul.u32 $0x3, v2  }
0x129: {  	vm13 =	vgt.s32 v2, $0x0  }
0x12a: {  	v2 =	vadd.s32 $0x2FFD, v3  }
0x12b: {  	v61 =	vadd.s32 $0x2FFE, v3  }
0x12c: {  	v3 =	vadd.s32 $0x2FFF, v3;
	_ =	sdelay $0x2  }
0x12d: {  	[tilespmem:v2+s10+$0x0] =	vst.idx.msk vm13, v1  }
0x12e: {  	[tilespmem:v61+s10+$0x0] =	vst.idx.msk vm13, v1  }
0x12f: {  	[tilespmem:v3+s10+$0x0] =	vst.idx.msk vm13, v1  }
0x130: {  	v2 =	vld [tilespmem:$0x4E0];
	_ =	sdelay $0x4  }
0x131: {  	v3 =	vmul.u32 $0x3, v2  }
0x132: {  	vm14 =	vgt.s32 v2, $0x0  }
0x133: {  	v2 =	vadd.s32 $0x2FFD, v3  }
0x134: {  	v62 =	vadd.s32 $0x2FFE, v3  }
0x135: {  	v3 =	vadd.s32 $0x2FFF, v3;
	_ =	sdelay $0x2  }
0x136: {  	[tilespmem:v2+s10+$0x0] =	vst.idx.msk vm14, v1  }
0x137: {  	[tilespmem:v62+s10+$0x0] =	vst.idx.msk vm14, v1  }
0x138: {  	[tilespmem:v3+s10+$0x0] =	vst.idx.msk vm14, v1  }
0x139: {  	v2 =	vld [tilespmem:$0x4F0];
	_ =	sdelay $0x4  }
0x13a: {  	v3 =	vmul.u32 $0x3, v2  }
0x13b: {  	vm15 =	vgt.s32 v2, $0x0  }
0x13c: {  	v2 =	vadd.s32 $0x2FFD, v3  }
0x13d: {  	v63 =	vadd.s32 $0x2FFE, v3  }
0x13e: {  	v3 =	vadd.s32 $0x2FFF, v3;
	_ =	sdelay $0x2  }
0x13f: {  	[tilespmem:v2+s10+$0x0] =	vst.idx.msk vm15, v1  }
0x140: {  	[tilespmem:v63+s10+$0x0] =	vst.idx.msk vm15, v1  }
0x141: {  	s16 =	simm.s32 $0x100;
	s19 =	simm.s32 $0x0;
	s17 =	smov.u32 s8;
	[tilespmem:v3+s10+$0x0] =	vst.idx.msk vm15, v1  }
0x142: {  	[hbm4b:s6+s11] =	stream.strided.scatter [tilespmem:s13], [sflag:$0x2], $0x3000, s12, s11, $0x38;
	[tilespmem:$0xE000] =	vst v63  }
.LBB2_4:
0x143: {  	_ =	swait.ge [sflag:s9], $0x3000;
	s18 =	sadd.s32 $0xFFFFFF00, s16  }
0x144: {  	s20 =	sand.u32 $0xFFFFF800, s19;
	[sflag:s9] =	ssyncset.done $0x0;
	s18 =	sand.u32 $0x300, s18  }
0x145: {  	[sflag:s9] =	ssyncadd.s32 $0xFFFFD000;
	s18 =	sor.u32 s18, s20  }
0x146: {  	v2 =	vld [tilespmem:s18+$0x0];
	_ =	sdelay $0x4  }
0x147: {  	v3 =	vmul.u32 $0x3, v2  }
0x148: {  	vm0 =	vgt.s32 v2, $0x0  }
0x149: {  	v2 =	vadd.s32 $0xFFFFFFFD, v3  }
0x14a: {  	v4 =	vadd.s32 $0xFFFFFFFE, v3  }
0x14b: {  	v3 =	vadd.s32 $0xFFFFFFFF, v3;
	_ =	sdelay $0x2  }
0x14c: {  	[tilespmem:v2+s10+$0x0] =	vst.idx.msk vm0, v0  }
0x14d: {  	[tilespmem:v4+s10+$0x0] =	vst.idx.msk vm0, v0  }
0x14e: {  	[tilespmem:v3+s10+$0x0] =	vst.idx.msk vm0, v0  }
0x14f: {  	v2 =	vld [tilespmem:s18+$0x10];
	_ =	sdelay $0x4  }
0x150: {  	v3 =	vmul.u32 $0x3, v2  }
0x151: {  	vm13 =	vgt.s32 v2, $0x0  }
0x152: {  	v2 =	vadd.s32 $0xFFFFFFFD, v3  }
0x153: {  	v57 =	vadd.s32 $0xFFFFFFFE, v3  }
0x154: {  	v3 =	vadd.s32 $0xFFFFFFFF, v3;
	_ =	sdelay $0x2  }
0x155: {  	[tilespmem:v2+s10+$0x0] =	vst.idx.msk vm13, v0  }
0x156: {  	[tilespmem:v57+s10+$0x0] =	vst.idx.msk vm13, v0  }
0x157: {  	[tilespmem:v3+s10+$0x0] =	vst.idx.msk vm13, v0  }
0x158: {  	v2 =	vld [tilespmem:s18+$0x20];
	_ =	sdelay $0x4  }
0x159: {  	v3 =	vmul.u32 $0x3, v2  }
0x15a: {  	vm14 =	vgt.s32 v2, $0x0  }
0x15b: {  	v2 =	vadd.s32 $0xFFFFFFFD, v3  }
0x15c: {  	v58 =	vadd.s32 $0xFFFFFFFE, v3  }
0x15d: {  	v3 =	vadd.s32 $0xFFFFFFFF, v3;
	_ =	sdelay $0x2  }
0x15e: {  	[tilespmem:v2+s10+$0x0] =	vst.idx.msk vm14, v0  }
0x15f: {  	[tilespmem:v58+s10+$0x0] =	vst.idx.msk vm14, v0  }
0x160: {  	[tilespmem:v3+s10+$0x0] =	vst.idx.msk vm14, v0  }
0x161: {  	v2 =	vld [tilespmem:s18+$0x30];
	_ =	sdelay $0x4  }
0x162: {  	v3 =	vmul.u32 $0x3, v2  }
0x163: {  	vm15 =	vgt.s32 v2, $0x0  }
0x164: {  	v2 =	vadd.s32 $0xFFFFFFFD, v3  }
0x165: {  	v59 =	vadd.s32 $0xFFFFFFFE, v3  }
0x166: {  	v3 =	vadd.s32 $0xFFFFFFFF, v3;
	_ =	sdelay $0x2  }
0x167: {  	[tilespmem:v2+s10+$0x0] =	vst.idx.msk vm15, v0  }
0x168: {  	[tilespmem:v59+s10+$0x0] =	vst.idx.msk vm15, v0  }
0x169: {  	[tilespmem:v3+s10+$0x0] =	vst.idx.msk vm15, v0  }
0x16a: {  	v2 =	vld [tilespmem:s18+$0x40];
	_ =	sdelay $0x4  }
0x16b: {  	v3 =	vmul.u32 $0x3, v2  }
0x16c: {  	vm4 =	vgt.s32 v2, $0x0  }
0x16d: {  	v2 =	vadd.s32 $0xFFFFFFFD, v3  }
0x16e: {  	v60 =	vadd.s32 $0xFFFFFFFE, v3  }
0x16f: {  	v3 =	vadd.s32 $0xFFFFFFFF, v3;
	_ =	sdelay $0x2  }
0x170: {  	[tilespmem:v2+s10+$0x0] =	vst.idx.msk vm4, v0  }
0x171: {  	[tilespmem:v60+s10+$0x0] =	vst.idx.msk vm4, v0  }
0x172: {  	[tilespmem:v3+s10+$0x0] =	vst.idx.msk vm4, v0  }
0x173: {  	v2 =	vld [tilespmem:s18+$0x50];
	_ =	sdelay $0x4  }
0x174: {  	v3 =	vmul.u32 $0x3, v2  }
0x175: {  	vm5 =	vgt.s32 v2, $0x0  }
0x176: {  	v2 =	vadd.s32 $0xFFFFFFFD, v3  }
0x177: {  	v61 =	vadd.s32 $0xFFFFFFFE, v3  }
0x178: {  	v3 =	vadd.s32 $0xFFFFFFFF, v3;
	_ =	sdelay $0x2  }
0x179: {  	[tilespmem:v2+s10+$0x0] =	vst.idx.msk vm5, v0  }
0x17a: {  	[tilespmem:v61+s10+$0x0] =	vst.idx.msk vm5, v0  }
0x17b: {  	[tilespmem:v3+s10+$0x0] =	vst.idx.msk vm5, v0  }
0x17c: {  	v2 =	vld [tilespmem:s18+$0x60];
	_ =	sdelay $0x4  }
0x17d: {  	v3 =	vmul.u32 $0x3, v2  }
0x17e: {  	vm6 =	vgt.s32 v2, $0x0  }
0x17f: {  	v2 =	vadd.s32 $0xFFFFFFFD, v3  }
0x180: {  	v62 =	vadd.s32 $0xFFFFFFFE, v3  }
0x181: {  	v3 =	vadd.s32 $0xFFFFFFFF, v3;
	_ =	sdelay $0x2  }
0x182: {  	[tilespmem:v2+s10+$0x0] =	vst.idx.msk vm6, v0  }
0x183: {  	[tilespmem:v62+s10+$0x0] =	vst.idx.msk vm6, v0  }
0x184: {  	[tilespmem:v3+s10+$0x0] =	vst.idx.msk vm6, v0  }
0x185: {  	v2 =	vld [tilespmem:s18+$0x70];
	_ =	sdelay $0x4  }
0x186: {  	v3 =	vmul.u32 $0x3, v2  }
0x187: {  	vm7 =	vgt.s32 v2, $0x0  }
0x188: {  	v2 =	vadd.s32 $0xFFFFFFFD, v3  }
0x189: {  	v63 =	vadd.s32 $0xFFFFFFFE, v3  }
0x18a: {  	v3 =	vadd.s32 $0xFFFFFFFF, v3;
	_ =	sdelay $0x2  }
0x18b: {  	[tilespmem:v2+s10+$0x0] =	vst.idx.msk vm7, v0  }
0x18c: {  	[tilespmem:v63+s10+$0x0] =	vst.idx.msk vm7, v0  }
0x18d: {  	[tilespmem:v3+s10+$0x0] =	vst.idx.msk vm7, v0  }
0x18e: {  	v2 =	vld [tilespmem:s18+$0x400];
	_ =	sdelay $0x4  }
0x18f: {  	v3 =	vmul.u32 $0x3, v2  }
0x190: {  	vm8 =	vgt.s32 v2, $0x0  }
0x191: {  	v2 =	vadd.s32 $0xFFFFFFFD, v3  }
0x192: {  	v8 =	vadd.s32 $0xFFFFFFFE, v3  }
0x193: {  	v3 =	vadd.s32 $0xFFFFFFFF, v3;
	_ =	sdelay $0x2  }
0x194: {  	[tilespmem:v2+s10+$0x0] =	vst.idx.msk vm8, v0  }
0x195: {  	[tilespmem:v8+s10+$0x0] =	vst.idx.msk vm8, v0  }
0x196: {  	[tilespmem:v3+s10+$0x0] =	vst.idx.msk vm8, v0  }
0x197: {  	v2 =	vld [tilespmem:s18+$0x410];
	_ =	sdelay $0x4  }
0x198: {  	v3 =	vmul.u32 $0x3, v2  }
0x199: {  	vm9 =	vgt.s32 v2, $0x0  }
0x19a: {  	v2 =	vadd.s32 $0xFFFFFFFD, v3  }
0x19b: {  	v9 =	vadd.s32 $0xFFFFFFFE, v3  }
0x19c: {  	v3 =	vadd.s32 $0xFFFFFFFF, v3;
	_ =	sdelay $0x2  }
0x19d: {  	[tilespmem:v2+s10+$0x0] =	vst.idx.msk vm9, v0  }
0x19e: {  	[tilespmem:v9+s10+$0x0] =	vst.idx.msk vm9, v0  }
0x19f: {  	[tilespmem:v3+s10+$0x0] =	vst.idx.msk vm9, v0  }
0x1a0: {  	v2 =	vld [tilespmem:s18+$0x420];
	_ =	sdelay $0x4  }
0x1a1: {  	v3 =	vmul.u32 $0x3, v2  }
0x1a2: {  	vm10 =	vgt.s32 v2, $0x0  }
0x1a3: {  	v2 =	vadd.s32 $0xFFFFFFFD, v3  }
0x1a4: {  	v10 =	vadd.s32 $0xFFFFFFFE, v3  }
0x1a5: {  	v3 =	vadd.s32 $0xFFFFFFFF, v3;
	_ =	sdelay $0x2  }
0x1a6: {  	[tilespmem:v2+s10+$0x0] =	vst.idx.msk vm10, v0  }
0x1a7: {  	[tilespmem:v10+s10+$0x0] =	vst.idx.msk vm10, v0  }
0x1a8: {  	[tilespmem:v3+s10+$0x0] =	vst.idx.msk vm10, v0  }
0x1a9: {  	v2 =	vld [tilespmem:s18+$0x430];
	_ =	sdelay $0x4  }
0x1aa: {  	v3 =	vmul.u32 $0x3, v2  }
0x1ab: {  	vm11 =	vgt.s32 v2, $0x0  }
0x1ac: {  	v2 =	vadd.s32 $0xFFFFFFFD, v3  }
0x1ad: {  	v11 =	vadd.s32 $0xFFFFFFFE, v3  }
0x1ae: {  	v3 =	vadd.s32 $0xFFFFFFFF, v3;
	_ =	sdelay $0x2  }
0x1af: {  	[tilespmem:v2+s10+$0x0] =	vst.idx.msk vm11, v0  }
0x1b0: {  	[tilespmem:v11+s10+$0x0] =	vst.idx.msk vm11, v0  }
0x1b1: {  	[tilespmem:v3+s10+$0x0] =	vst.idx.msk vm11, v0  }
0x1b2: {  	v2 =	vld [tilespmem:s18+$0x440];
	_ =	sdelay $0x4  }
0x1b3: {  	v3 =	vmul.u32 $0x3, v2  }
0x1b4: {  	vm12 =	vgt.s32 v2, $0x0  }
0x1b5: {  	v2 =	vadd.s32 $0xFFFFFFFD, v3  }
0x1b6: {  	v12 =	vadd.s32 $0xFFFFFFFE, v3  }
0x1b7: {  	v3 =	vadd.s32 $0xFFFFFFFF, v3;
	_ =	sdelay $0x2  }
0x1b8: {  	[tilespmem:v2+s10+$0x0] =	vst.idx.msk vm12, v0  }
0x1b9: {  	[tilespmem:v12+s10+$0x0] =	vst.idx.msk vm12, v0  }
0x1ba: {  	[tilespmem:v3+s10+$0x0] =	vst.idx.msk vm12, v0  }
0x1bb: {  	v2 =	vld [tilespmem:s18+$0x450];
	_ =	sdelay $0x4  }
0x1bc: {  	v3 =	vmul.u32 $0x3, v2  }
0x1bd: {  	vm13 =	vgt.s32 v2, $0x0  }
0x1be: {  	v2 =	vadd.s32 $0xFFFFFFFD, v3  }
0x1bf: {  	v13 =	vadd.s32 $0xFFFFFFFE, v3  }
0x1c0: {  	v3 =	vadd.s32 $0xFFFFFFFF, v3;
	_ =	sdelay $0x2  }
0x1c1: {  	[tilespmem:v2+s10+$0x0] =	vst.idx.msk vm13, v0  }
0x1c2: {  	[tilespmem:v13+s10+$0x0] =	vst.idx.msk vm13, v0  }
0x1c3: {  	[tilespmem:v3+s10+$0x0] =	vst.idx.msk vm13, v0  }
0x1c4: {  	v2 =	vld [tilespmem:s18+$0x460];
	_ =	sdelay $0x4  }
0x1c5: {  	v3 =	vmul.u32 $0x3, v2  }
0x1c6: {  	vm14 =	vgt.s32 v2, $0x0  }
0x1c7: {  	v2 =	vadd.s32 $0xFFFFFFFD, v3  }
0x1c8: {  	v14 =	vadd.s32 $0xFFFFFFFE, v3  }
0x1c9: {  	v3 =	vadd.s32 $0xFFFFFFFF, v3;
	_ =	sdelay $0x2  }
0x1ca: {  	[tilespmem:v2+s10+$0x0] =	vst.idx.msk vm14, v0  }
0x1cb: {  	[tilespmem:v14+s10+$0x0] =	vst.idx.msk vm14, v0  }
0x1cc: {  	[tilespmem:v3+s10+$0x0] =	vst.idx.msk vm14, v0  }
0x1cd: {  	v2 =	vld [tilespmem:s18+$0x470];
	_ =	sdelay $0x4  }
0x1ce: {  	v3 =	vmul.u32 $0x3, v2  }
0x1cf: {  	vm15 =	vgt.s32 v2, $0x0  }
0x1d0: {  	v2 =	vadd.s32 $0xFFFFFFFD, v3  }
0x1d1: {  	v15 =	vadd.s32 $0xFFFFFFFE, v3  }
0x1d2: {  	v3 =	vadd.s32 $0xFFFFFFFF, v3;
	_ =	sdelay $0x2  }
0x1d3: {  	s25 =	sadd.s32 $0x200, s19;
	[tilespmem:v2+s10+$0x0] =	vst.idx.msk vm15, v0  }
0x1d4: {  	s21 =	sand.u32 $0x300, s16;
	s26 =	sand.u32 $0x7800, s25;
	[tilespmem:v15+s10+$0x0] =	vst.idx.msk vm15, v0  }
0x1d5: {  	s22 =	sor.u32 s21, s26;
	[tilespmem:v3+s10+$0x0] =	vst.idx.msk vm15, v0  }
0x1d6: {  	v2 =	vld [tilespmem:s22+$0x0];
	_ =	sdelay $0x4  }
0x1d7: {  	v3 =	vmul.u32 $0x3, v2  }
0x1d8: {  	vm4 =	vgt.s32 v2, $0x0  }
0x1d9: {  	v2 =	vadd.s32 $0xFFFFFFFD, v3  }
0x1da: {  	v16 =	vadd.s32 $0xFFFFFFFE, v3  }
0x1db: {  	v3 =	vadd.s32 $0xFFFFFFFF, v3;
	_ =	sdelay $0x2  }
0x1dc: {  	[tilespmem:v2+s10+$0x0] =	vst.idx.msk vm4, v1  }
0x1dd: {  	[tilespmem:v16+s10+$0x0] =	vst.idx.msk vm4, v1  }
0x1de: {  	[tilespmem:v3+s10+$0x0] =	vst.idx.msk vm4, v1  }
0x1df: {  	v2 =	vld [tilespmem:s22+$0x10];
	_ =	sdelay $0x4  }
0x1e0: {  	v3 =	vmul.u32 $0x3, v2  }
0x1e1: {  	vm5 =	vgt.s32 v2, $0x0  }
0x1e2: {  	v2 =	vadd.s32 $0xFFFFFFFD, v3  }
0x1e3: {  	v17 =	vadd.s32 $0xFFFFFFFE, v3  }
0x1e4: {  	v3 =	vadd.s32 $0xFFFFFFFF, v3;
	_ =	sdelay $0x2  }
0x1e5: {  	[tilespmem:v2+s10+$0x0] =	vst.idx.msk vm5, v1  }
0x1e6: {  	[tilespmem:v17+s10+$0x0] =	vst.idx.msk vm5, v1  }
0x1e7: {  	[tilespmem:v3+s10+$0x0] =	vst.idx.msk vm5, v1  }
0x1e8: {  	v2 =	vld [tilespmem:s22+$0x20];
	_ =	sdelay $0x4  }
0x1e9: {  	v3 =	vmul.u32 $0x3, v2  }
0x1ea: {  	vm6 =	vgt.s32 v2, $0x0  }
0x1eb: {  	v2 =	vadd.s32 $0xFFFFFFFD, v3  }
0x1ec: {  	v18 =	vadd.s32 $0xFFFFFFFE, v3  }
0x1ed: {  	v3 =	vadd.s32 $0xFFFFFFFF, v3;
	_ =	sdelay $0x2  }
0x1ee: {  	[tilespmem:v2+s10+$0x0] =	vst.idx.msk vm6, v1  }
0x1ef: {  	[tilespmem:v18+s10+$0x0] =	vst.idx.msk vm6, v1  }
0x1f0: {  	[tilespmem:v3+s10+$0x0] =	vst.idx.msk vm6, v1  }
0x1f1: {  	v2 =	vld [tilespmem:s22+$0x30];
	_ =	sdelay $0x4  }
0x1f2: {  	v3 =	vmul.u32 $0x3, v2  }
0x1f3: {  	vm7 =	vgt.s32 v2, $0x0  }
0x1f4: {  	v2 =	vadd.s32 $0xFFFFFFFD, v3  }
0x1f5: {  	v19 =	vadd.s32 $0xFFFFFFFE, v3  }
0x1f6: {  	v3 =	vadd.s32 $0xFFFFFFFF, v3;
	_ =	sdelay $0x2  }
0x1f7: {  	[tilespmem:v2+s10+$0x0] =	vst.idx.msk vm7, v1  }
0x1f8: {  	[tilespmem:v19+s10+$0x0] =	vst.idx.msk vm7, v1  }
0x1f9: {  	[tilespmem:v3+s10+$0x0] =	vst.idx.msk vm7, v1  }
0x1fa: {  	v2 =	vld [tilespmem:s22+$0x40];
	_ =	sdelay $0x4  }
0x1fb: {  	v3 =	vmul.u32 $0x3, v2  }
0x1fc: {  	vm8 =	vgt.s32 v2, $0x0  }
0x1fd: {  	v2 =	vadd.s32 $0xFFFFFFFD, v3  }
0x1fe: {  	v20 =	vadd.s32 $0xFFFFFFFE, v3  }
0x1ff: {  	v3 =	vadd.s32 $0xFFFFFFFF, v3;
	_ =	sdelay $0x2  }
0x200: {  	[tilespmem:v2+s10+$0x0] =	vst.idx.msk vm8, v1  }
0x201: {  	[tilespmem:v20+s10+$0x0] =	vst.idx.msk vm8, v1  }
0x202: {  	[tilespmem:v3+s10+$0x0] =	vst.idx.msk vm8, v1  }
0x203: {  	v2 =	vld [tilespmem:s22+$0x50];
	_ =	sdelay $0x4  }
0x204: {  	v3 =	vmul.u32 $0x3, v2  }
0x205: {  	vm9 =	vgt.s32 v2, $0x0  }
0x206: {  	v2 =	vadd.s32 $0xFFFFFFFD, v3  }
0x207: {  	v21 =	vadd.s32 $0xFFFFFFFE, v3  }
0x208: {  	v3 =	vadd.s32 $0xFFFFFFFF, v3;
	_ =	sdelay $0x2  }
0x209: {  	[tilespmem:v2+s10+$0x0] =	vst.idx.msk vm9, v1  }
0x20a: {  	[tilespmem:v21+s10+$0x0] =	vst.idx.msk vm9, v1  }
0x20b: {  	[tilespmem:v3+s10+$0x0] =	vst.idx.msk vm9, v1  }
0x20c: {  	v2 =	vld [tilespmem:s22+$0x60];
	_ =	sdelay $0x4  }
0x20d: {  	v3 =	vmul.u32 $0x3, v2  }
0x20e: {  	vm10 =	vgt.s32 v2, $0x0  }
0x20f: {  	v2 =	vadd.s32 $0xFFFFFFFD, v3  }
0x210: {  	v22 =	vadd.s32 $0xFFFFFFFE, v3  }
0x211: {  	v3 =	vadd.s32 $0xFFFFFFFF, v3;
	_ =	sdelay $0x2  }
0x212: {  	[tilespmem:v2+s10+$0x0] =	vst.idx.msk vm10, v1  }
0x213: {  	[tilespmem:v22+s10+$0x0] =	vst.idx.msk vm10, v1  }
0x214: {  	[tilespmem:v3+s10+$0x0] =	vst.idx.msk vm10, v1  }
0x215: {  	v2 =	vld [tilespmem:s22+$0x70];
	_ =	sdelay $0x4  }
0x216: {  	v3 =	vmul.u32 $0x3, v2  }
0x217: {  	vm11 =	vgt.s32 v2, $0x0  }
0x218: {  	v2 =	vadd.s32 $0xFFFFFFFD, v3  }
0x219: {  	v23 =	vadd.s32 $0xFFFFFFFE, v3  }
0x21a: {  	v3 =	vadd.s32 $0xFFFFFFFF, v3;
	_ =	sdelay $0x2  }
0x21b: {  	[tilespmem:v2+s10+$0x0] =	vst.idx.msk vm11, v1  }
0x21c: {  	[tilespmem:v23+s10+$0x0] =	vst.idx.msk vm11, v1  }
0x21d: {  	[tilespmem:v3+s10+$0x0] =	vst.idx.msk vm11, v1  }
0x21e: {  	v2 =	vld [tilespmem:s22+$0x400];
	_ =	sdelay $0x4  }
0x21f: {  	v3 =	vmul.u32 $0x3, v2  }
0x220: {  	vm12 =	vgt.s32 v2, $0x0  }
0x221: {  	v2 =	vadd.s32 $0xFFFFFFFD, v3  }
0x222: {  	v24 =	vadd.s32 $0xFFFFFFFE, v3  }
0x223: {  	v3 =	vadd.s32 $0xFFFFFFFF, v3;
	_ =	sdelay $0x2  }
0x224: {  	[tilespmem:v2+s10+$0x0] =	vst.idx.msk vm12, v1  }
0x225: {  	[tilespmem:v24+s10+$0x0] =	vst.idx.msk vm12, v1  }
0x226: {  	[tilespmem:v3+s10+$0x0] =	vst.idx.msk vm12, v1  }
0x227: {  	v2 =	vld [tilespmem:s22+$0x410];
	_ =	sdelay $0x4  }
0x228: {  	v3 =	vmul.u32 $0x3, v2  }
0x229: {  	vm13 =	vgt.s32 v2, $0x0  }
0x22a: {  	v2 =	vadd.s32 $0xFFFFFFFD, v3  }
0x22b: {  	v25 =	vadd.s32 $0xFFFFFFFE, v3  }
0x22c: {  	v3 =	vadd.s32 $0xFFFFFFFF, v3;
	_ =	sdelay $0x2  }
0x22d: {  	[tilespmem:v2+s10+$0x0] =	vst.idx.msk vm13, v1  }
0x22e: {  	[tilespmem:v25+s10+$0x0] =	vst.idx.msk vm13, v1  }
0x22f: {  	[tilespmem:v3+s10+$0x0] =	vst.idx.msk vm13, v1  }
0x230: {  	v2 =	vld [tilespmem:s22+$0x420];
	_ =	sdelay $0x4  }
0x231: {  	v3 =	vmul.u32 $0x3, v2  }
0x232: {  	vm14 =	vgt.s32 v2, $0x0  }
0x233: {  	v2 =	vadd.s32 $0xFFFFFFFD, v3  }
0x234: {  	v26 =	vadd.s32 $0xFFFFFFFE, v3  }
0x235: {  	v3 =	vadd.s32 $0xFFFFFFFF, v3;
	_ =	sdelay $0x2  }
0x236: {  	[tilespmem:v2+s10+$0x0] =	vst.idx.msk vm14, v1  }
0x237: {  	[tilespmem:v26+s10+$0x0] =	vst.idx.msk vm14, v1  }
0x238: {  	[tilespmem:v3+s10+$0x0] =	vst.idx.msk vm14, v1  }
0x239: {  	v2 =	vld [tilespmem:s22+$0x430];
	_ =	sdelay $0x4  }
0x23a: {  	v3 =	vmul.u32 $0x3, v2  }
0x23b: {  	vm15 =	vgt.s32 v2, $0x0  }
0x23c: {  	v2 =	vadd.s32 $0xFFFFFFFD, v3  }
0x23d: {  	v27 =	vadd.s32 $0xFFFFFFFE, v3  }
0x23e: {  	v3 =	vadd.s32 $0xFFFFFFFF, v3;
	_ =	sdelay $0x2  }
0x23f: {  	[tilespmem:v2+s10+$0x0] =	vst.idx.msk vm15, v1  }
0x240: {  	[tilespmem:v27+s10+$0x0] =	vst.idx.msk vm15, v1  }
0x241: {  	[tilespmem:v3+s10+$0x0] =	vst.idx.msk vm15, v1  }
0x242: {  	v2 =	vld [tilespmem:s22+$0x440];
	_ =	sdelay $0x4  }
0x243: {  	v3 =	vmul.u32 $0x3, v2  }
0x244: {  	vm4 =	vgt.s32 v2, $0x0  }
0x245: {  	v2 =	vadd.s32 $0xFFFFFFFD, v3  }
0x246: {  	v28 =	vadd.s32 $0xFFFFFFFE, v3  }
0x247: {  	v3 =	vadd.s32 $0xFFFFFFFF, v3;
	_ =	sdelay $0x2  }
0x248: {  	[tilespmem:v2+s10+$0x0] =	vst.idx.msk vm4, v1  }
0x249: {  	[tilespmem:v28+s10+$0x0] =	vst.idx.msk vm4, v1  }
0x24a: {  	[tilespmem:v3+s10+$0x0] =	vst.idx.msk vm4, v1  }
0x24b: {  	v2 =	vld [tilespmem:s22+$0x450];
	_ =	sdelay $0x4  }
0x24c: {  	v3 =	vmul.u32 $0x3, v2  }
0x24d: {  	vm5 =	vgt.s32 v2, $0x0  }
0x24e: {  	v2 =	vadd.s32 $0xFFFFFFFD, v3  }
0x24f: {  	v29 =	vadd.s32 $0xFFFFFFFE, v3  }
0x250: {  	v3 =	vadd.s32 $0xFFFFFFFF, v3;
	_ =	sdelay $0x2  }
0x251: {  	[tilespmem:v2+s10+$0x0] =	vst.idx.msk vm5, v1  }
0x252: {  	[tilespmem:v29+s10+$0x0] =	vst.idx.msk vm5, v1  }
0x253: {  	[tilespmem:v3+s10+$0x0] =	vst.idx.msk vm5, v1  }
0x254: {  	v2 =	vld [tilespmem:s22+$0x460];
	_ =	sdelay $0x4  }
0x255: {  	v3 =	vmul.u32 $0x3, v2  }
0x256: {  	vm6 =	vgt.s32 v2, $0x0  }
0x257: {  	v2 =	vadd.s32 $0xFFFFFFFD, v3  }
0x258: {  	v30 =	vadd.s32 $0xFFFFFFFE, v3  }
0x259: {  	v3 =	vadd.s32 $0xFFFFFFFF, v3;
	_ =	sdelay $0x2  }
0x25a: {  	[tilespmem:v2+s10+$0x0] =	vst.idx.msk vm6, v1  }
0x25b: {  	[tilespmem:v30+s10+$0x0] =	vst.idx.msk vm6, v1  }
0x25c: {  	[tilespmem:v3+s10+$0x0] =	vst.idx.msk vm6, v1  }
0x25d: {  	v2 =	vld [tilespmem:s22+$0x470];
	_ =	sdelay $0x4  }
0x25e: {  	v3 =	vmul.u32 $0x3, v2  }
0x25f: {  	vm7 =	vgt.s32 v2, $0x0  }
0x260: {  	v2 =	vadd.s32 $0xFFFFFFFD, v3  }
0x261: {  	v31 =	vadd.s32 $0xFFFFFFFE, v3  }
0x262: {  	s28 =	sshrl.u32 s17, $0x3;
	v3 =	vadd.s32 $0xFFFFFFFF, v3  }
0x263: {  	s22 =	smul.u32 $0x18000, s28;
	_ =	sdelay $0x1  }
0x264: {  	s23 =	sor.u32 s21, s22;
	[tilespmem:v2+s10+$0x0] =	vst.idx.msk vm7, v1  }
0x265: {  	s23 =	sshrl.u32 s23, $0x3;
	[tilespmem:v31+s10+$0x0] =	vst.idx.msk vm7, v1  }
0x266: {  	s23 =	sadd.s32 s2, s23;
	[tilespmem:v3+s10+$0x0] =	vst.idx.msk vm7, v1  }
0x267: {  	[hbm4b:s23+s11] =	stream.strided.scatter [tilespmem:s10], [sflag:$0x1], $0x3000, s12, s11, $0x38;
	[tilespmem:$0xE000] =	vst v63  }
0x268: {  	s29 =	sadd.s32 $0x100, s19;
	s30 =	sadd.s32 $0xFFFFFF80, s16;
	_ =	swait.ge [sflag:s14], $0x3000  }
0x269: {  	s19 =	sand.u32 $0xFFFFF800, s29;
	s23 =	sand.u32 $0x380, s30;
	[sflag:s14] =	ssyncset.done $0x0  }
0x26a: {  	s19 =	sor.u32 s23, s19;
	[sflag:s14] =	ssyncadd.s32 $0xFFFFD000  }
0x26b: {  	v2 =	vld [tilespmem:s19+$0x0];
	_ =	sdelay $0x4  }
0x26c: {  	v3 =	vmul.u32 $0x3, v2  }
0x26d: {  	vm8 =	vgt.s32 v2, $0x0  }
0x26e: {  	v2 =	vadd.s32 $0x2FFD, v3  }
0x26f: {  	v32 =	vadd.s32 $0x2FFE, v3  }
0x270: {  	v3 =	vadd.s32 $0x2FFF, v3;
	_ =	sdelay $0x2  }
0x271: {  	[tilespmem:v2+s10+$0x0] =	vst.idx.msk vm8, v0  }
0x272: {  	[tilespmem:v32+s10+$0x0] =	vst.idx.msk vm8, v0  }
0x273: {  	[tilespmem:v3+s10+$0x0] =	vst.idx.msk vm8, v0  }
0x274: {  	v2 =	vld [tilespmem:s19+$0x10];
	_ =	sdelay $0x4  }
0x275: {  	v3 =	vmul.u32 $0x3, v2  }
0x276: {  	vm9 =	vgt.s32 v2, $0x0  }
0x277: {  	v2 =	vadd.s32 $0x2FFD, v3  }
0x278: {  	v33 =	vadd.s32 $0x2FFE, v3  }
0x279: {  	v3 =	vadd.s32 $0x2FFF, v3;
	_ =	sdelay $0x2  }
0x27a: {  	[tilespmem:v2+s10+$0x0] =	vst.idx.msk vm9, v0  }
0x27b: {  	[tilespmem:v33+s10+$0x0] =	vst.idx.msk vm9, v0  }
0x27c: {  	[tilespmem:v3+s10+$0x0] =	vst.idx.msk vm9, v0  }
0x27d: {  	v2 =	vld [tilespmem:s19+$0x20];
	_ =	sdelay $0x4  }
0x27e: {  	v3 =	vmul.u32 $0x3, v2  }
0x27f: {  	vm10 =	vgt.s32 v2, $0x0  }
0x280: {  	v2 =	vadd.s32 $0x2FFD, v3  }
0x281: {  	v34 =	vadd.s32 $0x2FFE, v3  }
0x282: {  	v3 =	vadd.s32 $0x2FFF, v3;
	_ =	sdelay $0x2  }
0x283: {  	[tilespmem:v2+s10+$0x0] =	vst.idx.msk vm10, v0  }
0x284: {  	[tilespmem:v34+s10+$0x0] =	vst.idx.msk vm10, v0  }
0x285: {  	[tilespmem:v3+s10+$0x0] =	vst.idx.msk vm10, v0  }
0x286: {  	v2 =	vld [tilespmem:s19+$0x30];
	_ =	sdelay $0x4  }
0x287: {  	v3 =	vmul.u32 $0x3, v2  }
0x288: {  	vm11 =	vgt.s32 v2, $0x0  }
0x289: {  	v2 =	vadd.s32 $0x2FFD, v3  }
0x28a: {  	v35 =	vadd.s32 $0x2FFE, v3  }
0x28b: {  	v3 =	vadd.s32 $0x2FFF, v3;
	_ =	sdelay $0x2  }
0x28c: {  	[tilespmem:v2+s10+$0x0] =	vst.idx.msk vm11, v0  }
0x28d: {  	[tilespmem:v35+s10+$0x0] =	vst.idx.msk vm11, v0  }
0x28e: {  	[tilespmem:v3+s10+$0x0] =	vst.idx.msk vm11, v0  }
0x28f: {  	v2 =	vld [tilespmem:s19+$0x40];
	_ =	sdelay $0x4  }
0x290: {  	v3 =	vmul.u32 $0x3, v2  }
0x291: {  	vm12 =	vgt.s32 v2, $0x0  }
0x292: {  	v2 =	vadd.s32 $0x2FFD, v3  }
0x293: {  	v36 =	vadd.s32 $0x2FFE, v3  }
0x294: {  	v3 =	vadd.s32 $0x2FFF, v3;
	_ =	sdelay $0x2  }
0x295: {  	[tilespmem:v2+s10+$0x0] =	vst.idx.msk vm12, v0  }
0x296: {  	[tilespmem:v36+s10+$0x0] =	vst.idx.msk vm12, v0  }
0x297: {  	[tilespmem:v3+s10+$0x0] =	vst.idx.msk vm12, v0  }
0x298: {  	v2 =	vld [tilespmem:s19+$0x50];
	_ =	sdelay $0x4  }
0x299: {  	v3 =	vmul.u32 $0x3, v2  }
0x29a: {  	vm13 =	vgt.s32 v2, $0x0  }
0x29b: {  	v2 =	vadd.s32 $0x2FFD, v3  }
0x29c: {  	v37 =	vadd.s32 $0x2FFE, v3  }
0x29d: {  	v3 =	vadd.s32 $0x2FFF, v3;
	_ =	sdelay $0x2  }
0x29e: {  	[tilespmem:v2+s10+$0x0] =	vst.idx.msk vm13, v0  }
0x29f: {  	[tilespmem:v37+s10+$0x0] =	vst.idx.msk vm13, v0  }
0x2a0: {  	[tilespmem:v3+s10+$0x0] =	vst.idx.msk vm13, v0  }
0x2a1: {  	v2 =	vld [tilespmem:s19+$0x60];
	_ =	sdelay $0x4  }
0x2a2: {  	v3 =	vmul.u32 $0x3, v2  }
0x2a3: {  	vm14 =	vgt.s32 v2, $0x0  }
0x2a4: {  	v2 =	vadd.s32 $0x2FFD, v3  }
0x2a5: {  	v38 =	vadd.s32 $0x2FFE, v3  }
0x2a6: {  	v3 =	vadd.s32 $0x2FFF, v3;
	_ =	sdelay $0x2  }
0x2a7: {  	[tilespmem:v2+s10+$0x0] =	vst.idx.msk vm14, v0  }
0x2a8: {  	[tilespmem:v38+s10+$0x0] =	vst.idx.msk vm14, v0  }
0x2a9: {  	[tilespmem:v3+s10+$0x0] =	vst.idx.msk vm14, v0  }
0x2aa: {  	v2 =	vld [tilespmem:s19+$0x70];
	_ =	sdelay $0x4  }
0x2ab: {  	v3 =	vmul.u32 $0x3, v2  }
0x2ac: {  	vm15 =	vgt.s32 v2, $0x0  }
0x2ad: {  	v2 =	vadd.s32 $0x2FFD, v3  }
0x2ae: {  	v39 =	vadd.s32 $0x2FFE, v3  }
0x2af: {  	v3 =	vadd.s32 $0x2FFF, v3;
	_ =	sdelay $0x2  }
0x2b0: {  	[tilespmem:v2+s10+$0x0] =	vst.idx.msk vm15, v0  }
0x2b1: {  	[tilespmem:v39+s10+$0x0] =	vst.idx.msk vm15, v0  }
0x2b2: {  	[tilespmem:v3+s10+$0x0] =	vst.idx.msk vm15, v0  }
0x2b3: {  	v2 =	vld [tilespmem:s19+$0x400];
	_ =	sdelay $0x4  }
0x2b4: {  	v3 =	vmul.u32 $0x3, v2  }
0x2b5: {  	vm4 =	vgt.s32 v2, $0x0  }
0x2b6: {  	v2 =	vadd.s32 $0x2FFD, v3  }
0x2b7: {  	v40 =	vadd.s32 $0x2FFE, v3  }
0x2b8: {  	v3 =	vadd.s32 $0x2FFF, v3;
	_ =	sdelay $0x2  }
0x2b9: {  	[tilespmem:v2+s10+$0x0] =	vst.idx.msk vm4, v0  }
0x2ba: {  	[tilespmem:v40+s10+$0x0] =	vst.idx.msk vm4, v0  }
0x2bb: {  	[tilespmem:v3+s10+$0x0] =	vst.idx.msk vm4, v0  }
0x2bc: {  	v2 =	vld [tilespmem:s19+$0x410];
	_ =	sdelay $0x4  }
0x2bd: {  	v3 =	vmul.u32 $0x3, v2  }
0x2be: {  	vm5 =	vgt.s32 v2, $0x0  }
0x2bf: {  	v2 =	vadd.s32 $0x2FFD, v3  }
0x2c0: {  	v41 =	vadd.s32 $0x2FFE, v3  }
0x2c1: {  	v3 =	vadd.s32 $0x2FFF, v3;
	_ =	sdelay $0x2  }
0x2c2: {  	[tilespmem:v2+s10+$0x0] =	vst.idx.msk vm5, v0  }
0x2c3: {  	[tilespmem:v41+s10+$0x0] =	vst.idx.msk vm5, v0  }
0x2c4: {  	[tilespmem:v3+s10+$0x0] =	vst.idx.msk vm5, v0  }
0x2c5: {  	v2 =	vld [tilespmem:s19+$0x420];
	_ =	sdelay $0x4  }
0x2c6: {  	v3 =	vmul.u32 $0x3, v2  }
0x2c7: {  	vm6 =	vgt.s32 v2, $0x0  }
0x2c8: {  	v2 =	vadd.s32 $0x2FFD, v3  }
0x2c9: {  	v42 =	vadd.s32 $0x2FFE, v3  }
0x2ca: {  	v3 =	vadd.s32 $0x2FFF, v3;
	_ =	sdelay $0x2  }
0x2cb: {  	[tilespmem:v2+s10+$0x0] =	vst.idx.msk vm6, v0  }
0x2cc: {  	[tilespmem:v42+s10+$0x0] =	vst.idx.msk vm6, v0  }
0x2cd: {  	[tilespmem:v3+s10+$0x0] =	vst.idx.msk vm6, v0  }
0x2ce: {  	v2 =	vld [tilespmem:s19+$0x430];
	_ =	sdelay $0x4  }
0x2cf: {  	v3 =	vmul.u32 $0x3, v2  }
0x2d0: {  	vm7 =	vgt.s32 v2, $0x0  }
0x2d1: {  	v2 =	vadd.s32 $0x2FFD, v3  }
0x2d2: {  	v43 =	vadd.s32 $0x2FFE, v3  }
0x2d3: {  	v3 =	vadd.s32 $0x2FFF, v3;
	_ =	sdelay $0x2  }
0x2d4: {  	[tilespmem:v2+s10+$0x0] =	vst.idx.msk vm7, v0  }
0x2d5: {  	[tilespmem:v43+s10+$0x0] =	vst.idx.msk vm7, v0  }
0x2d6: {  	[tilespmem:v3+s10+$0x0] =	vst.idx.msk vm7, v0  }
0x2d7: {  	v2 =	vld [tilespmem:s19+$0x440];
	_ =	sdelay $0x4  }
0x2d8: {  	v3 =	vmul.u32 $0x3, v2  }
0x2d9: {  	vm8 =	vgt.s32 v2, $0x0  }
0x2da: {  	v2 =	vadd.s32 $0x2FFD, v3  }
0x2db: {  	v44 =	vadd.s32 $0x2FFE, v3  }
0x2dc: {  	v3 =	vadd.s32 $0x2FFF, v3;
	_ =	sdelay $0x2  }
0x2dd: {  	[tilespmem:v2+s10+$0x0] =	vst.idx.msk vm8, v0  }
0x2de: {  	[tilespmem:v44+s10+$0x0] =	vst.idx.msk vm8, v0  }
0x2df: {  	[tilespmem:v3+s10+$0x0] =	vst.idx.msk vm8, v0  }
0x2e0: {  	v2 =	vld [tilespmem:s19+$0x450];
	_ =	sdelay $0x4  }
0x2e1: {  	v3 =	vmul.u32 $0x3, v2  }
0x2e2: {  	vm9 =	vgt.s32 v2, $0x0  }
0x2e3: {  	v2 =	vadd.s32 $0x2FFD, v3  }
0x2e4: {  	v45 =	vadd.s32 $0x2FFE, v3  }
0x2e5: {  	v3 =	vadd.s32 $0x2FFF, v3;
	_ =	sdelay $0x2  }
0x2e6: {  	[tilespmem:v2+s10+$0x0] =	vst.idx.msk vm9, v0  }
0x2e7: {  	[tilespmem:v45+s10+$0x0] =	vst.idx.msk vm9, v0  }
0x2e8: {  	[tilespmem:v3+s10+$0x0] =	vst.idx.msk vm9, v0  }
0x2e9: {  	v2 =	vld [tilespmem:s19+$0x460];
	_ =	sdelay $0x4  }
0x2ea: {  	v3 =	vmul.u32 $0x3, v2  }
0x2eb: {  	vm10 =	vgt.s32 v2, $0x0  }
0x2ec: {  	v2 =	vadd.s32 $0x2FFD, v3  }
0x2ed: {  	v46 =	vadd.s32 $0x2FFE, v3  }
0x2ee: {  	v3 =	vadd.s32 $0x2FFF, v3;
	_ =	sdelay $0x2  }
0x2ef: {  	[tilespmem:v2+s10+$0x0] =	vst.idx.msk vm10, v0  }
0x2f0: {  	[tilespmem:v46+s10+$0x0] =	vst.idx.msk vm10, v0  }
0x2f1: {  	[tilespmem:v3+s10+$0x0] =	vst.idx.msk vm10, v0  }
0x2f2: {  	v2 =	vld [tilespmem:s19+$0x470];
	_ =	sdelay $0x4  }
0x2f3: {  	v3 =	vmul.u32 $0x3, v2  }
0x2f4: {  	vm11 =	vgt.s32 v2, $0x0  }
0x2f5: {  	v2 =	vadd.s32 $0x2FFD, v3  }
0x2f6: {  	v47 =	vadd.s32 $0x2FFE, v3  }
0x2f7: {  	v3 =	vadd.s32 $0x2FFF, v3;
	_ =	sdelay $0x2  }
0x2f8: {  	[tilespmem:v2+s10+$0x0] =	vst.idx.msk vm11, v0  }
0x2f9: {  	s31 =	sor.u32 $0x80, s21;
	[tilespmem:v47+s10+$0x0] =	vst.idx.msk vm11, v0  }
0x2fa: {  	s20 =	sor.u32 s31, s26;
	[tilespmem:v3+s10+$0x0] =	vst.idx.msk vm11, v0  }
0x2fb: {  	v2 =	vld [tilespmem:s20+$0x0];
	_ =	sdelay $0x4  }
0x2fc: {  	v3 =	vmul.u32 $0x3, v2  }
0x2fd: {  	vm12 =	vgt.s32 v2, $0x0  }
0x2fe: {  	v2 =	vadd.s32 $0x2FFD, v3  }
0x2ff: {  	v48 =	vadd.s32 $0x2FFE, v3  }
0x300: {  	v3 =	vadd.s32 $0x2FFF, v3;
	_ =	sdelay $0x2  }
0x301: {  	[tilespmem:v2+s10+$0x0] =	vst.idx.msk vm12, v1  }
0x302: {  	[tilespmem:v48+s10+$0x0] =	vst.idx.msk vm12, v1  }
0x303: {  	[tilespmem:v3+s10+$0x0] =	vst.idx.msk vm12, v1  }
0x304: {  	v2 =	vld [tilespmem:s20+$0x10];
	_ =	sdelay $0x4  }
0x305: {  	v3 =	vmul.u32 $0x3, v2  }
0x306: {  	vm13 =	vgt.s32 v2, $0x0  }
0x307: {  	v2 =	vadd.s32 $0x2FFD, v3  }
0x308: {  	v49 =	vadd.s32 $0x2FFE, v3  }
0x309: {  	v3 =	vadd.s32 $0x2FFF, v3;
	_ =	sdelay $0x2  }
0x30a: {  	[tilespmem:v2+s10+$0x0] =	vst.idx.msk vm13, v1  }
0x30b: {  	[tilespmem:v49+s10+$0x0] =	vst.idx.msk vm13, v1  }
0x30c: {  	[tilespmem:v3+s10+$0x0] =	vst.idx.msk vm13, v1  }
0x30d: {  	v2 =	vld [tilespmem:s20+$0x20];
	_ =	sdelay $0x4  }
0x30e: {  	v3 =	vmul.u32 $0x3, v2  }
0x30f: {  	vm14 =	vgt.s32 v2, $0x0  }
0x310: {  	v2 =	vadd.s32 $0x2FFD, v3  }
0x311: {  	v50 =	vadd.s32 $0x2FFE, v3  }
0x312: {  	v3 =	vadd.s32 $0x2FFF, v3;
	_ =	sdelay $0x2  }
0x313: {  	[tilespmem:v2+s10+$0x0] =	vst.idx.msk vm14, v1  }
0x314: {  	[tilespmem:v50+s10+$0x0] =	vst.idx.msk vm14, v1  }
0x315: {  	[tilespmem:v3+s10+$0x0] =	vst.idx.msk vm14, v1  }
0x316: {  	v2 =	vld [tilespmem:s20+$0x30];
	_ =	sdelay $0x4  }
0x317: {  	v3 =	vmul.u32 $0x3, v2  }
0x318: {  	vm15 =	vgt.s32 v2, $0x0  }
0x319: {  	v2 =	vadd.s32 $0x2FFD, v3  }
0x31a: {  	v51 =	vadd.s32 $0x2FFE, v3  }
0x31b: {  	v3 =	vadd.s32 $0x2FFF, v3;
	_ =	sdelay $0x2  }
0x31c: {  	[tilespmem:v2+s10+$0x0] =	vst.idx.msk vm15, v1  }
0x31d: {  	[tilespmem:v51+s10+$0x0] =	vst.idx.msk vm15, v1  }
0x31e: {  	[tilespmem:v3+s10+$0x0] =	vst.idx.msk vm15, v1  }
0x31f: {  	v2 =	vld [tilespmem:s20+$0x40];
	_ =	sdelay $0x4  }
0x320: {  	v3 =	vmul.u32 $0x3, v2  }
0x321: {  	vm4 =	vgt.s32 v2, $0x0  }
0x322: {  	v2 =	vadd.s32 $0x2FFD, v3  }
0x323: {  	v52 =	vadd.s32 $0x2FFE, v3  }
0x324: {  	v3 =	vadd.s32 $0x2FFF, v3;
	_ =	sdelay $0x2  }
0x325: {  	[tilespmem:v2+s10+$0x0] =	vst.idx.msk vm4, v1  }
0x326: {  	[tilespmem:v52+s10+$0x0] =	vst.idx.msk vm4, v1  }
0x327: {  	[tilespmem:v3+s10+$0x0] =	vst.idx.msk vm4, v1  }
0x328: {  	v2 =	vld [tilespmem:s20+$0x50];
	_ =	sdelay $0x4  }
0x329: {  	v3 =	vmul.u32 $0x3, v2  }
0x32a: {  	vm5 =	vgt.s32 v2, $0x0  }
0x32b: {  	v2 =	vadd.s32 $0x2FFD, v3  }
0x32c: {  	v53 =	vadd.s32 $0x2FFE, v3  }
0x32d: {  	v3 =	vadd.s32 $0x2FFF, v3;
	_ =	sdelay $0x2  }
0x32e: {  	[tilespmem:v2+s10+$0x0] =	vst.idx.msk vm5, v1  }
0x32f: {  	[tilespmem:v53+s10+$0x0] =	vst.idx.msk vm5, v1  }
0x330: {  	[tilespmem:v3+s10+$0x0] =	vst.idx.msk vm5, v1  }
0x331: {  	v2 =	vld [tilespmem:s20+$0x60];
	_ =	sdelay $0x4  }
0x332: {  	v3 =	vmul.u32 $0x3, v2  }
0x333: {  	vm6 =	vgt.s32 v2, $0x0  }
0x334: {  	v2 =	vadd.s32 $0x2FFD, v3  }
0x335: {  	v54 =	vadd.s32 $0x2FFE, v3  }
0x336: {  	v3 =	vadd.s32 $0x2FFF, v3;
	_ =	sdelay $0x2  }
0x337: {  	[tilespmem:v2+s10+$0x0] =	vst.idx.msk vm6, v1  }
0x338: {  	[tilespmem:v54+s10+$0x0] =	vst.idx.msk vm6, v1  }
0x339: {  	[tilespmem:v3+s10+$0x0] =	vst.idx.msk vm6, v1  }
0x33a: {  	v2 =	vld [tilespmem:s20+$0x70];
	_ =	sdelay $0x4  }
0x33b: {  	v3 =	vmul.u32 $0x3, v2  }
0x33c: {  	vm7 =	vgt.s32 v2, $0x0  }
0x33d: {  	v2 =	vadd.s32 $0x2FFD, v3  }
0x33e: {  	v55 =	vadd.s32 $0x2FFE, v3  }
0x33f: {  	v3 =	vadd.s32 $0x2FFF, v3;
	_ =	sdelay $0x2  }
0x340: {  	[tilespmem:v2+s10+$0x0] =	vst.idx.msk vm7, v1  }
0x341: {  	[tilespmem:v55+s10+$0x0] =	vst.idx.msk vm7, v1  }
0x342: {  	[tilespmem:v3+s10+$0x0] =	vst.idx.msk vm7, v1  }
0x343: {  	v2 =	vld [tilespmem:s20+$0x400];
	_ =	sdelay $0x4  }
0x344: {  	v3 =	vmul.u32 $0x3, v2  }
0x345: {  	vm8 =	vgt.s32 v2, $0x0  }
0x346: {  	v2 =	vadd.s32 $0x2FFD, v3  }
0x347: {  	v56 =	vadd.s32 $0x2FFE, v3  }
0x348: {  	v3 =	vadd.s32 $0x2FFF, v3;
	_ =	sdelay $0x2  }
0x349: {  	[tilespmem:v2+s10+$0x0] =	vst.idx.msk vm8, v1  }
0x34a: {  	[tilespmem:v56+s10+$0x0] =	vst.idx.msk vm8, v1  }
0x34b: {  	[tilespmem:v3+s10+$0x0] =	vst.idx.msk vm8, v1  }
0x34c: {  	v2 =	vld [tilespmem:s20+$0x410];
	_ =	sdelay $0x4  }
0x34d: {  	v3 =	vmul.u32 $0x3, v2  }
0x34e: {  	vm9 =	vgt.s32 v2, $0x0  }
0x34f: {  	v2 =	vadd.s32 $0x2FFD, v3  }
0x350: {  	v57 =	vadd.s32 $0x2FFE, v3  }
0x351: {  	v3 =	vadd.s32 $0x2FFF, v3;
	_ =	sdelay $0x2  }
0x352: {  	[tilespmem:v2+s10+$0x0] =	vst.idx.msk vm9, v1  }
0x353: {  	[tilespmem:v57+s10+$0x0] =	vst.idx.msk vm9, v1  }
0x354: {  	[tilespmem:v3+s10+$0x0] =	vst.idx.msk vm9, v1  }
0x355: {  	v2 =	vld [tilespmem:s20+$0x420];
	_ =	sdelay $0x4  }
0x356: {  	v3 =	vmul.u32 $0x3, v2  }
0x357: {  	vm10 =	vgt.s32 v2, $0x0  }
0x358: {  	v2 =	vadd.s32 $0x2FFD, v3  }
0x359: {  	v58 =	vadd.s32 $0x2FFE, v3  }
0x35a: {  	v3 =	vadd.s32 $0x2FFF, v3;
	_ =	sdelay $0x2  }
0x35b: {  	[tilespmem:v2+s10+$0x0] =	vst.idx.msk vm10, v1  }
0x35c: {  	[tilespmem:v58+s10+$0x0] =	vst.idx.msk vm10, v1  }
0x35d: {  	[tilespmem:v3+s10+$0x0] =	vst.idx.msk vm10, v1  }
0x35e: {  	v2 =	vld [tilespmem:s20+$0x430];
	_ =	sdelay $0x4  }
0x35f: {  	v3 =	vmul.u32 $0x3, v2  }
0x360: {  	vm11 =	vgt.s32 v2, $0x0  }
0x361: {  	v2 =	vadd.s32 $0x2FFD, v3  }
0x362: {  	v59 =	vadd.s32 $0x2FFE, v3  }
0x363: {  	v3 =	vadd.s32 $0x2FFF, v3;
	_ =	sdelay $0x2  }
0x364: {  	[tilespmem:v2+s10+$0x0] =	vst.idx.msk vm11, v1  }
0x365: {  	[tilespmem:v59+s10+$0x0] =	vst.idx.msk vm11, v1  }
0x366: {  	[tilespmem:v3+s10+$0x0] =	vst.idx.msk vm11, v1  }
0x367: {  	v2 =	vld [tilespmem:s20+$0x440];
	_ =	sdelay $0x4  }
0x368: {  	v3 =	vmul.u32 $0x3, v2  }
0x369: {  	vm12 =	vgt.s32 v2, $0x0  }
0x36a: {  	v2 =	vadd.s32 $0x2FFD, v3  }
0x36b: {  	v60 =	vadd.s32 $0x2FFE, v3  }
0x36c: {  	v3 =	vadd.s32 $0x2FFF, v3;
	_ =	sdelay $0x2  }
0x36d: {  	[tilespmem:v2+s10+$0x0] =	vst.idx.msk vm12, v1  }
0x36e: {  	[tilespmem:v60+s10+$0x0] =	vst.idx.msk vm12, v1  }
0x36f: {  	[tilespmem:v3+s10+$0x0] =	vst.idx.msk vm12, v1  }
0x370: {  	v2 =	vld [tilespmem:s20+$0x450];
	_ =	sdelay $0x4  }
0x371: {  	v3 =	vmul.u32 $0x3, v2  }
0x372: {  	vm13 =	vgt.s32 v2, $0x0  }
0x373: {  	v2 =	vadd.s32 $0x2FFD, v3  }
0x374: {  	v61 =	vadd.s32 $0x2FFE, v3  }
0x375: {  	v3 =	vadd.s32 $0x2FFF, v3;
	_ =	sdelay $0x2  }
0x376: {  	[tilespmem:v2+s10+$0x0] =	vst.idx.msk vm13, v1  }
0x377: {  	[tilespmem:v61+s10+$0x0] =	vst.idx.msk vm13, v1  }
0x378: {  	[tilespmem:v3+s10+$0x0] =	vst.idx.msk vm13, v1  }
0x379: {  	v2 =	vld [tilespmem:s20+$0x460];
	_ =	sdelay $0x4  }
0x37a: {  	v3 =	vmul.u32 $0x3, v2  }
0x37b: {  	vm14 =	vgt.s32 v2, $0x0  }
0x37c: {  	v2 =	vadd.s32 $0x2FFD, v3  }
0x37d: {  	v62 =	vadd.s32 $0x2FFE, v3  }
0x37e: {  	v3 =	vadd.s32 $0x2FFF, v3;
	_ =	sdelay $0x2  }
0x37f: {  	[tilespmem:v2+s10+$0x0] =	vst.idx.msk vm14, v1  }
0x380: {  	[tilespmem:v62+s10+$0x0] =	vst.idx.msk vm14, v1  }
0x381: {  	[tilespmem:v3+s10+$0x0] =	vst.idx.msk vm14, v1  }
0x382: {  	v2 =	vld [tilespmem:s20+$0x470];
	_ =	sdelay $0x4  }
0x383: {  	v3 =	vmul.u32 $0x3, v2  }
0x384: {  	vm15 =	vgt.s32 v2, $0x0  }
0x385: {  	v2 =	vadd.s32 $0x2FFD, v3  }
0x386: {  	v63 =	vadd.s32 $0x2FFE, v3  }
0x387: {  	v3 =	vadd.s32 $0x2FFF, v3;
	_ =	sdelay $0x1  }
0x388: {  	p0 =	sne.s32 s16, $0x3F00  }
.Ltmp1:
0x389: {  	s19 =	sor.u32 s31, s22;
	[tilespmem:v2+s10+$0x0] =	vst.idx.msk vm15, v1;
	(pc) =	sbr.rel @p0 .LBB2_4-.Ltmp1, $4  }
0x38a: {  	s19 =	sshrl.u32 s19, $0x3;
	[tilespmem:v63+s10+$0x0] =	vst.idx.msk vm15, v1  }
0x38b: {  	s19 =	sadd.s32 s2, s19;
	[tilespmem:v3+s10+$0x0] =	vst.idx.msk vm15, v1  }
0x38c: {  	[hbm4b:s19+s11] =	stream.strided.scatter [tilespmem:s13], [sflag:$0x2], $0x3000, s12, s11, $0x38;
	[tilespmem:$0xE000] =	vst v63  }
0x38d: {  	s17 =	sadd.s32 $0x2, s17;
	s16 =	sadd.s32 $0x100, s16;
	s19 =	smov.u32 s25  }
0x38e: {  	s15 =	sadd.s32 $0x1, s15  }
0x38f: {  	_ =	swait.ge [sflag:s9], $0x3000;
	p0 =	sne.s32 s15, s7  }
.Ltmp2:
0x390: {  	[sflag:s9] =	ssyncset.done $0x0;
	(pc) =	sbr.rel @p0 .LBB2_1-.Ltmp2, $4  }
0x391: {  	[sflag:s9] =	ssyncadd.s32 $0xFFFFD000  }
0x392: {  	_ =	swait.ge [sflag:s14], $0x3000  }
0x393: {  	[sflag:s14] =	ssyncset.done $0x0  }
0x394: {  	[sflag:s14] =	ssyncadd.s32 $0xFFFFD000  }
0x395: {  	_ =	sfence.sel $0x180000  }
0x396: {  	[bflag:$0x0] =	sbarrier.arrive $0xFFFF  }
0x397: {  	p0 =	sne.s32 s0, $0x0;
	_ =	strace $0x90000047  }
0x398: {  	s0 =	sadd.s32 @!p0 $0x100000, s1;
	[bflag:$0x2] =	sbarrier.arrive $0xFFFF  }
0x399: {  	[sflag:s0] =	ssyncadd.tile.s32 @!p0 $0x1;
	_ =	shalt  }
.Lfunc_end2:
_tile_overlayer_lowered:
.L_overlay_start_2:
0x39a: {  	(tag) =	ssettag $0x2  }
0x39b: {  	s0 =	rddreg [dreg:$0x0];
	s2 =	stileid.u32  }
0x39c: {  	s1 =	rddreg [dreg:$0x1];
	p0 =	sne.s32 s2, $0x0  }
0x39d: {  	s3 =	rddreg [dreg:$0x2];
	[bflag:$0x3] =	sbarrier.arrive $0xFFFF;
	s2 =	simm.s32 @!p0 $0x1C03  }
0x39e: {  	[timem:s3], [sflag:s2] =	dma.local @!p0 [hbm:s0], s1  }
0x39f: {  	s0 =	simm.s32 @!p0 $0x3  }
0x3a0: {  	_ =	swait.ge @!p0 [sflag:s0], s1  }
0x3a1: {  	s1 =	ssub.s32 @!p0 $0x0, s1;
	[sflag:s0] =	ssyncset.done @!p0 $0x0  }
0x3a2: {  	[sflag:s0] =	ssyncadd.s32 @!p0 s1  }
0x3a3: {  	[bflag:$0x3] =	sbarrier.arrive $0xFFFF  }
0x3a4: {  	_ =	shalt  }

</sc_bundles>
